<compile_context>
chip_gen: v7x
topology: tpu7x:2x2x1
jax: 0.10.2.dev20260603
libtpu: 0.0.44.dev20260713+nightly
codegen_flags: <defaults>
</compile_context>

<pallas_src>
import functools

import jax
import jax.numpy as jnp
from jax import lax
from jax.experimental import pallas as pl
from jax.experimental.pallas import tpu as pltpu
from jax.experimental.pallas import tpu_sc as plsc

N = 10000
D = 128
E = 320000
NC = 2
NS = 16
NW = NC * NS
CHUNK = 128
K = 79
EP = NW * K * CHUNK
N_PAD = 10240
RPT = N_PAD // NS
RB = RPT // CHUNK


def _mesh():
    return plsc.VectorSubcoreMesh(core_axis_name="c", subcore_axis_name="s")


def _sc_scatter(hp, src_r, dst_r, zeros_row):
    @functools.partial(
        pl.kernel,
        out_type=jax.ShapeDtypeStruct((NC, N_PAD, D), jnp.float32),
        mesh=_mesh(),
        scratch_types=[
            pltpu.VMEM((K, CHUNK), jnp.int32),
            pltpu.VMEM((K, CHUNK), jnp.int32),
            pltpu.VMEM((CHUNK, D), jnp.float32),
            pltpu.VMEM_SHARED((N_PAD, D), jnp.float32),
            pltpu.SemaphoreType.DMA,
        ],
    )
    def scat_k(h_hbm, src_hbm, dst_hbm, zeros_hbm, out_hbm,
               src_v, dst_v, rows_v, acc_sh, sem):
        c = lax.axis_index("c")
        s = lax.axis_index("s")
        wid = c * NS + s
        pltpu.sync_copy(src_hbm.at[wid], src_v)
        pltpu.sync_copy(dst_hbm.at[wid], dst_v)
        pltpu.sync_copy(zeros_hbm, rows_v)
        for j in range(RB):
            pltpu.sync_copy(rows_v,
                            acc_sh.at[pl.ds(s * RPT + j * CHUNK, CHUNK)])
        plsc.subcore_barrier()

        def body(k, carry):
            pltpu.async_copy(h_hbm.at[src_v.at[k]], rows_v, sem).wait()
            pltpu.sync_copy(rows_v, acc_sh.at[dst_v.at[k]], add=True)
            return carry

        lax.fori_loop(0, K, body, 0)
        plsc.subcore_barrier()
        for j in range(RB):
            pltpu.sync_copy(acc_sh.at[pl.ds(s * RPT + j * CHUNK, CHUNK)],
                            out_hbm.at[c, pl.ds(s * RPT + j * CHUNK, CHUNK)])

    return scat_k(hp, src_r, dst_r, zeros_row)


def _sc_deg(dst_r, ones_row, zeros_row):
    @functools.partial(
        pl.kernel,
        out_type=jax.ShapeDtypeStruct((NC, N_PAD, D), jnp.float32),
        mesh=_mesh(),
        scratch_types=[
            pltpu.VMEM((K, CHUNK), jnp.int32),
            pltpu.VMEM((CHUNK, D), jnp.float32),
            pltpu.VMEM_SHARED((N_PAD, D), jnp.float32),
        ],
    )
    def deg_k(dst_hbm, ones_hbm, zeros_hbm, out_hbm,
              dst_v, ones_v, acc_sh):
        c = lax.axis_index("c")
        s = lax.axis_index("s")
        wid = c * NS + s
        pltpu.sync_copy(dst_hbm.at[wid], dst_v)
        pltpu.sync_copy(ones_hbm, ones_v)
        for j in range(RB):
            pltpu.sync_copy(zeros_hbm,
                            acc_sh.at[pl.ds(s * RPT + j * CHUNK, CHUNK)])
        plsc.subcore_barrier()

        def body(k, carry):
            pltpu.sync_copy(ones_v, acc_sh.at[dst_v.at[k]], add=True)
            return carry

        lax.fori_loop(0, K, body, 0)
        plsc.subcore_barrier()
        for j in range(RB):
            pltpu.sync_copy(acc_sh.at[pl.ds(s * RPT + j * CHUNK, CHUNK)],
                            out_hbm.at[c, pl.ds(s * RPT + j * CHUNK, CHUNK)])

    return deg_k(dst_r, ones_row, zeros_row)

def _tc_pre_body(deg_ref, x_ref, w_ref, dis_ref, hp_ref):
    d = deg_ref[0, :N, 0:1] + deg_ref[1, :N, 0:1] + 1.0
    dis = lax.rsqrt(d)
    dis_ref[...] = dis
    hp_ref[...] = jnp.dot(x_ref[...], w_ref[...],
                          preferred_element_type=jnp.float32) * dis


def _tc_pre(deg_parts, x, W1):
    return pl.pallas_call(
        _tc_pre_body,
        out_shape=(
            jax.ShapeDtypeStruct((N, 1), jnp.float32),
            jax.ShapeDtypeStruct((N, D), jnp.float32),
        ),
    )(deg_parts, x, W1)


def _tc_mid_body(s_ref, hp_ref, dis_ref, b_ref, w_ref, out_ref):
    t = s_ref[0, :N, :] + s_ref[1, :N, :] + hp_ref[...]
    t = t * dis_ref[...] + b_ref[...]
    h = jnp.maximum(t, 0.0)
    out_ref[...] = jnp.dot(h, w_ref[...],
                           preferred_element_type=jnp.float32) * dis_ref[...]


def _tc_mid(s_parts, hp, dis, b, Wn):
    return pl.pallas_call(
        _tc_mid_body,
        out_shape=jax.ShapeDtypeStruct((N, D), jnp.float32),
    )(s_parts, hp, dis, b, Wn)


def _tc_fin_body(s_ref, hp_ref, dis_ref, b_ref, out_ref):
    t = s_ref[0, :N, :] + s_ref[1, :N, :] + hp_ref[...]
    out_ref[...] = t * dis_ref[...] + b_ref[...]


def _tc_fin(s_parts, hp, dis, b):
    return pl.pallas_call(
        _tc_fin_body,
        out_shape=jax.ShapeDtypeStruct((N, D), jnp.float32),
    )(s_parts, hp, dis, b)


def kernel(x, edge_index, W1, b1, W2, b2, W3, b3):
    src = edge_index[0].astype(jnp.int32)
    dst = edge_index[1].astype(jnp.int32)
    pad = EP - E
    ar = jnp.arange(pad, dtype=jnp.int32)
    src_p = jnp.concatenate([src, ar % N])
    dst_p = jnp.concatenate([dst, N + ar % (N_PAD - N)])
    src_r = src_p.reshape(NW, K, CHUNK)
    dst_r = dst_p.reshape(NW, K, CHUNK)

    zeros_row = jnp.zeros((CHUNK, D), jnp.float32)

    ones_row = jnp.ones((CHUNK, D), jnp.float32)
    deg_parts = _sc_deg(dst_r, ones_row, zeros_row)
    dis, h1p = _tc_pre(deg_parts, x, W1)
    s1 = _sc_scatter(h1p, src_r, dst_r, zeros_row)
    h2p = _tc_mid(s1, h1p, dis, b1.reshape(1, D), W2)
    s2 = _sc_scatter(h2p, src_r, dst_r, zeros_row)
    h3p = _tc_mid(s2, h2p, dis, b2.reshape(1, D), W3)
    s3 = _sc_scatter(h3p, src_r, dst_r, zeros_row)
    z = _tc_fin(s3, h3p, dis, b3.reshape(1, D))
    return z

# --- scband reference (transcript-rebuilt; emitter-appended) ---
"""Pipeline reference for scband-gcn-21285857919396 (READ-ONLY COPY).

The authoritative reference and input builder live on the scoring server;
editing this copy changes nothing except your own understanding.
"""

import jax, jax.numpy as jnp
import numpy as np

N_NODES = 10000
N_EDGES = 320000
D_IN = 128
D_HID = 128


def gcn_conv(x, edge_index, W, b):
    # Faithful port of torch_geometric GCNConv (add_self_loops=True, normalize=True):
    # out = D^{-1/2} (A + I) D^{-1/2} (x @ W) + b
    n = x.shape[0]
    loop = jnp.arange(n, dtype=edge_index.dtype)
    src = jnp.concatenate([edge_index[0], loop])
    dst = jnp.concatenate([edge_index[1], loop])
    deg = jnp.zeros((n,), dtype=x.dtype).at[dst].add(1.0)
    deg_inv_sqrt = jnp.where(deg > 0, deg ** -0.5, 0.0)
    norm = deg_inv_sqrt[src] * deg_inv_sqrt[dst]
    h = x @ W
    msg = h[src] * norm[:, None]
    out = jax.ops.segment_sum(msg, dst, num_segments=n)
    return out + b


def setup_inputs(seed: int = 0) -> dict:
    key = jax.random.key(seed)
    ks = jax.random.split(key, 8)
    x = jax.random.normal(ks[0], (N_NODES, D_IN), dtype=jnp.float32)
    edge_index = jax.random.randint(ks[1], (2, N_EDGES), 0, N_NODES, dtype=jnp.int64)
    W1 = jax.random.normal(ks[2], (D_IN, D_HID), dtype=jnp.float32) * 0.05
    b1 = jnp.zeros((D_HID,), dtype=jnp.float32)
    W2 = jax.random.normal(ks[3], (D_HID, D_HID), dtype=jnp.float32) * 0.05
    b2 = jnp.zeros((D_HID,), dtype=jnp.float32)
    W3 = jax.random.normal(ks[4], (D_HID, D_HID), dtype=jnp.float32) * 0.05
    b3 = jnp.zeros((D_HID,), dtype=jnp.float32)
    return {"x": x, "edge_index": edge_index, "W1": W1, "b1": b1, "W2": W2, "b2": b2, "W3": W3, "b3": b3}


def reference(x, edge_index, W1, b1, W2, b2, W3, b3):
    # forward(data): data has no train_pos_edge_index, so both branches call
    # encode(x, edge_index); the returned value is the node embeddings z.
    h = jax.nn.relu(gcn_conv(x, edge_index, W1, b1))
    h = jax.nn.relu(gcn_conv(h, edge_index, W2, b2))
    z = gcn_conv(h, edge_index, W3, b3)
    return z

if __name__ == "__main__":
    import jax
    _d = setup_inputs()
    print(jax.jit(kernel)(*tuple(_d.values())))

</pallas_src>

<mosaic_0001>
#map = affine_map<(d0, d1) -> (0, 0)>
#map1 = affine_map<(d0, d1) -> (0, 0, 0)>
module attributes {stable_mosaic.version = 14 : i64} {
  func.func @scat_k(%arg0: i32, %arg1: i32, %arg2: memref<10000x128xf32, #tpu.memory_space<hbm>>, %arg3: memref<32x79x128xi32, #tpu.memory_space<hbm>>, %arg4: memref<32x79x128xi32, #tpu.memory_space<hbm>>, %arg5: memref<128x128xf32, #tpu.memory_space<hbm>>, %arg6: memref<2x10240x128xf32, #tpu.memory_space<hbm>>, %arg7: memref<79x128xi32, #tpu.memory_space<vmem>>, %arg8: memref<79x128xi32, #tpu.memory_space<vmem>>, %arg9: memref<128x128xf32, #tpu.memory_space<vmem>>, %arg10: memref<10240x128xf32, #tpu.memory_space<vmem_shared>>, %arg11: memref<!tpu.dma_semaphore, #tpu.memory_space<semaphore_mem>>) attributes {dimension_semantics = [#tpu.dimension_semantics<core_parallel>, #tpu.dimension_semantics<subcore_parallel>], iteration_bounds = array<i64: 2, 16>, scalar_prefetch = 0 : i64, scratch_operands = 5 : i64, tpu.core_type = #tpu.core_type<sc_vector_subcore>, window_params = [{transform_indices = #map}, {transform_indices = #map1}, {transform_indices = #map1}, {transform_indices = #map}, {transform_indices = #map1}]} {
    %mul3A = arith.constant 16 : i32
    %mul3A_0 = arith.muli %arg0, %mul3A : i32
    %add3A = arith.addi %mul3A_0, %arg1 : i32
    "tpu.region"() ({
      %run_scoped3A = tpu.sem_alloc : memref<!tpu.dma_semaphore, #tpu.memory_space<semaphore_mem>>
      %dma_start3A = arith.constant 0 : i32
      %dma_start3A_67 = arith.constant 0 : i32
      %dma_start3A_68 = tpu.memref_slice %arg3[%add3A, %dma_start3A, %dma_start3A_67] : memref<32x79x128xi32, #tpu.memory_space<hbm>> -> memref<1x79x128xi32, #tpu.memory_space<hbm>>
      %dma_start3A_69 = tpu.memref_squeeze %dma_start3A_68 : memref<1x79x128xi32, #tpu.memory_space<hbm>> -> memref<79x128xi32, #tpu.memory_space<hbm>>
      %dma_start3A_70 = arith.constant 0 : i32
      %dma_start3A_71 = arith.constant 0 : i32
      %dma_start3A_72 = tpu.memref_slice %arg3[%add3A, %dma_start3A_70, %dma_start3A_71] : memref<32x79x128xi32, #tpu.memory_space<hbm>> -> memref<1x79x128xi32, #tpu.memory_space<hbm>>
      %dma_start3A_73 = tpu.memref_squeeze %dma_start3A_72 : memref<1x79x128xi32, #tpu.memory_space<hbm>> -> memref<79x128xi32, #tpu.memory_space<hbm>>
      tpu.enqueue_dma source(%dma_start3A_73 : memref<79x128xi32, #tpu.memory_space<hbm>>) target(%arg7 : memref<79x128xi32, #tpu.memory_space<vmem>>) target_semaphore(%run_scoped3A : memref<!tpu.dma_semaphore, #tpu.memory_space<semaphore_mem>>)
      %dma_wait3A = arith.constant 0 : i32
      %dma_wait3A_74 = arith.constant 0 : i32
      %dma_wait3A_75 = tpu.memref_slice %arg3[%add3A, %dma_wait3A, %dma_wait3A_74] : memref<32x79x128xi32, #tpu.memory_space<hbm>> -> memref<1x79x128xi32, #tpu.memory_space<hbm>>
      %dma_wait3A_76 = tpu.memref_squeeze %dma_wait3A_75 : memref<1x79x128xi32, #tpu.memory_space<hbm>> -> memref<79x128xi32, #tpu.memory_space<hbm>>
      %dma_wait3A_77 = arith.constant 0 : i32
      %dma_wait3A_78 = arith.constant 0 : i32
      %dma_wait3A_79 = tpu.memref_slice %arg3[%add3A, %dma_wait3A_77, %dma_wait3A_78] : memref<32x79x128xi32, #tpu.memory_space<hbm>> -> memref<1x79x128xi32, #tpu.memory_space<hbm>>
      %dma_wait3A_80 = tpu.memref_squeeze %dma_wait3A_79 : memref<1x79x128xi32, #tpu.memory_space<hbm>> -> memref<79x128xi32, #tpu.memory_space<hbm>>
      tpu.wait_dma2 semaphore(%run_scoped3A : memref<!tpu.dma_semaphore, #tpu.memory_space<semaphore_mem>>) src(%dma_wait3A_80 : memref<79x128xi32, #tpu.memory_space<hbm>>) dst(%arg7 : memref<79x128xi32, #tpu.memory_space<vmem>>)
      tpu.yield
    }) : () -> ()
    "tpu.region"() ({
      %run_scoped3A = tpu.sem_alloc : memref<!tpu.dma_semaphore, #tpu.memory_space<semaphore_mem>>
      %dma_start3A = arith.constant 0 : i32
      %dma_start3A_67 = arith.constant 0 : i32
      %dma_start3A_68 = tpu.memref_slice %arg4[%add3A, %dma_start3A, %dma_start3A_67] : memref<32x79x128xi32, #tpu.memory_space<hbm>> -> memref<1x79x128xi32, #tpu.memory_space<hbm>>
      %dma_start3A_69 = tpu.memref_squeeze %dma_start3A_68 : memref<1x79x128xi32, #tpu.memory_space<hbm>> -> memref<79x128xi32, #tpu.memory_space<hbm>>
      %dma_start3A_70 = arith.constant 0 : i32
      %dma_start3A_71 = arith.constant 0 : i32
      %dma_start3A_72 = tpu.memref_slice %arg4[%add3A, %dma_start3A_70, %dma_start3A_71] : memref<32x79x128xi32, #tpu.memory_space<hbm>> -> memref<1x79x128xi32, #tpu.memory_space<hbm>>
      %dma_start3A_73 = tpu.memref_squeeze %dma_start3A_72 : memref<1x79x128xi32, #tpu.memory_space<hbm>> -> memref<79x128xi32, #tpu.memory_space<hbm>>
      tpu.enqueue_dma source(%dma_start3A_73 : memref<79x128xi32, #tpu.memory_space<hbm>>) target(%arg8 : memref<79x128xi32, #tpu.memory_space<vmem>>) target_semaphore(%run_scoped3A : memref<!tpu.dma_semaphore, #tpu.memory_space<semaphore_mem>>)
      %dma_wait3A = arith.constant 0 : i32
      %dma_wait3A_74 = arith.constant 0 : i32
      %dma_wait3A_75 = tpu.memref_slice %arg4[%add3A, %dma_wait3A, %dma_wait3A_74] : memref<32x79x128xi32, #tpu.memory_space<hbm>> -> memref<1x79x128xi32, #tpu.memory_space<hbm>>
      %dma_wait3A_76 = tpu.memref_squeeze %dma_wait3A_75 : memref<1x79x128xi32, #tpu.memory_space<hbm>> -> memref<79x128xi32, #tpu.memory_space<hbm>>
      %dma_wait3A_77 = arith.constant 0 : i32
      %dma_wait3A_78 = arith.constant 0 : i32
      %dma_wait3A_79 = tpu.memref_slice %arg4[%add3A, %dma_wait3A_77, %dma_wait3A_78] : memref<32x79x128xi32, #tpu.memory_space<hbm>> -> memref<1x79x128xi32, #tpu.memory_space<hbm>>
      %dma_wait3A_80 = tpu.memref_squeeze %dma_wait3A_79 : memref<1x79x128xi32, #tpu.memory_space<hbm>> -> memref<79x128xi32, #tpu.memory_space<hbm>>
      tpu.wait_dma2 semaphore(%run_scoped3A : memref<!tpu.dma_semaphore, #tpu.memory_space<semaphore_mem>>) src(%dma_wait3A_80 : memref<79x128xi32, #tpu.memory_space<hbm>>) dst(%arg8 : memref<79x128xi32, #tpu.memory_space<vmem>>)
      tpu.yield
    }) : () -> ()
    "tpu.region"() ({
      %run_scoped3A = tpu.sem_alloc : memref<!tpu.dma_semaphore, #tpu.memory_space<semaphore_mem>>
      tpu.enqueue_dma source(%arg5 : memref<128x128xf32, #tpu.memory_space<hbm>>) target(%arg9 : memref<128x128xf32, #tpu.memory_space<vmem>>) target_semaphore(%run_scoped3A : memref<!tpu.dma_semaphore, #tpu.memory_space<semaphore_mem>>)
      tpu.wait_dma2 semaphore(%run_scoped3A : memref<!tpu.dma_semaphore, #tpu.memory_space<semaphore_mem>>) src(%arg5 : memref<128x128xf32, #tpu.memory_space<hbm>>) dst(%arg9 : memref<128x128xf32, #tpu.memory_space<vmem>>)
      tpu.yield
    }) : () -> ()
    %mul3A_1 = arith.constant 640 : i32
    %mul3A_2 = arith.muli %arg1, %mul3A_1 : i32
    %add3A_3 = arith.constant 0 : i32
    %add3A_4 = arith.addi %mul3A_2, %add3A_3 : i32
    "tpu.region"() ({
      %run_scoped3A = tpu.sem_alloc : memref<!tpu.dma_semaphore, #tpu.memory_space<semaphore_mem>>
      %dma_start3A = arith.constant 0 : i32
      %dma_start3A_67 = tpu.memref_slice %arg10[%add3A_4, %dma_start3A] : memref<10240x128xf32, #tpu.memory_space<vmem_shared>> -> memref<128x128xf32, #tpu.memory_space<vmem_shared>>
      %dma_start3A_68 = arith.constant 0 : i32
      %dma_start3A_69 = tpu.memref_slice %arg10[%add3A_4, %dma_start3A_68] : memref<10240x128xf32, #tpu.memory_space<vmem_shared>> -> memref<128x128xf32, #tpu.memory_space<vmem_shared>>
      tpu.enqueue_dma source(%arg9 : memref<128x128xf32, #tpu.memory_space<vmem>>) target(%dma_start3A_69 : memref<128x128xf32, #tpu.memory_space<vmem_shared>>) target_semaphore(%run_scoped3A : memref<!tpu.dma_semaphore, #tpu.memory_space<semaphore_mem>>)
      %dma_wait3A = arith.constant 0 : i32
      %dma_wait3A_70 = tpu.memref_slice %arg10[%add3A_4, %dma_wait3A] : memref<10240x128xf32, #tpu.memory_space<vmem_shared>> -> memref<128x128xf32, #tpu.memory_space<vmem_shared>>
      %dma_wait3A_71 = arith.constant 0 : i32
      %dma_wait3A_72 = tpu.memref_slice %arg10[%add3A_4, %dma_wait3A_71] : memref<10240x128xf32, #tpu.memory_space<vmem_shared>> -> memref<128x128xf32, #tpu.memory_space<vmem_shared>>
      tpu.wait_dma2 semaphore(%run_scoped3A : memref<!tpu.dma_semaphore, #tpu.memory_space<semaphore_mem>>) src(%arg9 : memref<128x128xf32, #tpu.memory_space<vmem>>) dst(%dma_wait3A_72 : memref<128x128xf32, #tpu.memory_space<vmem_shared>>)
      tpu.yield
    }) : () -> ()
    %mul3A_5 = arith.constant 640 : i32
    %mul3A_6 = arith.muli %arg1, %mul3A_5 : i32
    %add3A_7 = arith.constant 128 : i32
    %add3A_8 = arith.addi %mul3A_6, %add3A_7 : i32
    "tpu.region"() ({
      %run_scoped3A = tpu.sem_alloc : memref<!tpu.dma_semaphore, #tpu.memory_space<semaphore_mem>>
      %dma_start3A = arith.constant 0 : i32
      %dma_start3A_67 = tpu.memref_slice %arg10[%add3A_8, %dma_start3A] : memref<10240x128xf32, #tpu.memory_space<vmem_shared>> -> memref<128x128xf32, #tpu.memory_space<vmem_shared>>
      %dma_start3A_68 = arith.constant 0 : i32
      %dma_start3A_69 = tpu.memref_slice %arg10[%add3A_8, %dma_start3A_68] : memref<10240x128xf32, #tpu.memory_space<vmem_shared>> -> memref<128x128xf32, #tpu.memory_space<vmem_shared>>
      tpu.enqueue_dma source(%arg9 : memref<128x128xf32, #tpu.memory_space<vmem>>) target(%dma_start3A_69 : memref<128x128xf32, #tpu.memory_space<vmem_shared>>) target_semaphore(%run_scoped3A : memref<!tpu.dma_semaphore, #tpu.memory_space<semaphore_mem>>)
      %dma_wait3A = arith.constant 0 : i32
      %dma_wait3A_70 = tpu.memref_slice %arg10[%add3A_8, %dma_wait3A] : memref<10240x128xf32, #tpu.memory_space<vmem_shared>> -> memref<128x128xf32, #tpu.memory_space<vmem_shared>>
      %dma_wait3A_71 = arith.constant 0 : i32
      %dma_wait3A_72 = tpu.memref_slice %arg10[%add3A_8, %dma_wait3A_71] : memref<10240x128xf32, #tpu.memory_space<vmem_shared>> -> memref<128x128xf32, #tpu.memory_space<vmem_shared>>
      tpu.wait_dma2 semaphore(%run_scoped3A : memref<!tpu.dma_semaphore, #tpu.memory_space<semaphore_mem>>) src(%arg9 : memref<128x128xf32, #tpu.memory_space<vmem>>) dst(%dma_wait3A_72 : memref<128x128xf32, #tpu.memory_space<vmem_shared>>)
      tpu.yield
    }) : () -> ()
    %mul3A_9 = arith.constant 640 : i32
    %mul3A_10 = arith.muli %arg1, %mul3A_9 : i32
    %add3A_11 = arith.constant 256 : i32
    %add3A_12 = arith.addi %mul3A_10, %add3A_11 : i32
    "tpu.region"() ({
      %run_scoped3A = tpu.sem_alloc : memref<!tpu.dma_semaphore, #tpu.memory_space<semaphore_mem>>
      %dma_start3A = arith.constant 0 : i32
      %dma_start3A_67 = tpu.memref_slice %arg10[%add3A_12, %dma_start3A] : memref<10240x128xf32, #tpu.memory_space<vmem_shared>> -> memref<128x128xf32, #tpu.memory_space<vmem_shared>>
      %dma_start3A_68 = arith.constant 0 : i32
      %dma_start3A_69 = tpu.memref_slice %arg10[%add3A_12, %dma_start3A_68] : memref<10240x128xf32, #tpu.memory_space<vmem_shared>> -> memref<128x128xf32, #tpu.memory_space<vmem_shared>>
      tpu.enqueue_dma source(%arg9 : memref<128x128xf32, #tpu.memory_space<vmem>>) target(%dma_start3A_69 : memref<128x128xf32, #tpu.memory_space<vmem_shared>>) target_semaphore(%run_scoped3A : memref<!tpu.dma_semaphore, #tpu.memory_space<semaphore_mem>>)
      %dma_wait3A = arith.constant 0 : i32
      %dma_wait3A_70 = tpu.memref_slice %arg10[%add3A_12, %dma_wait3A] : memref<10240x128xf32, #tpu.memory_space<vmem_shared>> -> memref<128x128xf32, #tpu.memory_space<vmem_shared>>
      %dma_wait3A_71 = arith.constant 0 : i32
      %dma_wait3A_72 = tpu.memref_slice %arg10[%add3A_12, %dma_wait3A_71] : memref<10240x128xf32, #tpu.memory_space<vmem_shared>> -> memref<128x128xf32, #tpu.memory_space<vmem_shared>>
      tpu.wait_dma2 semaphore(%run_scoped3A : memref<!tpu.dma_semaphore, #tpu.memory_space<semaphore_mem>>) src(%arg9 : memref<128x128xf32, #tpu.memory_space<vmem>>) dst(%dma_wait3A_72 : memref<128x128xf32, #tpu.memory_space<vmem_shared>>)
      tpu.yield
    }) : () -> ()
    %mul3A_13 = arith.constant 640 : i32
    %mul3A_14 = arith.muli %arg1, %mul3A_13 : i32
    %add3A_15 = arith.constant 384 : i32
    %add3A_16 = arith.addi %mul3A_14, %add3A_15 : i32
    "tpu.region"() ({
      %run_scoped3A = tpu.sem_alloc : memref<!tpu.dma_semaphore, #tpu.memory_space<semaphore_mem>>
      %dma_start3A = arith.constant 0 : i32
      %dma_start3A_67 = tpu.memref_slice %arg10[%add3A_16, %dma_start3A] : memref<10240x128xf32, #tpu.memory_space<vmem_shared>> -> memref<128x128xf32, #tpu.memory_space<vmem_shared>>
      %dma_start3A_68 = arith.constant 0 : i32
      %dma_start3A_69 = tpu.memref_slice %arg10[%add3A_16, %dma_start3A_68] : memref<10240x128xf32, #tpu.memory_space<vmem_shared>> -> memref<128x128xf32, #tpu.memory_space<vmem_shared>>
      tpu.enqueue_dma source(%arg9 : memref<128x128xf32, #tpu.memory_space<vmem>>) target(%dma_start3A_69 : memref<128x128xf32, #tpu.memory_space<vmem_shared>>) target_semaphore(%run_scoped3A : memref<!tpu.dma_semaphore, #tpu.memory_space<semaphore_mem>>)
      %dma_wait3A = arith.constant 0 : i32
      %dma_wait3A_70 = tpu.memref_slice %arg10[%add3A_16, %dma_wait3A] : memref<10240x128xf32, #tpu.memory_space<vmem_shared>> -> memref<128x128xf32, #tpu.memory_space<vmem_shared>>
      %dma_wait3A_71 = arith.constant 0 : i32
      %dma_wait3A_72 = tpu.memref_slice %arg10[%add3A_16, %dma_wait3A_71] : memref<10240x128xf32, #tpu.memory_space<vmem_shared>> -> memref<128x128xf32, #tpu.memory_space<vmem_shared>>
      tpu.wait_dma2 semaphore(%run_scoped3A : memref<!tpu.dma_semaphore, #tpu.memory_space<semaphore_mem>>) src(%arg9 : memref<128x128xf32, #tpu.memory_space<vmem>>) dst(%dma_wait3A_72 : memref<128x128xf32, #tpu.memory_space<vmem_shared>>)
      tpu.yield
    }) : () -> ()
    %mul3A_17 = arith.constant 640 : i32
    %mul3A_18 = arith.muli %arg1, %mul3A_17 : i32
    %add3A_19 = arith.constant 512 : i32
    %add3A_20 = arith.addi %mul3A_18, %add3A_19 : i32
    "tpu.region"() ({
      %run_scoped3A = tpu.sem_alloc : memref<!tpu.dma_semaphore, #tpu.memory_space<semaphore_mem>>
      %dma_start3A = arith.constant 0 : i32
      %dma_start3A_67 = tpu.memref_slice %arg10[%add3A_20, %dma_start3A] : memref<10240x128xf32, #tpu.memory_space<vmem_shared>> -> memref<128x128xf32, #tpu.memory_space<vmem_shared>>
      %dma_start3A_68 = arith.constant 0 : i32
      %dma_start3A_69 = tpu.memref_slice %arg10[%add3A_20, %dma_start3A_68] : memref<10240x128xf32, #tpu.memory_space<vmem_shared>> -> memref<128x128xf32, #tpu.memory_space<vmem_shared>>
      tpu.enqueue_dma source(%arg9 : memref<128x128xf32, #tpu.memory_space<vmem>>) target(%dma_start3A_69 : memref<128x128xf32, #tpu.memory_space<vmem_shared>>) target_semaphore(%run_scoped3A : memref<!tpu.dma_semaphore, #tpu.memory_space<semaphore_mem>>)
      %dma_wait3A = arith.constant 0 : i32
      %dma_wait3A_70 = tpu.memref_slice %arg10[%add3A_20, %dma_wait3A] : memref<10240x128xf32, #tpu.memory_space<vmem_shared>> -> memref<128x128xf32, #tpu.memory_space<vmem_shared>>
      %dma_wait3A_71 = arith.constant 0 : i32
      %dma_wait3A_72 = tpu.memref_slice %arg10[%add3A_20, %dma_wait3A_71] : memref<10240x128xf32, #tpu.memory_space<vmem_shared>> -> memref<128x128xf32, #tpu.memory_space<vmem_shared>>
      tpu.wait_dma2 semaphore(%run_scoped3A : memref<!tpu.dma_semaphore, #tpu.memory_space<semaphore_mem>>) src(%arg9 : memref<128x128xf32, #tpu.memory_space<vmem>>) dst(%dma_wait3A_72 : memref<128x128xf32, #tpu.memory_space<vmem_shared>>)
      tpu.yield
    }) : () -> ()
    %barrier3A = arith.constant 0 : index
    tpu.barrier barrier_id(%barrier3A)
    %scan3A = arith.constant 0 : i32
    %scan3A_21 = arith.constant 0 : i32
    %scan3A_22 = arith.constant 79 : i32
    %scan3A_23 = arith.addi %scan3A_21, %scan3A_22 : i32
    %scan3A_24 = arith.constant 1 : i32
    scf.for %scan3A_67 = %scan3A_21 to %scan3A_23 step %scan3A_24  : i32 {
      %dma_start3A = arith.constant 0 : i32
      %dma_start3A_68 = tpu.memref_slice %arg7[%scan3A_67, %dma_start3A] : memref<79x128xi32, #tpu.memory_space<vmem>> -> memref<1x128xi32, #tpu.memory_space<vmem>>
      %dma_start3A_69 = tpu.memref_squeeze %dma_start3A_68 : memref<1x128xi32, #tpu.memory_space<vmem>> -> memref<128xi32, #tpu.memory_space<vmem>>
      %dma_start3A_70 = arith.constant 0 : i32
      %dma_start3A_71 = arith.constant 0 : i32
      %dma_start3A_72 = tpu.memref_slice %arg2[%dma_start3A_70, %dma_start3A_71] : memref<10000x128xf32, #tpu.memory_space<hbm>> -> memref<10000x128xf32, #tpu.memory_space<hbm>>
      tpu.enqueue_indirect_dma source(%dma_start3A_72 : memref<10000x128xf32, #tpu.memory_space<hbm>>) target(%arg9 : memref<128x128xf32, #tpu.memory_space<vmem>>) offsets(%dma_start3A_69 : memref<128xi32, #tpu.memory_space<vmem>>) semaphore(%arg11 : memref<!tpu.dma_semaphore, #tpu.memory_space<semaphore_mem>>)
      %dma_wait3A = arith.constant 0 : i32
      %dma_wait3A_73 = tpu.memref_slice %arg7[%scan3A_67, %dma_wait3A] : memref<79x128xi32, #tpu.memory_space<vmem>> -> memref<1x128xi32, #tpu.memory_space<vmem>>
      %dma_wait3A_74 = tpu.memref_squeeze %dma_wait3A_73 : memref<1x128xi32, #tpu.memory_space<vmem>> -> memref<128xi32, #tpu.memory_space<vmem>>
      %dma_wait3A_75 = arith.constant 0 : i32
      %dma_wait3A_76 = arith.constant 0 : i32
      %dma_wait3A_77 = tpu.memref_slice %arg2[%dma_wait3A_75, %dma_wait3A_76] : memref<10000x128xf32, #tpu.memory_space<hbm>> -> memref<10000x128xf32, #tpu.memory_space<hbm>>
      tpu.wait_indirect_dma semaphore(%arg11 : memref<!tpu.dma_semaphore, #tpu.memory_space<semaphore_mem>>) src(%dma_wait3A_77 : memref<10000x128xf32, #tpu.memory_space<hbm>>) dst(%arg9 : memref<128x128xf32, #tpu.memory_space<vmem>>)
      "tpu.region"() ({
        %run_scoped3A = tpu.sem_alloc : memref<!tpu.dma_semaphore, #tpu.memory_space<semaphore_mem>>
        %dma_start3A_78 = arith.constant 0 : i32
        %dma_start3A_79 = tpu.memref_slice %arg8[%scan3A_67, %dma_start3A_78] : memref<79x128xi32, #tpu.memory_space<vmem>> -> memref<1x128xi32, #tpu.memory_space<vmem>>
        %dma_start3A_80 = tpu.memref_squeeze %dma_start3A_79 : memref<1x128xi32, #tpu.memory_space<vmem>> -> memref<128xi32, #tpu.memory_space<vmem>>
        %dma_start3A_81 = arith.constant 0 : i32
        %dma_start3A_82 = arith.constant 0 : i32
        %dma_start3A_83 = tpu.memref_slice %arg10[%dma_start3A_81, %dma_start3A_82] : memref<10240x128xf32, #tpu.memory_space<vmem_shared>> -> memref<10240x128xf32, #tpu.memory_space<vmem_shared>>
        tpu.enqueue_indirect_dma source(%arg9 : memref<128x128xf32, #tpu.memory_space<vmem>>) target(%dma_start3A_83 : memref<10240x128xf32, #tpu.memory_space<vmem_shared>>) offsets(%dma_start3A_80 : memref<128xi32, #tpu.memory_space<vmem>>) semaphore(%run_scoped3A : memref<!tpu.dma_semaphore, #tpu.memory_space<semaphore_mem>>) {add = true}
        %dma_wait3A_84 = arith.constant 0 : i32
        %dma_wait3A_85 = tpu.memref_slice %arg8[%scan3A_67, %dma_wait3A_84] : memref<79x128xi32, #tpu.memory_space<vmem>> -> memref<1x128xi32, #tpu.memory_space<vmem>>
        %dma_wait3A_86 = tpu.memref_squeeze %dma_wait3A_85 : memref<1x128xi32, #tpu.memory_space<vmem>> -> memref<128xi32, #tpu.memory_space<vmem>>
        %dma_wait3A_87 = arith.constant 0 : i32
        %dma_wait3A_88 = arith.constant 0 : i32
        %dma_wait3A_89 = tpu.memref_slice %arg10[%dma_wait3A_87, %dma_wait3A_88] : memref<10240x128xf32, #tpu.memory_space<vmem_shared>> -> memref<10240x128xf32, #tpu.memory_space<vmem_shared>>
        tpu.wait_indirect_dma semaphore(%run_scoped3A : memref<!tpu.dma_semaphore, #tpu.memory_space<semaphore_mem>>) src(%arg9 : memref<128x128xf32, #tpu.memory_space<vmem>>) dst(%dma_wait3A_89 : memref<10240x128xf32, #tpu.memory_space<vmem_shared>>)
        tpu.yield
      }) : () -> ()
    }
    %scan3A_25 = arith.constant 79 : i32
    %barrier3A_26 = arith.constant 0 : index
    tpu.barrier barrier_id(%barrier3A_26)
    %mul3A_27 = arith.constant 640 : i32
    %mul3A_28 = arith.muli %arg1, %mul3A_27 : i32
    %add3A_29 = arith.constant 0 : i32
    %add3A_30 = arith.addi %mul3A_28, %add3A_29 : i32
    %mul3A_31 = arith.constant 640 : i32
    %mul3A_32 = arith.muli %arg1, %mul3A_31 : i32
    %add3A_33 = arith.constant 0 : i32
    %add3A_34 = arith.addi %mul3A_32, %add3A_33 : i32
    "tpu.region"() ({
      %run_scoped3A = tpu.sem_alloc : memref<!tpu.dma_semaphore, #tpu.memory_space<semaphore_mem>>
      %dma_start3A = arith.constant 0 : i32
      %dma_start3A_67 = tpu.memref_slice %arg6[%arg0, %add3A_34, %dma_start3A] : memref<2x10240x128xf32, #tpu.memory_space<hbm>> -> memref<1x128x128xf32, #tpu.memory_space<hbm>>
      %dma_start3A_68 = tpu.memref_squeeze %dma_start3A_67 : memref<1x128x128xf32, #tpu.memory_space<hbm>> -> memref<128x128xf32, #tpu.memory_space<hbm>>
      %dma_start3A_69 = arith.constant 0 : i32
      %dma_start3A_70 = tpu.memref_slice %arg10[%add3A_30, %dma_start3A_69] : memref<10240x128xf32, #tpu.memory_space<vmem_shared>> -> memref<128x128xf32, #tpu.memory_space<vmem_shared>>
      tpu.enqueue_dma source(%dma_start3A_70 : memref<128x128xf32, #tpu.memory_space<vmem_shared>>) target(%dma_start3A_68 : memref<128x128xf32, #tpu.memory_space<hbm>>) target_semaphore(%run_scoped3A : memref<!tpu.dma_semaphore, #tpu.memory_space<semaphore_mem>>)
      %dma_wait3A = arith.constant 0 : i32
      %dma_wait3A_71 = tpu.memref_slice %arg6[%arg0, %add3A_34, %dma_wait3A] : memref<2x10240x128xf32, #tpu.memory_space<hbm>> -> memref<1x128x128xf32, #tpu.memory_space<hbm>>
      %dma_wait3A_72 = tpu.memref_squeeze %dma_wait3A_71 : memref<1x128x128xf32, #tpu.memory_space<hbm>> -> memref<128x128xf32, #tpu.memory_space<hbm>>
      %dma_wait3A_73 = arith.constant 0 : i32
      %dma_wait3A_74 = tpu.memref_slice %arg10[%add3A_30, %dma_wait3A_73] : memref<10240x128xf32, #tpu.memory_space<vmem_shared>> -> memref<128x128xf32, #tpu.memory_space<vmem_shared>>
      tpu.wait_dma2 semaphore(%run_scoped3A : memref<!tpu.dma_semaphore, #tpu.memory_space<semaphore_mem>>) src(%dma_wait3A_74 : memref<128x128xf32, #tpu.memory_space<vmem_shared>>) dst(%dma_wait3A_72 : memref<128x128xf32, #tpu.memory_space<hbm>>)
      tpu.yield
    }) : () -> ()
    %mul3A_35 = arith.constant 640 : i32
    %mul3A_36 = arith.muli %arg1, %mul3A_35 : i32
    %add3A_37 = arith.constant 128 : i32
    %add3A_38 = arith.addi %mul3A_36, %add3A_37 : i32
    %mul3A_39 = arith.constant 640 : i32
    %mul3A_40 = arith.muli %arg1, %mul3A_39 : i32
    %add3A_41 = arith.constant 128 : i32
    %add3A_42 = arith.addi %mul3A_40, %add3A_41 : i32
    "tpu.region"() ({
      %run_scoped3A = tpu.sem_alloc : memref<!tpu.dma_semaphore, #tpu.memory_space<semaphore_mem>>
      %dma_start3A = arith.constant 0 : i32
      %dma_start3A_67 = tpu.memref_slice %arg6[%arg0, %add3A_42, %dma_start3A] : memref<2x10240x128xf32, #tpu.memory_space<hbm>> -> memref<1x128x128xf32, #tpu.memory_space<hbm>>
      %dma_start3A_68 = tpu.memref_squeeze %dma_start3A_67 : memref<1x128x128xf32, #tpu.memory_space<hbm>> -> memref<128x128xf32, #tpu.memory_space<hbm>>
      %dma_start3A_69 = arith.constant 0 : i32
      %dma_start3A_70 = tpu.memref_slice %arg10[%add3A_38, %dma_start3A_69] : memref<10240x128xf32, #tpu.memory_space<vmem_shared>> -> memref<128x128xf32, #tpu.memory_space<vmem_shared>>
      tpu.enqueue_dma source(%dma_start3A_70 : memref<128x128xf32, #tpu.memory_space<vmem_shared>>) target(%dma_start3A_68 : memref<128x128xf32, #tpu.memory_space<hbm>>) target_semaphore(%run_scoped3A : memref<!tpu.dma_semaphore, #tpu.memory_space<semaphore_mem>>)
      %dma_wait3A = arith.constant 0 : i32
      %dma_wait3A_71 = tpu.memref_slice %arg6[%arg0, %add3A_42, %dma_wait3A] : memref<2x10240x128xf32, #tpu.memory_space<hbm>> -> memref<1x128x128xf32, #tpu.memory_space<hbm>>
      %dma_wait3A_72 = tpu.memref_squeeze %dma_wait3A_71 : memref<1x128x128xf32, #tpu.memory_space<hbm>> -> memref<128x128xf32, #tpu.memory_space<hbm>>
      %dma_wait3A_73 = arith.constant 0 : i32
      %dma_wait3A_74 = tpu.memref_slice %arg10[%add3A_38, %dma_wait3A_73] : memref<10240x128xf32, #tpu.memory_space<vmem_shared>> -> memref<128x128xf32, #tpu.memory_space<vmem_shared>>
      tpu.wait_dma2 semaphore(%run_scoped3A : memref<!tpu.dma_semaphore, #tpu.memory_space<semaphore_mem>>) src(%dma_wait3A_74 : memref<128x128xf32, #tpu.memory_space<vmem_shared>>) dst(%dma_wait3A_72 : memref<128x128xf32, #tpu.memory_space<hbm>>)
      tpu.yield
    }) : () -> ()
    %mul3A_43 = arith.constant 640 : i32
    %mul3A_44 = arith.muli %arg1, %mul3A_43 : i32
    %add3A_45 = arith.constant 256 : i32
    %add3A_46 = arith.addi %mul3A_44, %add3A_45 : i32
    %mul3A_47 = arith.constant 640 : i32
    %mul3A_48 = arith.muli %arg1, %mul3A_47 : i32
    %add3A_49 = arith.constant 256 : i32
    %add3A_50 = arith.addi %mul3A_48, %add3A_49 : i32
    "tpu.region"() ({
      %run_scoped3A = tpu.sem_alloc : memref<!tpu.dma_semaphore, #tpu.memory_space<semaphore_mem>>
      %dma_start3A = arith.constant 0 : i32
      %dma_start3A_67 = tpu.memref_slice %arg6[%arg0, %add3A_50, %dma_start3A] : memref<2x10240x128xf32, #tpu.memory_space<hbm>> -> memref<1x128x128xf32, #tpu.memory_space<hbm>>
      %dma_start3A_68 = tpu.memref_squeeze %dma_start3A_67 : memref<1x128x128xf32, #tpu.memory_space<hbm>> -> memref<128x128xf32, #tpu.memory_space<hbm>>
      %dma_start3A_69 = arith.constant 0 : i32
      %dma_start3A_70 = tpu.memref_slice %arg10[%add3A_46, %dma_start3A_69] : memref<10240x128xf32, #tpu.memory_space<vmem_shared>> -> memref<128x128xf32, #tpu.memory_space<vmem_shared>>
      tpu.enqueue_dma source(%dma_start3A_70 : memref<128x128xf32, #tpu.memory_space<vmem_shared>>) target(%dma_start3A_68 : memref<128x128xf32, #tpu.memory_space<hbm>>) target_semaphore(%run_scoped3A : memref<!tpu.dma_semaphore, #tpu.memory_space<semaphore_mem>>)
      %dma_wait3A = arith.constant 0 : i32
      %dma_wait3A_71 = tpu.memref_slice %arg6[%arg0, %add3A_50, %dma_wait3A] : memref<2x10240x128xf32, #tpu.memory_space<hbm>> -> memref<1x128x128xf32, #tpu.memory_space<hbm>>
      %dma_wait3A_72 = tpu.memref_squeeze %dma_wait3A_71 : memref<1x128x128xf32, #tpu.memory_space<hbm>> -> memref<128x128xf32, #tpu.memory_space<hbm>>
      %dma_wait3A_73 = arith.constant 0 : i32
      %dma_wait3A_74 = tpu.memref_slice %arg10[%add3A_46, %dma_wait3A_73] : memref<10240x128xf32, #tpu.memory_space<vmem_shared>> -> memref<128x128xf32, #tpu.memory_space<vmem_shared>>
      tpu.wait_dma2 semaphore(%run_scoped3A : memref<!tpu.dma_semaphore, #tpu.memory_space<semaphore_mem>>) src(%dma_wait3A_74 : memref<128x128xf32, #tpu.memory_space<vmem_shared>>) dst(%dma_wait3A_72 : memref<128x128xf32, #tpu.memory_space<hbm>>)
      tpu.yield
    }) : () -> ()
    %mul3A_51 = arith.constant 640 : i32
    %mul3A_52 = arith.muli %arg1, %mul3A_51 : i32
    %add3A_53 = arith.constant 384 : i32
    %add3A_54 = arith.addi %mul3A_52, %add3A_53 : i32
    %mul3A_55 = arith.constant 640 : i32
    %mul3A_56 = arith.muli %arg1, %mul3A_55 : i32
    %add3A_57 = arith.constant 384 : i32
    %add3A_58 = arith.addi %mul3A_56, %add3A_57 : i32
    "tpu.region"() ({
      %run_scoped3A = tpu.sem_alloc : memref<!tpu.dma_semaphore, #tpu.memory_space<semaphore_mem>>
      %dma_start3A = arith.constant 0 : i32
      %dma_start3A_67 = tpu.memref_slice %arg6[%arg0, %add3A_58, %dma_start3A] : memref<2x10240x128xf32, #tpu.memory_space<hbm>> -> memref<1x128x128xf32, #tpu.memory_space<hbm>>
      %dma_start3A_68 = tpu.memref_squeeze %dma_start3A_67 : memref<1x128x128xf32, #tpu.memory_space<hbm>> -> memref<128x128xf32, #tpu.memory_space<hbm>>
      %dma_start3A_69 = arith.constant 0 : i32
      %dma_start3A_70 = tpu.memref_slice %arg10[%add3A_54, %dma_start3A_69] : memref<10240x128xf32, #tpu.memory_space<vmem_shared>> -> memref<128x128xf32, #tpu.memory_space<vmem_shared>>
      tpu.enqueue_dma source(%dma_start3A_70 : memref<128x128xf32, #tpu.memory_space<vmem_shared>>) target(%dma_start3A_68 : memref<128x128xf32, #tpu.memory_space<hbm>>) target_semaphore(%run_scoped3A : memref<!tpu.dma_semaphore, #tpu.memory_space<semaphore_mem>>)
      %dma_wait3A = arith.constant 0 : i32
      %dma_wait3A_71 = tpu.memref_slice %arg6[%arg0, %add3A_58, %dma_wait3A] : memref<2x10240x128xf32, #tpu.memory_space<hbm>> -> memref<1x128x128xf32, #tpu.memory_space<hbm>>
      %dma_wait3A_72 = tpu.memref_squeeze %dma_wait3A_71 : memref<1x128x128xf32, #tpu.memory_space<hbm>> -> memref<128x128xf32, #tpu.memory_space<hbm>>
      %dma_wait3A_73 = arith.constant 0 : i32
      %dma_wait3A_74 = tpu.memref_slice %arg10[%add3A_54, %dma_wait3A_73] : memref<10240x128xf32, #tpu.memory_space<vmem_shared>> -> memref<128x128xf32, #tpu.memory_space<vmem_shared>>
      tpu.wait_dma2 semaphore(%run_scoped3A : memref<!tpu.dma_semaphore, #tpu.memory_space<semaphore_mem>>) src(%dma_wait3A_74 : memref<128x128xf32, #tpu.memory_space<vmem_shared>>) dst(%dma_wait3A_72 : memref<128x128xf32, #tpu.memory_space<hbm>>)
      tpu.yield
    }) : () -> ()
    %mul3A_59 = arith.constant 640 : i32
    %mul3A_60 = arith.muli %arg1, %mul3A_59 : i32
    %add3A_61 = arith.constant 512 : i32
    %add3A_62 = arith.addi %mul3A_60, %add3A_61 : i32
    %mul3A_63 = arith.constant 640 : i32
    %mul3A_64 = arith.muli %arg1, %mul3A_63 : i32
    %add3A_65 = arith.constant 512 : i32
    %add3A_66 = arith.addi %mul3A_64, %add3A_65 : i32
    "tpu.region"() ({
      %run_scoped3A = tpu.sem_alloc : memref<!tpu.dma_semaphore, #tpu.memory_space<semaphore_mem>>
      %dma_start3A = arith.constant 0 : i32
      %dma_start3A_67 = tpu.memref_slice %arg6[%arg0, %add3A_66, %dma_start3A] : memref<2x10240x128xf32, #tpu.memory_space<hbm>> -> memref<1x128x128xf32, #tpu.memory_space<hbm>>
      %dma_start3A_68 = tpu.memref_squeeze %dma_start3A_67 : memref<1x128x128xf32, #tpu.memory_space<hbm>> -> memref<128x128xf32, #tpu.memory_space<hbm>>
      %dma_start3A_69 = arith.constant 0 : i32
      %dma_start3A_70 = tpu.memref_slice %arg10[%add3A_62, %dma_start3A_69] : memref<10240x128xf32, #tpu.memory_space<vmem_shared>> -> memref<128x128xf32, #tpu.memory_space<vmem_shared>>
      tpu.enqueue_dma source(%dma_start3A_70 : memref<128x128xf32, #tpu.memory_space<vmem_shared>>) target(%dma_start3A_68 : memref<128x128xf32, #tpu.memory_space<hbm>>) target_semaphore(%run_scoped3A : memref<!tpu.dma_semaphore, #tpu.memory_space<semaphore_mem>>)
      %dma_wait3A = arith.constant 0 : i32
      %dma_wait3A_71 = tpu.memref_slice %arg6[%arg0, %add3A_66, %dma_wait3A] : memref<2x10240x128xf32, #tpu.memory_space<hbm>> -> memref<1x128x128xf32, #tpu.memory_space<hbm>>
      %dma_wait3A_72 = tpu.memref_squeeze %dma_wait3A_71 : memref<1x128x128xf32, #tpu.memory_space<hbm>> -> memref<128x128xf32, #tpu.memory_space<hbm>>
      %dma_wait3A_73 = arith.constant 0 : i32
      %dma_wait3A_74 = tpu.memref_slice %arg10[%add3A_62, %dma_wait3A_73] : memref<10240x128xf32, #tpu.memory_space<vmem_shared>> -> memref<128x128xf32, #tpu.memory_space<vmem_shared>>
      tpu.wait_dma2 semaphore(%run_scoped3A : memref<!tpu.dma_semaphore, #tpu.memory_space<semaphore_mem>>) src(%dma_wait3A_74 : memref<128x128xf32, #tpu.memory_space<vmem_shared>>) dst(%dma_wait3A_72 : memref<128x128xf32, #tpu.memory_space<hbm>>)
      tpu.yield
    }) : () -> ()
    return
  }
}

#map = affine_map<(d0, d1) -> (0, 0)>
#map1 = affine_map<(d0, d1) -> (0, 0, 0)>
module attributes {stable_mosaic.version = 14 : i64} {
  func.func @scat_k(%arg0: i32, %arg1: i32, %arg2: memref<10000x128xf32, #tpu.memory_space<hbm>>, %arg3: memref<32x79x128xi32, #tpu.memory_space<hbm>>, %arg4: memref<32x79x128xi32, #tpu.memory_space<hbm>>, %arg5: memref<128x128xf32, #tpu.memory_space<hbm>>, %arg6: memref<2x10240x128xf32, #tpu.memory_space<hbm>>, %arg7: memref<79x128xi32, #tpu.memory_space<vmem>>, %arg8: memref<79x128xi32, #tpu.memory_space<vmem>>, %arg9: memref<128x128xf32, #tpu.memory_space<vmem>>, %arg10: memref<10240x128xf32, #tpu.memory_space<vmem_shared>>, %arg11: memref<!tpu.dma_semaphore, #tpu.memory_space<semaphore_mem>>) attributes {dimension_semantics = [#tpu.dimension_semantics<core_parallel>, #tpu.dimension_semantics<subcore_parallel>], iteration_bounds = array<i64: 2, 16>, scalar_prefetch = 0 : i64, scratch_operands = 5 : i64, tpu.core_type = #tpu.core_type<sc_vector_subcore>, window_params = [{transform_indices = #map}, {transform_indices = #map1}, {transform_indices = #map1}, {transform_indices = #map}, {transform_indices = #map1}]} {
    %mul3A = arith.constant 16 : i32
    %mul3A_0 = arith.muli %arg0, %mul3A : i32
    %add3A = arith.addi %mul3A_0, %arg1 : i32
    "tpu.region"() ({
      %run_scoped3A = tpu.sem_alloc : memref<!tpu.dma_semaphore, #tpu.memory_space<semaphore_mem>>
      %dma_start3A = arith.constant 0 : i32
      %dma_start3A_67 = arith.constant 0 : i32
      %dma_start3A_68 = tpu.memref_slice %arg3[%add3A, %dma_start3A, %dma_start3A_67] : memref<32x79x128xi32, #tpu.memory_space<hbm>> -> memref<1x79x128xi32, #tpu.memory_space<hbm>>
      %dma_start3A_69 = tpu.memref_squeeze %dma_start3A_68 : memref<1x79x128xi32, #tpu.memory_space<hbm>> -> memref<79x128xi32, #tpu.memory_space<hbm>>
      %dma_start3A_70 = arith.constant 0 : i32
      %dma_start3A_71 = arith.constant 0 : i32
      %dma_start3A_72 = tpu.memref_slice %arg3[%add3A, %dma_start3A_70, %dma_start3A_71] : memref<32x79x128xi32, #tpu.memory_space<hbm>> -> memref<1x79x128xi32, #tpu.memory_space<hbm>>
      %dma_start3A_73 = tpu.memref_squeeze %dma_start3A_72 : memref<1x79x128xi32, #tpu.memory_space<hbm>> -> memref<79x128xi32, #tpu.memory_space<hbm>>
      tpu.enqueue_dma source(%dma_start3A_73 : memref<79x128xi32, #tpu.memory_space<hbm>>) target(%arg7 : memref<79x128xi32, #tpu.memory_space<vmem>>) target_semaphore(%run_scoped3A : memref<!tpu.dma_semaphore, #tpu.memory_space<semaphore_mem>>)
      %dma_wait3A = arith.constant 0 : i32
      %dma_wait3A_74 = arith.constant 0 : i32
      %dma_wait3A_75 = tpu.memref_slice %arg3[%add3A, %dma_wait3A, %dma_wait3A_74] : memref<32x79x128xi32, #tpu.memory_space<hbm>> -> memref<1x79x128xi32, #tpu.memory_space<hbm>>
      %dma_wait3A_76 = tpu.memref_squeeze %dma_wait3A_75 : memref<1x79x128xi32, #tpu.memory_space<hbm>> -> memref<79x128xi32, #tpu.memory_space<hbm>>
      %dma_wait3A_77 = arith.constant 0 : i32
      %dma_wait3A_78 = arith.constant 0 : i32
      %dma_wait3A_79 = tpu.memref_slice %arg3[%add3A, %dma_wait3A_77, %dma_wait3A_78] : memref<32x79x128xi32, #tpu.memory_space<hbm>> -> memref<1x79x128xi32, #tpu.memory_space<hbm>>
      %dma_wait3A_80 = tpu.memref_squeeze %dma_wait3A_79 : memref<1x79x128xi32, #tpu.memory_space<hbm>> -> memref<79x128xi32, #tpu.memory_space<hbm>>
      tpu.wait_dma2 semaphore(%run_scoped3A : memref<!tpu.dma_semaphore, #tpu.memory_space<semaphore_mem>>) src(%dma_wait3A_80 : memref<79x128xi32, #tpu.memory_space<hbm>>) dst(%arg7 : memref<79x128xi32, #tpu.memory_space<vmem>>)
      tpu.yield
    }) : () -> ()
    "tpu.region"() ({
      %run_scoped3A = tpu.sem_alloc : memref<!tpu.dma_semaphore, #tpu.memory_space<semaphore_mem>>
      %dma_start3A = arith.constant 0 : i32
      %dma_start3A_67 = arith.constant 0 : i32
      %dma_start3A_68 = tpu.memref_slice %arg4[%add3A, %dma_start3A, %dma_start3A_67] : memref<32x79x128xi32, #tpu.memory_space<hbm>> -> memref<1x79x128xi32, #tpu.memory_space<hbm>>
      %dma_start3A_69 = tpu.memref_squeeze %dma_start3A_68 : memref<1x79x128xi32, #tpu.memory_space<hbm>> -> memref<79x128xi32, #tpu.memory_space<hbm>>
      %dma_start3A_70 = arith.constant 0 : i32
      %dma_start3A_71 = arith.constant 0 : i32
      %dma_start3A_72 = tpu.memref_slice %arg4[%add3A, %dma_start3A_70, %dma_start3A_71] : memref<32x79x128xi32, #tpu.memory_space<hbm>> -> memref<1x79x128xi32, #tpu.memory_space<hbm>>
      %dma_start3A_73 = tpu.memref_squeeze %dma_start3A_72 : memref<1x79x128xi32, #tpu.memory_space<hbm>> -> memref<79x128xi32, #tpu.memory_space<hbm>>
      tpu.enqueue_dma source(%dma_start3A_73 : memref<79x128xi32, #tpu.memory_space<hbm>>) target(%arg8 : memref<79x128xi32, #tpu.memory_space<vmem>>) target_semaphore(%run_scoped3A : memref<!tpu.dma_semaphore, #tpu.memory_space<semaphore_mem>>)
      %dma_wait3A = arith.constant 0 : i32
      %dma_wait3A_74 = arith.constant 0 : i32
      %dma_wait3A_75 = tpu.memref_slice %arg4[%add3A, %dma_wait3A, %dma_wait3A_74] : memref<32x79x128xi32, #tpu.memory_space<hbm>> -> memref<1x79x128xi32, #tpu.memory_space<hbm>>
      %dma_wait3A_76 = tpu.memref_squeeze %dma_wait3A_75 : memref<1x79x128xi32, #tpu.memory_space<hbm>> -> memref<79x128xi32, #tpu.memory_space<hbm>>
      %dma_wait3A_77 = arith.constant 0 : i32
      %dma_wait3A_78 = arith.constant 0 : i32
      %dma_wait3A_79 = tpu.memref_slice %arg4[%add3A, %dma_wait3A_77, %dma_wait3A_78] : memref<32x79x128xi32, #tpu.memory_space<hbm>> -> memref<1x79x128xi32, #tpu.memory_space<hbm>>
      %dma_wait3A_80 = tpu.memref_squeeze %dma_wait3A_79 : memref<1x79x128xi32, #tpu.memory_space<hbm>> -> memref<79x128xi32, #tpu.memory_space<hbm>>
      tpu.wait_dma2 semaphore(%run_scoped3A : memref<!tpu.dma_semaphore, #tpu.memory_space<semaphore_mem>>) src(%dma_wait3A_80 : memref<79x128xi32, #tpu.memory_space<hbm>>) dst(%arg8 : memref<79x128xi32, #tpu.memory_space<vmem>>)
      tpu.yield
    }) : () -> ()
    "tpu.region"() ({
      %run_scoped3A = tpu.sem_alloc : memref<!tpu.dma_semaphore, #tpu.memory_space<semaphore_mem>>
      tpu.enqueue_dma source(%arg5 : memref<128x128xf32, #tpu.memory_space<hbm>>) target(%arg9 : memref<128x128xf32, #tpu.memory_space<vmem>>) target_semaphore(%run_scoped3A : memref<!tpu.dma_semaphore, #tpu.memory_space<semaphore_mem>>)
      tpu.wait_dma2 semaphore(%run_scoped3A : memref<!tpu.dma_semaphore, #tpu.memory_space<semaphore_mem>>) src(%arg5 : memref<128x128xf32, #tpu.memory_space<hbm>>) dst(%arg9 : memref<128x128xf32, #tpu.memory_space<vmem>>)
      tpu.yield
    }) : () -> ()
    %mul3A_1 = arith.constant 640 : i32
    %mul3A_2 = arith.muli %arg1, %mul3A_1 : i32
    %add3A_3 = arith.constant 0 : i32
    %add3A_4 = arith.addi %mul3A_2, %add3A_3 : i32
    "tpu.region"() ({
      %run_scoped3A = tpu.sem_alloc : memref<!tpu.dma_semaphore, #tpu.memory_space<semaphore_mem>>
      %dma_start3A = arith.constant 0 : i32
      %dma_start3A_67 = tpu.memref_slice %arg10[%add3A_4, %dma_start3A] : memref<10240x128xf32, #tpu.memory_space<vmem_shared>> -> memref<128x128xf32, #tpu.memory_space<vmem_shared>>
      %dma_start3A_68 = arith.constant 0 : i32
      %dma_start3A_69 = tpu.memref_slice %arg10[%add3A_4, %dma_start3A_68] : memref<10240x128xf32, #tpu.memory_space<vmem_shared>> -> memref<128x128xf32, #tpu.memory_space<vmem_shared>>
      tpu.enqueue_dma source(%arg9 : memref<128x128xf32, #tpu.memory_space<vmem>>) target(%dma_start3A_69 : memref<128x128xf32, #tpu.memory_space<vmem_shared>>) target_semaphore(%run_scoped3A : memref<!tpu.dma_semaphore, #tpu.memory_space<semaphore_mem>>)
      %dma_wait3A = arith.constant 0 : i32
      %dma_wait3A_70 = tpu.memref_slice %arg10[%add3A_4, %dma_wait3A] : memref<10240x128xf32, #tpu.memory_space<vmem_shared>> -> memref<128x128xf32, #tpu.memory_space<vmem_shared>>
      %dma_wait3A_71 = arith.constant 0 : i32
      %dma_wait3A_72 = tpu.memref_slice %arg10[%add3A_4, %dma_wait3A_71] : memref<10240x128xf32, #tpu.memory_space<vmem_shared>> -> memref<128x128xf32, #tpu.memory_space<vmem_shared>>
      tpu.wait_dma2 semaphore(%run_scoped3A : memref<!tpu.dma_semaphore, #tpu.memory_space<semaphore_mem>>) src(%arg9 : memref<128x128xf32, #tpu.memory_space<vmem>>) dst(%dma_wait3A_72 : memref<128x128xf32, #tpu.memory_space<vmem_shared>>)
      tpu.yield
    }) : () -> ()
    %mul3A_5 = arith.constant 640 : i32
    %mul3A_6 = arith.muli %arg1, %mul3A_5 : i32
    %add3A_7 = arith.constant 128 : i32
    %add3A_8 = arith.addi %mul3A_6, %add3A_7 : i32
    "tpu.region"() ({
      %run_scoped3A = tpu.sem_alloc : memref<!tpu.dma_semaphore, #tpu.memory_space<semaphore_mem>>
      %dma_start3A = arith.constant 0 : i32
      %dma_start3A_67 = tpu.memref_slice %arg10[%add3A_8, %dma_start3A] : memref<10240x128xf32, #tpu.memory_space<vmem_shared>> -> memref<128x128xf32, #tpu.memory_space<vmem_shared>>
      %dma_start3A_68 = arith.constant 0 : i32
      %dma_start3A_69 = tpu.memref_slice %arg10[%add3A_8, %dma_start3A_68] : memref<10240x128xf32, #tpu.memory_space<vmem_shared>> -> memref<128x128xf32, #tpu.memory_space<vmem_shared>>
      tpu.enqueue_dma source(%arg9 : memref<128x128xf32, #tpu.memory_space<vmem>>) target(%dma_start3A_69 : memref<128x128xf32, #tpu.memory_space<vmem_shared>>) target_semaphore(%run_scoped3A : memref<!tpu.dma_semaphore, #tpu.memory_space<semaphore_mem>>)
      %dma_wait3A = arith.constant 0 : i32
      %dma_wait3A_70 = tpu.memref_slice %arg10[%add3A_8, %dma_wait3A] : memref<10240x128xf32, #tpu.memory_space<vmem_shared>> -> memref<128x128xf32, #tpu.memory_space<vmem_shared>>
      %dma_wait3A_71 = arith.constant 0 : i32
      %dma_wait3A_72 = tpu.memref_slice %arg10[%add3A_8, %dma_wait3A_71] : memref<10240x128xf32, #tpu.memory_space<vmem_shared>> -> memref<128x128xf32, #tpu.memory_space<vmem_shared>>
      tpu.wait_dma2 semaphore(%run_scoped3A : memref<!tpu.dma_semaphore, #tpu.memory_space<semaphore_mem>>) src(%arg9 : memref<128x128xf32, #tpu.memory_space<vmem>>) dst(%dma_wait3A_72 : memref<128x128xf32, #tpu.memory_space<vmem_shared>>)
      tpu.yield
    }) : () -> ()
    %mul3A_9 = arith.constant 640 : i32
    %mul3A_10 = arith.muli %arg1, %mul3A_9 : i32
    %add3A_11 = arith.constant 256 : i32
    %add3A_12 = arith.addi %mul3A_10, %add3A_11 : i32
    "tpu.region"() ({
      %run_scoped3A = tpu.sem_alloc : memref<!tpu.dma_semaphore, #tpu.memory_space<semaphore_mem>>
      %dma_start3A = arith.constant 0 : i32
      %dma_start3A_67 = tpu.memref_slice %arg10[%add3A_12, %dma_start3A] : memref<10240x128xf32, #tpu.memory_space<vmem_shared>> -> memref<128x128xf32, #tpu.memory_space<vmem_shared>>
      %dma_start3A_68 = arith.constant 0 : i32
      %dma_start3A_69 = tpu.memref_slice %arg10[%add3A_12, %dma_start3A_68] : memref<10240x128xf32, #tpu.memory_space<vmem_shared>> -> memref<128x128xf32, #tpu.memory_space<vmem_shared>>
      tpu.enqueue_dma source(%arg9 : memref<128x128xf32, #tpu.memory_space<vmem>>) target(%dma_start3A_69 : memref<128x128xf32, #tpu.memory_space<vmem_shared>>) target_semaphore(%run_scoped3A : memref<!tpu.dma_semaphore, #tpu.memory_space<semaphore_mem>>)
      %dma_wait3A = arith.constant 0 : i32
      %dma_wait3A_70 = tpu.memref_slice %arg10[%add3A_12, %dma_wait3A] : memref<10240x128xf32, #tpu.memory_space<vmem_shared>> -> memref<128x128xf32, #tpu.memory_space<vmem_shared>>
      %dma_wait3A_71 = arith.constant 0 : i32
      %dma_wait3A_72 = tpu.memref_slice %arg10[%add3A_12, %dma_wait3A_71] : memref<10240x128xf32, #tpu.memory_space<vmem_shared>> -> memref<128x128xf32, #tpu.memory_space<vmem_shared>>
      tpu.wait_dma2 semaphore(%run_scoped3A : memref<!tpu.dma_semaphore, #tpu.memory_space<semaphore_mem>>) src(%arg9 : memref<128x128xf32, #tpu.memory_space<vmem>>) dst(%dma_wait3A_72 : memref<128x128xf32, #tpu.memory_space<vmem_shared>>)
      tpu.yield
    }) : () -> ()
    %mul3A_13 = arith.constant 640 : i32
    %mul3A_14 = arith.muli %arg1, %mul3A_13 : i32
    %add3A_15 = arith.constant 384 : i32
    %add3A_16 = arith.addi %mul3A_14, %add3A_15 : i32
    "tpu.region"() ({
      %run_scoped3A = tpu.sem_alloc : memref<!tpu.dma_semaphore, #tpu.memory_space<semaphore_mem>>
      %dma_start3A = arith.constant 0 : i32
      %dma_start3A_67 = tpu.memref_slice %arg10[%add3A_16, %dma_start3A] : memref<10240x128xf32, #tpu.memory_space<vmem_shared>> -> memref<128x128xf32, #tpu.memory_space<vmem_shared>>
      %dma_start3A_68 = arith.constant 0 : i32
      %dma_start3A_69 = tpu.memref_slice %arg10[%add3A_16, %dma_start3A_68] : memref<10240x128xf32, #tpu.memory_space<vmem_shared>> -> memref<128x128xf32, #tpu.memory_space<vmem_shared>>
      tpu.enqueue_dma source(%arg9 : memref<128x128xf32, #tpu.memory_space<vmem>>) target(%dma_start3A_69 : memref<128x128xf32, #tpu.memory_space<vmem_shared>>) target_semaphore(%run_scoped3A : memref<!tpu.dma_semaphore, #tpu.memory_space<semaphore_mem>>)
      %dma_wait3A = arith.constant 0 : i32
      %dma_wait3A_70 = tpu.memref_slice %arg10[%add3A_16, %dma_wait3A] : memref<10240x128xf32, #tpu.memory_space<vmem_shared>> -> memref<128x128xf32, #tpu.memory_space<vmem_shared>>
      %dma_wait3A_71 = arith.constant 0 : i32
      %dma_wait3A_72 = tpu.memref_slice %arg10[%add3A_16, %dma_wait3A_71] : memref<10240x128xf32, #tpu.memory_space<vmem_shared>> -> memref<128x128xf32, #tpu.memory_space<vmem_shared>>
      tpu.wait_dma2 semaphore(%run_scoped3A : memref<!tpu.dma_semaphore, #tpu.memory_space<semaphore_mem>>) src(%arg9 : memref<128x128xf32, #tpu.memory_space<vmem>>) dst(%dma_wait3A_72 : memref<128x128xf32, #tpu.memory_space<vmem_shared>>)
      tpu.yield
    }) : () -> ()
    %mul3A_17 = arith.constant 640 : i32
    %mul3A_18 = arith.muli %arg1, %mul3A_17 : i32
    %add3A_19 = arith.constant 512 : i32
    %add3A_20 = arith.addi %mul3A_18, %add3A_19 : i32
    "tpu.region"() ({
      %run_scoped3A = tpu.sem_alloc : memref<!tpu.dma_semaphore, #tpu.memory_space<semaphore_mem>>
      %dma_start3A = arith.constant 0 : i32
      %dma_start3A_67 = tpu.memref_slice %arg10[%add3A_20, %dma_start3A] : memref<10240x128xf32, #tpu.memory_space<vmem_shared>> -> memref<128x128xf32, #tpu.memory_space<vmem_shared>>
      %dma_start3A_68 = arith.constant 0 : i32
      %dma_start3A_69 = tpu.memref_slice %arg10[%add3A_20, %dma_start3A_68] : memref<10240x128xf32, #tpu.memory_space<vmem_shared>> -> memref<128x128xf32, #tpu.memory_space<vmem_shared>>
      tpu.enqueue_dma source(%arg9 : memref<128x128xf32, #tpu.memory_space<vmem>>) target(%dma_start3A_69 : memref<128x128xf32, #tpu.memory_space<vmem_shared>>) target_semaphore(%run_scoped3A : memref<!tpu.dma_semaphore, #tpu.memory_space<semaphore_mem>>)
      %dma_wait3A = arith.constant 0 : i32
      %dma_wait3A_70 = tpu.memref_slice %arg10[%add3A_20, %dma_wait3A] : memref<10240x128xf32, #tpu.memory_space<vmem_shared>> -> memref<128x128xf32, #tpu.memory_space<vmem_shared>>
      %dma_wait3A_71 = arith.constant 0 : i32
      %dma_wait3A_72 = tpu.memref_slice %arg10[%add3A_20, %dma_wait3A_71] : memref<10240x128xf32, #tpu.memory_space<vmem_shared>> -> memref<128x128xf32, #tpu.memory_space<vmem_shared>>
      tpu.wait_dma2 semaphore(%run_scoped3A : memref<!tpu.dma_semaphore, #tpu.memory_space<semaphore_mem>>) src(%arg9 : memref<128x128xf32, #tpu.memory_space<vmem>>) dst(%dma_wait3A_72 : memref<128x128xf32, #tpu.memory_space<vmem_shared>>)
      tpu.yield
    }) : () -> ()
    %barrier3A = arith.constant 0 : index
    tpu.barrier barrier_id(%barrier3A)
    %scan3A = arith.constant 0 : i32
    %scan3A_21 = arith.constant 0 : i32
    %scan3A_22 = arith.constant 79 : i32
    %scan3A_23 = arith.addi %scan3A_21, %scan3A_22 : i32
    %scan3A_24 = arith.constant 1 : i32
    scf.for %scan3A_67 = %scan3A_21 to %scan3A_23 step %scan3A_24  : i32 {
      %dma_start3A = arith.constant 0 : i32
      %dma_start3A_68 = tpu.memref_slice %arg7[%scan3A_67, %dma_start3A] : memref<79x128xi32, #tpu.memory_space<vmem>> -> memref<1x128xi32, #tpu.memory_space<vmem>>
      %dma_start3A_69 = tpu.memref_squeeze %dma_start3A_68 : memref<1x128xi32, #tpu.memory_space<vmem>> -> memref<128xi32, #tpu.memory_space<vmem>>
      %dma_start3A_70 = arith.constant 0 : i32
      %dma_start3A_71 = arith.constant 0 : i32
      %dma_start3A_72 = tpu.memref_slice %arg2[%dma_start3A_70, %dma_start3A_71] : memref<10000x128xf32, #tpu.memory_space<hbm>> -> memref<10000x128xf32, #tpu.memory_space<hbm>>
      tpu.enqueue_indirect_dma source(%dma_start3A_72 : memref<10000x128xf32, #tpu.memory_space<hbm>>) target(%arg9 : memref<128x128xf32, #tpu.memory_space<vmem>>) offsets(%dma_start3A_69 : memref<128xi32, #tpu.memory_space<vmem>>) semaphore(%arg11 : memref<!tpu.dma_semaphore, #tpu.memory_space<semaphore_mem>>)
      %dma_wait3A = arith.constant 0 : i32
      %dma_wait3A_73 = tpu.memref_slice %arg7[%scan3A_67, %dma_wait3A] : memref<79x128xi32, #tpu.memory_space<vmem>> -> memref<1x128xi32, #tpu.memory_space<vmem>>
      %dma_wait3A_74 = tpu.memref_squeeze %dma_wait3A_73 : memref<1x128xi32, #tpu.memory_space<vmem>> -> memref<128xi32, #tpu.memory_space<vmem>>
      %dma_wait3A_75 = arith.constant 0 : i32
      %dma_wait3A_76 = arith.constant 0 : i32
      %dma_wait3A_77 = tpu.memref_slice %arg2[%dma_wait3A_75, %dma_wait3A_76] : memref<10000x128xf32, #tpu.memory_space<hbm>> -> memref<10000x128xf32, #tpu.memory_space<hbm>>
      tpu.wait_indirect_dma semaphore(%arg11 : memref<!tpu.dma_semaphore, #tpu.memory_space<semaphore_mem>>) src(%dma_wait3A_77 : memref<10000x128xf32, #tpu.memory_space<hbm>>) dst(%arg9 : memref<128x128xf32, #tpu.memory_space<vmem>>)
      "tpu.region"() ({
        %run_scoped3A = tpu.sem_alloc : memref<!tpu.dma_semaphore, #tpu.memory_space<semaphore_mem>>
        %dma_start3A_78 = arith.constant 0 : i32
        %dma_start3A_79 = tpu.memref_slice %arg8[%scan3A_67, %dma_start3A_78] : memref<79x128xi32, #tpu.memory_space<vmem>> -> memref<1x128xi32, #tpu.memory_space<vmem>>
        %dma_start3A_80 = tpu.memref_squeeze %dma_start3A_79 : memref<1x128xi32, #tpu.memory_space<vmem>> -> memref<128xi32, #tpu.memory_space<vmem>>
        %dma_start3A_81 = arith.constant 0 : i32
        %dma_start3A_82 = arith.constant 0 : i32
        %dma_start3A_83 = tpu.memref_slice %arg10[%dma_start3A_81, %dma_start3A_82] : memref<10240x128xf32, #tpu.memory_space<vmem_shared>> -> memref<10240x128xf32, #tpu.memory_space<vmem_shared>>
        tpu.enqueue_indirect_dma source(%arg9 : memref<128x128xf32, #tpu.memory_space<vmem>>) target(%dma_start3A_83 : memref<10240x128xf32, #tpu.memory_space<vmem_shared>>) offsets(%dma_start3A_80 : memref<128xi32, #tpu.memory_space<vmem>>) semaphore(%run_scoped3A : memref<!tpu.dma_semaphore, #tpu.memory_space<semaphore_mem>>) {add = true}
        %dma_wait3A_84 = arith.constant 0 : i32
        %dma_wait3A_85 = tpu.memref_slice %arg8[%scan3A_67, %dma_wait3A_84] : memref<79x128xi32, #tpu.memory_space<vmem>> -> memref<1x128xi32, #tpu.memory_space<vmem>>
        %dma_wait3A_86 = tpu.memref_squeeze %dma_wait3A_85 : memref<1x128xi32, #tpu.memory_space<vmem>> -> memref<128xi32, #tpu.memory_space<vmem>>
        %dma_wait3A_87 = arith.constant 0 : i32
        %dma_wait3A_88 = arith.constant 0 : i32
        %dma_wait3A_89 = tpu.memref_slice %arg10[%dma_wait3A_87, %dma_wait3A_88] : memref<10240x128xf32, #tpu.memory_space<vmem_shared>> -> memref<10240x128xf32, #tpu.memory_space<vmem_shared>>
        tpu.wait_indirect_dma semaphore(%run_scoped3A : memref<!tpu.dma_semaphore, #tpu.memory_space<semaphore_mem>>) src(%arg9 : memref<128x128xf32, #tpu.memory_space<vmem>>) dst(%dma_wait3A_89 : memref<10240x128xf32, #tpu.memory_space<vmem_shared>>)
        tpu.yield
      }) : () -> ()
    }
    %scan3A_25 = arith.constant 79 : i32
    %barrier3A_26 = arith.constant 0 : index
    tpu.barrier barrier_id(%barrier3A_26)
    %mul3A_27 = arith.constant 640 : i32
    %mul3A_28 = arith.muli %arg1, %mul3A_27 : i32
    %add3A_29 = arith.constant 0 : i32
    %add3A_30 = arith.addi %mul3A_28, %add3A_29 : i32
    %mul3A_31 = arith.constant 640 : i32
    %mul3A_32 = arith.muli %arg1, %mul3A_31 : i32
    %add3A_33 = arith.constant 0 : i32
    %add3A_34 = arith.addi %mul3A_32, %add3A_33 : i32
    "tpu.region"() ({
      %run_scoped3A = tpu.sem_alloc : memref<!tpu.dma_semaphore, #tpu.memory_space<semaphore_mem>>
      %dma_start3A = arith.constant 0 : i32
      %dma_start3A_67 = tpu.memref_slice %arg6[%arg0, %add3A_34, %dma_start3A] : memref<2x10240x128xf32, #tpu.memory_space<hbm>> -> memref<1x128x128xf32, #tpu.memory_space<hbm>>
      %dma_start3A_68 = tpu.memref_squeeze %dma_start3A_67 : memref<1x128x128xf32, #tpu.memory_space<hbm>> -> memref<128x128xf32, #tpu.memory_space<hbm>>
      %dma_start3A_69 = arith.constant 0 : i32
      %dma_start3A_70 = tpu.memref_slice %arg10[%add3A_30, %dma_start3A_69] : memref<10240x128xf32, #tpu.memory_space<vmem_shared>> -> memref<128x128xf32, #tpu.memory_space<vmem_shared>>
      tpu.enqueue_dma source(%dma_start3A_70 : memref<128x128xf32, #tpu.memory_space<vmem_shared>>) target(%dma_start3A_68 : memref<128x128xf32, #tpu.memory_space<hbm>>) target_semaphore(%run_scoped3A : memref<!tpu.dma_semaphore, #tpu.memory_space<semaphore_mem>>)
      %dma_wait3A = arith.constant 0 : i32
      %dma_wait3A_71 = tpu.memref_slice %arg6[%arg0, %add3A_34, %dma_wait3A] : memref<2x10240x128xf32, #tpu.memory_space<hbm>> -> memref<1x128x128xf32, #tpu.memory_space<hbm>>
      %dma_wait3A_72 = tpu.memref_squeeze %dma_wait3A_71 : memref<1x128x128xf32, #tpu.memory_space<hbm>> -> memref<128x128xf32, #tpu.memory_space<hbm>>
      %dma_wait3A_73 = arith.constant 0 : i32
      %dma_wait3A_74 = tpu.memref_slice %arg10[%add3A_30, %dma_wait3A_73] : memref<10240x128xf32, #tpu.memory_space<vmem_shared>> -> memref<128x128xf32, #tpu.memory_space<vmem_shared>>
      tpu.wait_dma2 semaphore(%run_scoped3A : memref<!tpu.dma_semaphore, #tpu.memory_space<semaphore_mem>>) src(%dma_wait3A_74 : memref<128x128xf32, #tpu.memory_space<vmem_shared>>) dst(%dma_wait3A_72 : memref<128x128xf32, #tpu.memory_space<hbm>>)
      tpu.yield
    }) : () -> ()
    %mul3A_35 = arith.constant 640 : i32
    %mul3A_36 = arith.muli %arg1, %mul3A_35 : i32
    %add3A_37 = arith.constant 128 : i32
    %add3A_38 = arith.addi %mul3A_36, %add3A_37 : i32
    %mul3A_39 = arith.constant 640 : i32
    %mul3A_40 = arith.muli %arg1, %mul3A_39 : i32
    %add3A_41 = arith.constant 128 : i32
    %add3A_42 = arith.addi %mul3A_40, %add3A_41 : i32
    "tpu.region"() ({
      %run_scoped3A = tpu.sem_alloc : memref<!tpu.dma_semaphore, #tpu.memory_space<semaphore_mem>>
      %dma_start3A = arith.constant 0 : i32
      %dma_start3A_67 = tpu.memref_slice %arg6[%arg0, %add3A_42, %dma_start3A] : memref<2x10240x128xf32, #tpu.memory_space<hbm>> -> memref<1x128x128xf32, #tpu.memory_space<hbm>>
      %dma_start3A_68 = tpu.memref_squeeze %dma_start3A_67 : memref<1x128x128xf32, #tpu.memory_space<hbm>> -> memref<128x128xf32, #tpu.memory_space<hbm>>
      %dma_start3A_69 = arith.constant 0 : i32
      %dma_start3A_70 = tpu.memref_slice %arg10[%add3A_38, %dma_start3A_69] : memref<10240x128xf32, #tpu.memory_space<vmem_shared>> -> memref<128x128xf32, #tpu.memory_space<vmem_shared>>
      tpu.enqueue_dma source(%dma_start3A_70 : memref<128x128xf32, #tpu.memory_space<vmem_shared>>) target(%dma_start3A_68 : memref<128x128xf32, #tpu.memory_space<hbm>>) target_semaphore(%run_scoped3A : memref<!tpu.dma_semaphore, #tpu.memory_space<semaphore_mem>>)
      %dma_wait3A = arith.constant 0 : i32
      %dma_wait3A_71 = tpu.memref_slice %arg6[%arg0, %add3A_42, %dma_wait3A] : memref<2x10240x128xf32, #tpu.memory_space<hbm>> -> memref<1x128x128xf32, #tpu.memory_space<hbm>>
      %dma_wait3A_72 = tpu.memref_squeeze %dma_wait3A_71 : memref<1x128x128xf32, #tpu.memory_space<hbm>> -> memref<128x128xf32, #tpu.memory_space<hbm>>
      %dma_wait3A_73 = arith.constant 0 : i32
      %dma_wait3A_74 = tpu.memref_slice %arg10[%add3A_38, %dma_wait3A_73] : memref<10240x128xf32, #tpu.memory_space<vmem_shared>> -> memref<128x128xf32, #tpu.memory_space<vmem_shared>>
      tpu.wait_dma2 semaphore(%run_scoped3A : memref<!tpu.dma_semaphore, #tpu.memory_space<semaphore_mem>>) src(%dma_wait3A_74 : memref<128x128xf32, #tpu.memory_space<vmem_shared>>) dst(%dma_wait3A_72 : memref<128x128xf32, #tpu.memory_space<hbm>>)
      tpu.yield
    }) : () -> ()
    %mul3A_43 = arith.constant 640 : i32
    %mul3A_44 = arith.muli %arg1, %mul3A_43 : i32
    %add3A_45 = arith.constant 256 : i32
    %add3A_46 = arith.addi %mul3A_44, %add3A_45 : i32
    %mul3A_47 = arith.constant 640 : i32
    %mul3A_48 = arith.muli %arg1, %mul3A_47 : i32
    %add3A_49 = arith.constant 256 : i32
    %add3A_50 = arith.addi %mul3A_48, %add3A_49 : i32
    "tpu.region"() ({
      %run_scoped3A = tpu.sem_alloc : memref<!tpu.dma_semaphore, #tpu.memory_space<semaphore_mem>>
      %dma_start3A = arith.constant 0 : i32
      %dma_start3A_67 = tpu.memref_slice %arg6[%arg0, %add3A_50, %dma_start3A] : memref<2x10240x128xf32, #tpu.memory_space<hbm>> -> memref<1x128x128xf32, #tpu.memory_space<hbm>>
      %dma_start3A_68 = tpu.memref_squeeze %dma_start3A_67 : memref<1x128x128xf32, #tpu.memory_space<hbm>> -> memref<128x128xf32, #tpu.memory_space<hbm>>
      %dma_start3A_69 = arith.constant 0 : i32
      %dma_start3A_70 = tpu.memref_slice %arg10[%add3A_46, %dma_start3A_69] : memref<10240x128xf32, #tpu.memory_space<vmem_shared>> -> memref<128x128xf32, #tpu.memory_space<vmem_shared>>
      tpu.enqueue_dma source(%dma_start3A_70 : memref<128x128xf32, #tpu.memory_space<vmem_shared>>) target(%dma_start3A_68 : memref<128x128xf32, #tpu.memory_space<hbm>>) target_semaphore(%run_scoped3A : memref<!tpu.dma_semaphore, #tpu.memory_space<semaphore_mem>>)
      %dma_wait3A = arith.constant 0 : i32
      %dma_wait3A_71 = tpu.memref_slice %arg6[%arg0, %add3A_50, %dma_wait3A] : memref<2x10240x128xf32, #tpu.memory_space<hbm>> -> memref<1x128x128xf32, #tpu.memory_space<hbm>>
      %dma_wait3A_72 = tpu.memref_squeeze %dma_wait3A_71 : memref<1x128x128xf32, #tpu.memory_space<hbm>> -> memref<128x128xf32, #tpu.memory_space<hbm>>
      %dma_wait3A_73 = arith.constant 0 : i32
      %dma_wait3A_74 = tpu.memref_slice %arg10[%add3A_46, %dma_wait3A_73] : memref<10240x128xf32, #tpu.memory_space<vmem_shared>> -> memref<128x128xf32, #tpu.memory_space<vmem_shared>>
      tpu.wait_dma2 semaphore(%run_scoped3A : memref<!tpu.dma_semaphore, #tpu.memory_space<semaphore_mem>>) src(%dma_wait3A_74 : memref<128x128xf32, #tpu.memory_space<vmem_shared>>) dst(%dma_wait3A_72 : memref<128x128xf32, #tpu.memory_space<hbm>>)
      tpu.yield
    }) : () -> ()
    %mul3A_51 = arith.constant 640 : i32
    %mul3A_52 = arith.muli %arg1, %mul3A_51 : i32
    %add3A_53 = arith.constant 384 : i32
    %add3A_54 = arith.addi %mul3A_52, %add3A_53 : i32
    %mul3A_55 = arith.constant 640 : i32
    %mul3A_56 = arith.muli %arg1, %mul3A_55 : i32
    %add3A_57 = arith.constant 384 : i32
    %add3A_58 = arith.addi %mul3A_56, %add3A_57 : i32
    "tpu.region"() ({
      %run_scoped3A = tpu.sem_alloc : memref<!tpu.dma_semaphore, #tpu.memory_space<semaphore_mem>>
      %dma_start3A = arith.constant 0 : i32
      %dma_start3A_67 = tpu.memref_slice %arg6[%arg0, %add3A_58, %dma_start3A] : memref<2x10240x128xf32, #tpu.memory_space<hbm>> -> memref<1x128x128xf32, #tpu.memory_space<hbm>>
      %dma_start3A_68 = tpu.memref_squeeze %dma_start3A_67 : memref<1x128x128xf32, #tpu.memory_space<hbm>> -> memref<128x128xf32, #tpu.memory_space<hbm>>
      %dma_start3A_69 = arith.constant 0 : i32
      %dma_start3A_70 = tpu.memref_slice %arg10[%add3A_54, %dma_start3A_69] : memref<10240x128xf32, #tpu.memory_space<vmem_shared>> -> memref<128x128xf32, #tpu.memory_space<vmem_shared>>
      tpu.enqueue_dma source(%dma_start3A_70 : memref<128x128xf32, #tpu.memory_space<vmem_shared>>) target(%dma_start3A_68 : memref<128x128xf32, #tpu.memory_space<hbm>>) target_semaphore(%run_scoped3A : memref<!tpu.dma_semaphore, #tpu.memory_space<semaphore_mem>>)
      %dma_wait3A = arith.constant 0 : i32
      %dma_wait3A_71 = tpu.memref_slice %arg6[%arg0, %add3A_58, %dma_wait3A] : memref<2x10240x128xf32, #tpu.memory_space<hbm>> -> memref<1x128x128xf32, #tpu.memory_space<hbm>>
      %dma_wait3A_72 = tpu.memref_squeeze %dma_wait3A_71 : memref<1x128x128xf32, #tpu.memory_space<hbm>> -> memref<128x128xf32, #tpu.memory_space<hbm>>
      %dma_wait3A_73 = arith.constant 0 : i32
      %dma_wait3A_74 = tpu.memref_slice %arg10[%add3A_54, %dma_wait3A_73] : memref<10240x128xf32, #tpu.memory_space<vmem_shared>> -> memref<128x128xf32, #tpu.memory_space<vmem_shared>>
      tpu.wait_dma2 semaphore(%run_scoped3A : memref<!tpu.dma_semaphore, #tpu.memory_space<semaphore_mem>>) src(%dma_wait3A_74 : memref<128x128xf32, #tpu.memory_space<vmem_shared>>) dst(%dma_wait3A_72 : memref<128x128xf32, #tpu.memory_space<hbm>>)
      tpu.yield
    }) : () -> ()
    %mul3A_59 = arith.constant 640 : i32
    %mul3A_60 = arith.muli %arg1, %mul3A_59 : i32
    %add3A_61 = arith.constant 512 : i32
    %add3A_62 = arith.addi %mul3A_60, %add3A_61 : i32
    %mul3A_63 = arith.constant 640 : i32
    %mul3A_64 = arith.muli %arg1, %mul3A_63 : i32
    %add3A_65 = arith.constant 512 : i32
    %add3A_66 = arith.addi %mul3A_64, %add3A_65 : i32
    "tpu.region"() ({
      %run_scoped3A = tpu.sem_alloc : memref<!tpu.dma_semaphore, #tpu.memory_space<semaphore_mem>>
      %dma_start3A = arith.constant 0 : i32
      %dma_start3A_67 = tpu.memref_slice %arg6[%arg0, %add3A_66, %dma_start3A] : memref<2x10240x128xf32, #tpu.memory_space<hbm>> -> memref<1x128x128xf32, #tpu.memory_space<hbm>>
      %dma_start3A_68 = tpu.memref_squeeze %dma_start3A_67 : memref<1x128x128xf32, #tpu.memory_space<hbm>> -> memref<128x128xf32, #tpu.memory_space<hbm>>
      %dma_start3A_69 = arith.constant 0 : i32
      %dma_start3A_70 = tpu.memref_slice %arg10[%add3A_62, %dma_start3A_69] : memref<10240x128xf32, #tpu.memory_space<vmem_shared>> -> memref<128x128xf32, #tpu.memory_space<vmem_shared>>
      tpu.enqueue_dma source(%dma_start3A_70 : memref<128x128xf32, #tpu.memory_space<vmem_shared>>) target(%dma_start3A_68 : memref<128x128xf32, #tpu.memory_space<hbm>>) target_semaphore(%run_scoped3A : memref<!tpu.dma_semaphore, #tpu.memory_space<semaphore_mem>>)
      %dma_wait3A = arith.constant 0 : i32
      %dma_wait3A_71 = tpu.memref_slice %arg6[%arg0, %add3A_66, %dma_wait3A] : memref<2x10240x128xf32, #tpu.memory_space<hbm>> -> memref<1x128x128xf32, #tpu.memory_space<hbm>>
      %dma_wait3A_72 = tpu.memref_squeeze %dma_wait3A_71 : memref<1x128x128xf32, #tpu.memory_space<hbm>> -> memref<128x128xf32, #tpu.memory_space<hbm>>
      %dma_wait3A_73 = arith.constant 0 : i32
      %dma_wait3A_74 = tpu.memref_slice %arg10[%add3A_62, %dma_wait3A_73] : memref<10240x128xf32, #tpu.memory_space<vmem_shared>> -> memref<128x128xf32, #tpu.memory_space<vmem_shared>>
      tpu.wait_dma2 semaphore(%run_scoped3A : memref<!tpu.dma_semaphore, #tpu.memory_space<semaphore_mem>>) src(%dma_wait3A_74 : memref<128x128xf32, #tpu.memory_space<vmem_shared>>) dst(%dma_wait3A_72 : memref<128x128xf32, #tpu.memory_space<hbm>>)
      tpu.yield
    }) : () -> ()
    return
  }
}

#map = affine_map<(d0, d1) -> (0, 0, 0)>
#map1 = affine_map<(d0, d1) -> (0, 0)>
module attributes {stable_mosaic.version = 14 : i64} {
  func.func @deg_k(%arg0: i32, %arg1: i32, %arg2: memref<32x79x128xi32, #tpu.memory_space<hbm>>, %arg3: memref<128x128xf32, #tpu.memory_space<hbm>>, %arg4: memref<128x128xf32, #tpu.memory_space<hbm>>, %arg5: memref<2x10240x128xf32, #tpu.memory_space<hbm>>, %arg6: memref<79x128xi32, #tpu.memory_space<vmem>>, %arg7: memref<128x128xf32, #tpu.memory_space<vmem>>, %arg8: memref<10240x128xf32, #tpu.memory_space<vmem_shared>>) attributes {dimension_semantics = [#tpu.dimension_semantics<core_parallel>, #tpu.dimension_semantics<subcore_parallel>], iteration_bounds = array<i64: 2, 16>, scalar_prefetch = 0 : i64, scratch_operands = 3 : i64, tpu.core_type = #tpu.core_type<sc_vector_subcore>, window_params = [{transform_indices = #map}, {transform_indices = #map1}, {transform_indices = #map1}, {transform_indices = #map}]} {
    %mul3A = arith.constant 16 : i32
    %mul3A_0 = arith.muli %arg0, %mul3A : i32
    %add3A = arith.addi %mul3A_0, %arg1 : i32
    "tpu.region"() ({
      %run_scoped3A = tpu.sem_alloc : memref<!tpu.dma_semaphore, #tpu.memory_space<semaphore_mem>>
      %dma_start3A = arith.constant 0 : i32
      %dma_start3A_67 = arith.constant 0 : i32
      %dma_start3A_68 = tpu.memref_slice %arg2[%add3A, %dma_start3A, %dma_start3A_67] : memref<32x79x128xi32, #tpu.memory_space<hbm>> -> memref<1x79x128xi32, #tpu.memory_space<hbm>>
      %dma_start3A_69 = tpu.memref_squeeze %dma_start3A_68 : memref<1x79x128xi32, #tpu.memory_space<hbm>> -> memref<79x128xi32, #tpu.memory_space<hbm>>
      %dma_start3A_70 = arith.constant 0 : i32
      %dma_start3A_71 = arith.constant 0 : i32
      %dma_start3A_72 = tpu.memref_slice %arg2[%add3A, %dma_start3A_70, %dma_start3A_71] : memref<32x79x128xi32, #tpu.memory_space<hbm>> -> memref<1x79x128xi32, #tpu.memory_space<hbm>>
      %dma_start3A_73 = tpu.memref_squeeze %dma_start3A_72 : memref<1x79x128xi32, #tpu.memory_space<hbm>> -> memref<79x128xi32, #tpu.memory_space<hbm>>
      tpu.enqueue_dma source(%dma_start3A_73 : memref<79x128xi32, #tpu.memory_space<hbm>>) target(%arg6 : memref<79x128xi32, #tpu.memory_space<vmem>>) target_semaphore(%run_scoped3A : memref<!tpu.dma_semaphore, #tpu.memory_space<semaphore_mem>>)
      %dma_wait3A = arith.constant 0 : i32
      %dma_wait3A_74 = arith.constant 0 : i32
      %dma_wait3A_75 = tpu.memref_slice %arg2[%add3A, %dma_wait3A, %dma_wait3A_74] : memref<32x79x128xi32, #tpu.memory_space<hbm>> -> memref<1x79x128xi32, #tpu.memory_space<hbm>>
      %dma_wait3A_76 = tpu.memref_squeeze %dma_wait3A_75 : memref<1x79x128xi32, #tpu.memory_space<hbm>> -> memref<79x128xi32, #tpu.memory_space<hbm>>
      %dma_wait3A_77 = arith.constant 0 : i32
      %dma_wait3A_78 = arith.constant 0 : i32
      %dma_wait3A_79 = tpu.memref_slice %arg2[%add3A, %dma_wait3A_77, %dma_wait3A_78] : memref<32x79x128xi32, #tpu.memory_space<hbm>> -> memref<1x79x128xi32, #tpu.memory_space<hbm>>
      %dma_wait3A_80 = tpu.memref_squeeze %dma_wait3A_79 : memref<1x79x128xi32, #tpu.memory_space<hbm>> -> memref<79x128xi32, #tpu.memory_space<hbm>>
      tpu.wait_dma2 semaphore(%run_scoped3A : memref<!tpu.dma_semaphore, #tpu.memory_space<semaphore_mem>>) src(%dma_wait3A_80 : memref<79x128xi32, #tpu.memory_space<hbm>>) dst(%arg6 : memref<79x128xi32, #tpu.memory_space<vmem>>)
      tpu.yield
    }) : () -> ()
    "tpu.region"() ({
      %run_scoped3A = tpu.sem_alloc : memref<!tpu.dma_semaphore, #tpu.memory_space<semaphore_mem>>
      tpu.enqueue_dma source(%arg3 : memref<128x128xf32, #tpu.memory_space<hbm>>) target(%arg7 : memref<128x128xf32, #tpu.memory_space<vmem>>) target_semaphore(%run_scoped3A : memref<!tpu.dma_semaphore, #tpu.memory_space<semaphore_mem>>)
      tpu.wait_dma2 semaphore(%run_scoped3A : memref<!tpu.dma_semaphore, #tpu.memory_space<semaphore_mem>>) src(%arg3 : memref<128x128xf32, #tpu.memory_space<hbm>>) dst(%arg7 : memref<128x128xf32, #tpu.memory_space<vmem>>)
      tpu.yield
    }) : () -> ()
    %mul3A_1 = arith.constant 640 : i32
    %mul3A_2 = arith.muli %arg1, %mul3A_1 : i32
    %add3A_3 = arith.constant 0 : i32
    %add3A_4 = arith.addi %mul3A_2, %add3A_3 : i32
    "tpu.region"() ({
      %run_scoped3A = tpu.sem_alloc : memref<!tpu.dma_semaphore, #tpu.memory_space<semaphore_mem>>
      %dma_start3A = arith.constant 0 : i32
      %dma_start3A_67 = tpu.memref_slice %arg8[%add3A_4, %dma_start3A] : memref<10240x128xf32, #tpu.memory_space<vmem_shared>> -> memref<128x128xf32, #tpu.memory_space<vmem_shared>>
      tpu.enqueue_dma source(%arg4 : memref<128x128xf32, #tpu.memory_space<hbm>>) target(%dma_start3A_67 : memref<128x128xf32, #tpu.memory_space<vmem_shared>>) target_semaphore(%run_scoped3A : memref<!tpu.dma_semaphore, #tpu.memory_space<semaphore_mem>>)
      %dma_wait3A = arith.constant 0 : i32
      %dma_wait3A_68 = tpu.memref_slice %arg8[%add3A_4, %dma_wait3A] : memref<10240x128xf32, #tpu.memory_space<vmem_shared>> -> memref<128x128xf32, #tpu.memory_space<vmem_shared>>
      tpu.wait_dma2 semaphore(%run_scoped3A : memref<!tpu.dma_semaphore, #tpu.memory_space<semaphore_mem>>) src(%arg4 : memref<128x128xf32, #tpu.memory_space<hbm>>) dst(%dma_wait3A_68 : memref<128x128xf32, #tpu.memory_space<vmem_shared>>)
      tpu.yield
    }) : () -> ()
    %mul3A_5 = arith.constant 640 : i32
    %mul3A_6 = arith.muli %arg1, %mul3A_5 : i32
    %add3A_7 = arith.constant 128 : i32
    %add3A_8 = arith.addi %mul3A_6, %add3A_7 : i32
    "tpu.region"() ({
      %run_scoped3A = tpu.sem_alloc : memref<!tpu.dma_semaphore, #tpu.memory_space<semaphore_mem>>
      %dma_start3A = arith.constant 0 : i32
      %dma_start3A_67 = tpu.memref_slice %arg8[%add3A_8, %dma_start3A] : memref<10240x128xf32, #tpu.memory_space<vmem_shared>> -> memref<128x128xf32, #tpu.memory_space<vmem_shared>>
      tpu.enqueue_dma source(%arg4 : memref<128x128xf32, #tpu.memory_space<hbm>>) target(%dma_start3A_67 : memref<128x128xf32, #tpu.memory_space<vmem_shared>>) target_semaphore(%run_scoped3A : memref<!tpu.dma_semaphore, #tpu.memory_space<semaphore_mem>>)
      %dma_wait3A = arith.constant 0 : i32
      %dma_wait3A_68 = tpu.memref_slice %arg8[%add3A_8, %dma_wait3A] : memref<10240x128xf32, #tpu.memory_space<vmem_shared>> -> memref<128x128xf32, #tpu.memory_space<vmem_shared>>
      tpu.wait_dma2 semaphore(%run_scoped3A : memref<!tpu.dma_semaphore, #tpu.memory_space<semaphore_mem>>) src(%arg4 : memref<128x128xf32, #tpu.memory_space<hbm>>) dst(%dma_wait3A_68 : memref<128x128xf32, #tpu.memory_space<vmem_shared>>)
      tpu.yield
    }) : () -> ()
    %mul3A_9 = arith.constant 640 : i32
    %mul3A_10 = arith.muli %arg1, %mul3A_9 : i32
    %add3A_11 = arith.constant 256 : i32
    %add3A_12 = arith.addi %mul3A_10, %add3A_11 : i32
    "tpu.region"() ({
      %run_scoped3A = tpu.sem_alloc : memref<!tpu.dma_semaphore, #tpu.memory_space<semaphore_mem>>
      %dma_start3A = arith.constant 0 : i32
      %dma_start3A_67 = tpu.memref_slice %arg8[%add3A_12, %dma_start3A] : memref<10240x128xf32, #tpu.memory_space<vmem_shared>> -> memref<128x128xf32, #tpu.memory_space<vmem_shared>>
      tpu.enqueue_dma source(%arg4 : memref<128x128xf32, #tpu.memory_space<hbm>>) target(%dma_start3A_67 : memref<128x128xf32, #tpu.memory_space<vmem_shared>>) target_semaphore(%run_scoped3A : memref<!tpu.dma_semaphore, #tpu.memory_space<semaphore_mem>>)
      %dma_wait3A = arith.constant 0 : i32
      %dma_wait3A_68 = tpu.memref_slice %arg8[%add3A_12, %dma_wait3A] : memref<10240x128xf32, #tpu.memory_space<vmem_shared>> -> memref<128x128xf32, #tpu.memory_space<vmem_shared>>
      tpu.wait_dma2 semaphore(%run_scoped3A : memref<!tpu.dma_semaphore, #tpu.memory_space<semaphore_mem>>) src(%arg4 : memref<128x128xf32, #tpu.memory_space<hbm>>) dst(%dma_wait3A_68 : memref<128x128xf32, #tpu.memory_space<vmem_shared>>)
      tpu.yield
    }) : () -> ()
    %mul3A_13 = arith.constant 640 : i32
    %mul3A_14 = arith.muli %arg1, %mul3A_13 : i32
    %add3A_15 = arith.constant 384 : i32
    %add3A_16 = arith.addi %mul3A_14, %add3A_15 : i32
    "tpu.region"() ({
      %run_scoped3A = tpu.sem_alloc : memref<!tpu.dma_semaphore, #tpu.memory_space<semaphore_mem>>
      %dma_start3A = arith.constant 0 : i32
      %dma_start3A_67 = tpu.memref_slice %arg8[%add3A_16, %dma_start3A] : memref<10240x128xf32, #tpu.memory_space<vmem_shared>> -> memref<128x128xf32, #tpu.memory_space<vmem_shared>>
      tpu.enqueue_dma source(%arg4 : memref<128x128xf32, #tpu.memory_space<hbm>>) target(%dma_start3A_67 : memref<128x128xf32, #tpu.memory_space<vmem_shared>>) target_semaphore(%run_scoped3A : memref<!tpu.dma_semaphore, #tpu.memory_space<semaphore_mem>>)
      %dma_wait3A = arith.constant 0 : i32
      %dma_wait3A_68 = tpu.memref_slice %arg8[%add3A_16, %dma_wait3A] : memref<10240x128xf32, #tpu.memory_space<vmem_shared>> -> memref<128x128xf32, #tpu.memory_space<vmem_shared>>
      tpu.wait_dma2 semaphore(%run_scoped3A : memref<!tpu.dma_semaphore, #tpu.memory_space<semaphore_mem>>) src(%arg4 : memref<128x128xf32, #tpu.memory_space<hbm>>) dst(%dma_wait3A_68 : memref<128x128xf32, #tpu.memory_space<vmem_shared>>)
      tpu.yield
    }) : () -> ()
    %mul3A_17 = arith.constant 640 : i32
    %mul3A_18 = arith.muli %arg1, %mul3A_17 : i32
    %add3A_19 = arith.constant 512 : i32
    %add3A_20 = arith.addi %mul3A_18, %add3A_19 : i32
    "tpu.region"() ({
      %run_scoped3A = tpu.sem_alloc : memref<!tpu.dma_semaphore, #tpu.memory_space<semaphore_mem>>
      %dma_start3A = arith.constant 0 : i32
      %dma_start3A_67 = tpu.memref_slice %arg8[%add3A_20, %dma_start3A] : memref<10240x128xf32, #tpu.memory_space<vmem_shared>> -> memref<128x128xf32, #tpu.memory_space<vmem_shared>>
      tpu.enqueue_dma source(%arg4 : memref<128x128xf32, #tpu.memory_space<hbm>>) target(%dma_start3A_67 : memref<128x128xf32, #tpu.memory_space<vmem_shared>>) target_semaphore(%run_scoped3A : memref<!tpu.dma_semaphore, #tpu.memory_space<semaphore_mem>>)
      %dma_wait3A = arith.constant 0 : i32
      %dma_wait3A_68 = tpu.memref_slice %arg8[%add3A_20, %dma_wait3A] : memref<10240x128xf32, #tpu.memory_space<vmem_shared>> -> memref<128x128xf32, #tpu.memory_space<vmem_shared>>
      tpu.wait_dma2 semaphore(%run_scoped3A : memref<!tpu.dma_semaphore, #tpu.memory_space<semaphore_mem>>) src(%arg4 : memref<128x128xf32, #tpu.memory_space<hbm>>) dst(%dma_wait3A_68 : memref<128x128xf32, #tpu.memory_space<vmem_shared>>)
      tpu.yield
    }) : () -> ()
    %barrier3A = arith.constant 0 : index
    tpu.barrier barrier_id(%barrier3A)
    %scan3A = arith.constant 0 : i32
    %scan3A_21 = arith.constant 0 : i32
    %scan3A_22 = arith.constant 79 : i32
    %scan3A_23 = arith.addi %scan3A_21, %scan3A_22 : i32
    %scan3A_24 = arith.constant 1 : i32
    scf.for %scan3A_67 = %scan3A_21 to %scan3A_23 step %scan3A_24  : i32 {
      "tpu.region"() ({
        %run_scoped3A = tpu.sem_alloc : memref<!tpu.dma_semaphore, #tpu.memory_space<semaphore_mem>>
        %dma_start3A = arith.constant 0 : i32
        %dma_start3A_68 = tpu.memref_slice %arg6[%scan3A_67, %dma_start3A] : memref<79x128xi32, #tpu.memory_space<vmem>> -> memref<1x128xi32, #tpu.memory_space<vmem>>
        %dma_start3A_69 = tpu.memref_squeeze %dma_start3A_68 : memref<1x128xi32, #tpu.memory_space<vmem>> -> memref<128xi32, #tpu.memory_space<vmem>>
        %dma_start3A_70 = arith.constant 0 : i32
        %dma_start3A_71 = arith.constant 0 : i32
        %dma_start3A_72 = tpu.memref_slice %arg8[%dma_start3A_70, %dma_start3A_71] : memref<10240x128xf32, #tpu.memory_space<vmem_shared>> -> memref<10240x128xf32, #tpu.memory_space<vmem_shared>>
        tpu.enqueue_indirect_dma source(%arg7 : memref<128x128xf32, #tpu.memory_space<vmem>>) target(%dma_start3A_72 : memref<10240x128xf32, #tpu.memory_space<vmem_shared>>) offsets(%dma_start3A_69 : memref<128xi32, #tpu.memory_space<vmem>>) semaphore(%run_scoped3A : memref<!tpu.dma_semaphore, #tpu.memory_space<semaphore_mem>>) {add = true}
        %dma_wait3A = arith.constant 0 : i32
        %dma_wait3A_73 = tpu.memref_slice %arg6[%scan3A_67, %dma_wait3A] : memref<79x128xi32, #tpu.memory_space<vmem>> -> memref<1x128xi32, #tpu.memory_space<vmem>>
        %dma_wait3A_74 = tpu.memref_squeeze %dma_wait3A_73 : memref<1x128xi32, #tpu.memory_space<vmem>> -> memref<128xi32, #tpu.memory_space<vmem>>
        %dma_wait3A_75 = arith.constant 0 : i32
        %dma_wait3A_76 = arith.constant 0 : i32
        %dma_wait3A_77 = tpu.memref_slice %arg8[%dma_wait3A_75, %dma_wait3A_76] : memref<10240x128xf32, #tpu.memory_space<vmem_shared>> -> memref<10240x128xf32, #tpu.memory_space<vmem_shared>>
        tpu.wait_indirect_dma semaphore(%run_scoped3A : memref<!tpu.dma_semaphore, #tpu.memory_space<semaphore_mem>>) src(%arg7 : memref<128x128xf32, #tpu.memory_space<vmem>>) dst(%dma_wait3A_77 : memref<10240x128xf32, #tpu.memory_space<vmem_shared>>)
        tpu.yield
      }) : () -> ()
    }
    %scan3A_25 = arith.constant 79 : i32
    %barrier3A_26 = arith.constant 0 : index
    tpu.barrier barrier_id(%barrier3A_26)
    %mul3A_27 = arith.constant 640 : i32
    %mul3A_28 = arith.muli %arg1, %mul3A_27 : i32
    %add3A_29 = arith.constant 0 : i32
    %add3A_30 = arith.addi %mul3A_28, %add3A_29 : i32
    %mul3A_31 = arith.constant 640 : i32
    %mul3A_32 = arith.muli %arg1, %mul3A_31 : i32
    %add3A_33 = arith.constant 0 : i32
    %add3A_34 = arith.addi %mul3A_32, %add3A_33 : i32
    "tpu.region"() ({
      %run_scoped3A = tpu.sem_alloc : memref<!tpu.dma_semaphore, #tpu.memory_space<semaphore_mem>>
      %dma_start3A = arith.constant 0 : i32
      %dma_start3A_67 = tpu.memref_slice %arg5[%arg0, %add3A_34, %dma_start3A] : memref<2x10240x128xf32, #tpu.memory_space<hbm>> -> memref<1x128x128xf32, #tpu.memory_space<hbm>>
      %dma_start3A_68 = tpu.memref_squeeze %dma_start3A_67 : memref<1x128x128xf32, #tpu.memory_space<hbm>> -> memref<128x128xf32, #tpu.memory_space<hbm>>
      %dma_start3A_69 = arith.constant 0 : i32
      %dma_start3A_70 = tpu.memref_slice %arg8[%add3A_30, %dma_start3A_69] : memref<10240x128xf32, #tpu.memory_space<vmem_shared>> -> memref<128x128xf32, #tpu.memory_space<vmem_shared>>
      tpu.enqueue_dma source(%dma_start3A_70 : memref<128x128xf32, #tpu.memory_space<vmem_shared>>) target(%dma_start3A_68 : memref<128x128xf32, #tpu.memory_space<hbm>>) target_semaphore(%run_scoped3A : memref<!tpu.dma_semaphore, #tpu.memory_space<semaphore_mem>>)
      %dma_wait3A = arith.constant 0 : i32
      %dma_wait3A_71 = tpu.memref_slice %arg5[%arg0, %add3A_34, %dma_wait3A] : memref<2x10240x128xf32, #tpu.memory_space<hbm>> -> memref<1x128x128xf32, #tpu.memory_space<hbm>>
      %dma_wait3A_72 = tpu.memref_squeeze %dma_wait3A_71 : memref<1x128x128xf32, #tpu.memory_space<hbm>> -> memref<128x128xf32, #tpu.memory_space<hbm>>
      %dma_wait3A_73 = arith.constant 0 : i32
      %dma_wait3A_74 = tpu.memref_slice %arg8[%add3A_30, %dma_wait3A_73] : memref<10240x128xf32, #tpu.memory_space<vmem_shared>> -> memref<128x128xf32, #tpu.memory_space<vmem_shared>>
      tpu.wait_dma2 semaphore(%run_scoped3A : memref<!tpu.dma_semaphore, #tpu.memory_space<semaphore_mem>>) src(%dma_wait3A_74 : memref<128x128xf32, #tpu.memory_space<vmem_shared>>) dst(%dma_wait3A_72 : memref<128x128xf32, #tpu.memory_space<hbm>>)
      tpu.yield
    }) : () -> ()
    %mul3A_35 = arith.constant 640 : i32
    %mul3A_36 = arith.muli %arg1, %mul3A_35 : i32
    %add3A_37 = arith.constant 128 : i32
    %add3A_38 = arith.addi %mul3A_36, %add3A_37 : i32
    %mul3A_39 = arith.constant 640 : i32
    %mul3A_40 = arith.muli %arg1, %mul3A_39 : i32
    %add3A_41 = arith.constant 128 : i32
    %add3A_42 = arith.addi %mul3A_40, %add3A_41 : i32
    "tpu.region"() ({
      %run_scoped3A = tpu.sem_alloc : memref<!tpu.dma_semaphore, #tpu.memory_space<semaphore_mem>>
      %dma_start3A = arith.constant 0 : i32
      %dma_start3A_67 = tpu.memref_slice %arg5[%arg0, %add3A_42, %dma_start3A] : memref<2x10240x128xf32, #tpu.memory_space<hbm>> -> memref<1x128x128xf32, #tpu.memory_space<hbm>>
      %dma_start3A_68 = tpu.memref_squeeze %dma_start3A_67 : memref<1x128x128xf32, #tpu.memory_space<hbm>> -> memref<128x128xf32, #tpu.memory_space<hbm>>
      %dma_start3A_69 = arith.constant 0 : i32
      %dma_start3A_70 = tpu.memref_slice %arg8[%add3A_38, %dma_start3A_69] : memref<10240x128xf32, #tpu.memory_space<vmem_shared>> -> memref<128x128xf32, #tpu.memory_space<vmem_shared>>
      tpu.enqueue_dma source(%dma_start3A_70 : memref<128x128xf32, #tpu.memory_space<vmem_shared>>) target(%dma_start3A_68 : memref<128x128xf32, #tpu.memory_space<hbm>>) target_semaphore(%run_scoped3A : memref<!tpu.dma_semaphore, #tpu.memory_space<semaphore_mem>>)
      %dma_wait3A = arith.constant 0 : i32
      %dma_wait3A_71 = tpu.memref_slice %arg5[%arg0, %add3A_42, %dma_wait3A] : memref<2x10240x128xf32, #tpu.memory_space<hbm>> -> memref<1x128x128xf32, #tpu.memory_space<hbm>>
      %dma_wait3A_72 = tpu.memref_squeeze %dma_wait3A_71 : memref<1x128x128xf32, #tpu.memory_space<hbm>> -> memref<128x128xf32, #tpu.memory_space<hbm>>
      %dma_wait3A_73 = arith.constant 0 : i32
      %dma_wait3A_74 = tpu.memref_slice %arg8[%add3A_38, %dma_wait3A_73] : memref<10240x128xf32, #tpu.memory_space<vmem_shared>> -> memref<128x128xf32, #tpu.memory_space<vmem_shared>>
      tpu.wait_dma2 semaphore(%run_scoped3A : memref<!tpu.dma_semaphore, #tpu.memory_space<semaphore_mem>>) src(%dma_wait3A_74 : memref<128x128xf32, #tpu.memory_space<vmem_shared>>) dst(%dma_wait3A_72 : memref<128x128xf32, #tpu.memory_space<hbm>>)
      tpu.yield
    }) : () -> ()
    %mul3A_43 = arith.constant 640 : i32
    %mul3A_44 = arith.muli %arg1, %mul3A_43 : i32
    %add3A_45 = arith.constant 256 : i32
    %add3A_46 = arith.addi %mul3A_44, %add3A_45 : i32
    %mul3A_47 = arith.constant 640 : i32
    %mul3A_48 = arith.muli %arg1, %mul3A_47 : i32
    %add3A_49 = arith.constant 256 : i32
    %add3A_50 = arith.addi %mul3A_48, %add3A_49 : i32
    "tpu.region"() ({
      %run_scoped3A = tpu.sem_alloc : memref<!tpu.dma_semaphore, #tpu.memory_space<semaphore_mem>>
      %dma_start3A = arith.constant 0 : i32
      %dma_start3A_67 = tpu.memref_slice %arg5[%arg0, %add3A_50, %dma_start3A] : memref<2x10240x128xf32, #tpu.memory_space<hbm>> -> memref<1x128x128xf32, #tpu.memory_space<hbm>>
      %dma_start3A_68 = tpu.memref_squeeze %dma_start3A_67 : memref<1x128x128xf32, #tpu.memory_space<hbm>> -> memref<128x128xf32, #tpu.memory_space<hbm>>
      %dma_start3A_69 = arith.constant 0 : i32
      %dma_start3A_70 = tpu.memref_slice %arg8[%add3A_46, %dma_start3A_69] : memref<10240x128xf32, #tpu.memory_space<vmem_shared>> -> memref<128x128xf32, #tpu.memory_space<vmem_shared>>
      tpu.enqueue_dma source(%dma_start3A_70 : memref<128x128xf32, #tpu.memory_space<vmem_shared>>) target(%dma_start3A_68 : memref<128x128xf32, #tpu.memory_space<hbm>>) target_semaphore(%run_scoped3A : memref<!tpu.dma_semaphore, #tpu.memory_space<semaphore_mem>>)
      %dma_wait3A = arith.constant 0 : i32
      %dma_wait3A_71 = tpu.memref_slice %arg5[%arg0, %add3A_50, %dma_wait3A] : memref<2x10240x128xf32, #tpu.memory_space<hbm>> -> memref<1x128x128xf32, #tpu.memory_space<hbm>>
      %dma_wait3A_72 = tpu.memref_squeeze %dma_wait3A_71 : memref<1x128x128xf32, #tpu.memory_space<hbm>> -> memref<128x128xf32, #tpu.memory_space<hbm>>
      %dma_wait3A_73 = arith.constant 0 : i32
      %dma_wait3A_74 = tpu.memref_slice %arg8[%add3A_46, %dma_wait3A_73] : memref<10240x128xf32, #tpu.memory_space<vmem_shared>> -> memref<128x128xf32, #tpu.memory_space<vmem_shared>>
      tpu.wait_dma2 semaphore(%run_scoped3A : memref<!tpu.dma_semaphore, #tpu.memory_space<semaphore_mem>>) src(%dma_wait3A_74 : memref<128x128xf32, #tpu.memory_space<vmem_shared>>) dst(%dma_wait3A_72 : memref<128x128xf32, #tpu.memory_space<hbm>>)
      tpu.yield
    }) : () -> ()
    %mul3A_51 = arith.constant 640 : i32
    %mul3A_52 = arith.muli %arg1, %mul3A_51 : i32
    %add3A_53 = arith.constant 384 : i32
    %add3A_54 = arith.addi %mul3A_52, %add3A_53 : i32
    %mul3A_55 = arith.constant 640 : i32
    %mul3A_56 = arith.muli %arg1, %mul3A_55 : i32
    %add3A_57 = arith.constant 384 : i32
    %add3A_58 = arith.addi %mul3A_56, %add3A_57 : i32
    "tpu.region"() ({
      %run_scoped3A = tpu.sem_alloc : memref<!tpu.dma_semaphore, #tpu.memory_space<semaphore_mem>>
      %dma_start3A = arith.constant 0 : i32
      %dma_start3A_67 = tpu.memref_slice %arg5[%arg0, %add3A_58, %dma_start3A] : memref<2x10240x128xf32, #tpu.memory_space<hbm>> -> memref<1x128x128xf32, #tpu.memory_space<hbm>>
      %dma_start3A_68 = tpu.memref_squeeze %dma_start3A_67 : memref<1x128x128xf32, #tpu.memory_space<hbm>> -> memref<128x128xf32, #tpu.memory_space<hbm>>
      %dma_start3A_69 = arith.constant 0 : i32
      %dma_start3A_70 = tpu.memref_slice %arg8[%add3A_54, %dma_start3A_69] : memref<10240x128xf32, #tpu.memory_space<vmem_shared>> -> memref<128x128xf32, #tpu.memory_space<vmem_shared>>
      tpu.enqueue_dma source(%dma_start3A_70 : memref<128x128xf32, #tpu.memory_space<vmem_shared>>) target(%dma_start3A_68 : memref<128x128xf32, #tpu.memory_space<hbm>>) target_semaphore(%run_scoped3A : memref<!tpu.dma_semaphore, #tpu.memory_space<semaphore_mem>>)
      %dma_wait3A = arith.constant 0 : i32
      %dma_wait3A_71 = tpu.memref_slice %arg5[%arg0, %add3A_58, %dma_wait3A] : memref<2x10240x128xf32, #tpu.memory_space<hbm>> -> memref<1x128x128xf32, #tpu.memory_space<hbm>>
      %dma_wait3A_72 = tpu.memref_squeeze %dma_wait3A_71 : memref<1x128x128xf32, #tpu.memory_space<hbm>> -> memref<128x128xf32, #tpu.memory_space<hbm>>
      %dma_wait3A_73 = arith.constant 0 : i32
      %dma_wait3A_74 = tpu.memref_slice %arg8[%add3A_54, %dma_wait3A_73] : memref<10240x128xf32, #tpu.memory_space<vmem_shared>> -> memref<128x128xf32, #tpu.memory_space<vmem_shared>>
      tpu.wait_dma2 semaphore(%run_scoped3A : memref<!tpu.dma_semaphore, #tpu.memory_space<semaphore_mem>>) src(%dma_wait3A_74 : memref<128x128xf32, #tpu.memory_space<vmem_shared>>) dst(%dma_wait3A_72 : memref<128x128xf32, #tpu.memory_space<hbm>>)
      tpu.yield
    }) : () -> ()
    %mul3A_59 = arith.constant 640 : i32
    %mul3A_60 = arith.muli %arg1, %mul3A_59 : i32
    %add3A_61 = arith.constant 512 : i32
    %add3A_62 = arith.addi %mul3A_60, %add3A_61 : i32
    %mul3A_63 = arith.constant 640 : i32
    %mul3A_64 = arith.muli %arg1, %mul3A_63 : i32
    %add3A_65 = arith.constant 512 : i32
    %add3A_66 = arith.addi %mul3A_64, %add3A_65 : i32
    "tpu.region"() ({
      %run_scoped3A = tpu.sem_alloc : memref<!tpu.dma_semaphore, #tpu.memory_space<semaphore_mem>>
      %dma_start3A = arith.constant 0 : i32
      %dma_start3A_67 = tpu.memref_slice %arg5[%arg0, %add3A_66, %dma_start3A] : memref<2x10240x128xf32, #tpu.memory_space<hbm>> -> memref<1x128x128xf32, #tpu.memory_space<hbm>>
      %dma_start3A_68 = tpu.memref_squeeze %dma_start3A_67 : memref<1x128x128xf32, #tpu.memory_space<hbm>> -> memref<128x128xf32, #tpu.memory_space<hbm>>
      %dma_start3A_69 = arith.constant 0 : i32
      %dma_start3A_70 = tpu.memref_slice %arg8[%add3A_62, %dma_start3A_69] : memref<10240x128xf32, #tpu.memory_space<vmem_shared>> -> memref<128x128xf32, #tpu.memory_space<vmem_shared>>
      tpu.enqueue_dma source(%dma_start3A_70 : memref<128x128xf32, #tpu.memory_space<vmem_shared>>) target(%dma_start3A_68 : memref<128x128xf32, #tpu.memory_space<hbm>>) target_semaphore(%run_scoped3A : memref<!tpu.dma_semaphore, #tpu.memory_space<semaphore_mem>>)
      %dma_wait3A = arith.constant 0 : i32
      %dma_wait3A_71 = tpu.memref_slice %arg5[%arg0, %add3A_66, %dma_wait3A] : memref<2x10240x128xf32, #tpu.memory_space<hbm>> -> memref<1x128x128xf32, #tpu.memory_space<hbm>>
      %dma_wait3A_72 = tpu.memref_squeeze %dma_wait3A_71 : memref<1x128x128xf32, #tpu.memory_space<hbm>> -> memref<128x128xf32, #tpu.memory_space<hbm>>
      %dma_wait3A_73 = arith.constant 0 : i32
      %dma_wait3A_74 = tpu.memref_slice %arg8[%add3A_62, %dma_wait3A_73] : memref<10240x128xf32, #tpu.memory_space<vmem_shared>> -> memref<128x128xf32, #tpu.memory_space<vmem_shared>>
      tpu.wait_dma2 semaphore(%run_scoped3A : memref<!tpu.dma_semaphore, #tpu.memory_space<semaphore_mem>>) src(%dma_wait3A_74 : memref<128x128xf32, #tpu.memory_space<vmem_shared>>) dst(%dma_wait3A_72 : memref<128x128xf32, #tpu.memory_space<hbm>>)
      tpu.yield
    }) : () -> ()
    return
  }
}

#map = affine_map<(d0, d1) -> (0, 0)>
#map1 = affine_map<(d0, d1) -> (0, 0, 0)>
module attributes {stable_mosaic.version = 14 : i64} {
  func.func @scat_k(%arg0: i32, %arg1: i32, %arg2: memref<10000x128xf32, #tpu.memory_space<hbm>>, %arg3: memref<32x79x128xi32, #tpu.memory_space<hbm>>, %arg4: memref<32x79x128xi32, #tpu.memory_space<hbm>>, %arg5: memref<128x128xf32, #tpu.memory_space<hbm>>, %arg6: memref<2x10240x128xf32, #tpu.memory_space<hbm>>, %arg7: memref<79x128xi32, #tpu.memory_space<vmem>>, %arg8: memref<79x128xi32, #tpu.memory_space<vmem>>, %arg9: memref<128x128xf32, #tpu.memory_space<vmem>>, %arg10: memref<10240x128xf32, #tpu.memory_space<vmem_shared>>, %arg11: memref<!tpu.dma_semaphore, #tpu.memory_space<semaphore_mem>>) attributes {dimension_semantics = [#tpu.dimension_semantics<core_parallel>, #tpu.dimension_semantics<subcore_parallel>], iteration_bounds = array<i64: 2, 16>, scalar_prefetch = 0 : i64, scratch_operands = 5 : i64, tpu.core_type = #tpu.core_type<sc_vector_subcore>, window_params = [{transform_indices = #map}, {transform_indices = #map1}, {transform_indices = #map1}, {transform_indices = #map}, {transform_indices = #map1}]} {
    %mul3A = arith.constant 16 : i32
    %mul3A_0 = arith.muli %arg0, %mul3A : i32
    %add3A = arith.addi %mul3A_0, %arg1 : i32
    "tpu.region"() ({
      %run_scoped3A = tpu.sem_alloc : memref<!tpu.dma_semaphore, #tpu.memory_space<semaphore_mem>>
      %dma_start3A = arith.constant 0 : i32
      %dma_start3A_67 = arith.constant 0 : i32
      %dma_start3A_68 = tpu.memref_slice %arg3[%add3A, %dma_start3A, %dma_start3A_67] : memref<32x79x128xi32, #tpu.memory_space<hbm>> -> memref<1x79x128xi32, #tpu.memory_space<hbm>>
      %dma_start3A_69 = tpu.memref_squeeze %dma_start3A_68 : memref<1x79x128xi32, #tpu.memory_space<hbm>> -> memref<79x128xi32, #tpu.memory_space<hbm>>
      %dma_start3A_70 = arith.constant 0 : i32
      %dma_start3A_71 = arith.constant 0 : i32
      %dma_start3A_72 = tpu.memref_slice %arg3[%add3A, %dma_start3A_70, %dma_start3A_71] : memref<32x79x128xi32, #tpu.memory_space<hbm>> -> memref<1x79x128xi32, #tpu.memory_space<hbm>>
      %dma_start3A_73 = tpu.memref_squeeze %dma_start3A_72 : memref<1x79x128xi32, #tpu.memory_space<hbm>> -> memref<79x128xi32, #tpu.memory_space<hbm>>
      tpu.enqueue_dma source(%dma_start3A_73 : memref<79x128xi32, #tpu.memory_space<hbm>>) target(%arg7 : memref<79x128xi32, #tpu.memory_space<vmem>>) target_semaphore(%run_scoped3A : memref<!tpu.dma_semaphore, #tpu.memory_space<semaphore_mem>>)
      %dma_wait3A = arith.constant 0 : i32
      %dma_wait3A_74 = arith.constant 0 : i32
      %dma_wait3A_75 = tpu.memref_slice %arg3[%add3A, %dma_wait3A, %dma_wait3A_74] : memref<32x79x128xi32, #tpu.memory_space<hbm>> -> memref<1x79x128xi32, #tpu.memory_space<hbm>>
      %dma_wait3A_76 = tpu.memref_squeeze %dma_wait3A_75 : memref<1x79x128xi32, #tpu.memory_space<hbm>> -> memref<79x128xi32, #tpu.memory_space<hbm>>
      %dma_wait3A_77 = arith.constant 0 : i32
      %dma_wait3A_78 = arith.constant 0 : i32
      %dma_wait3A_79 = tpu.memref_slice %arg3[%add3A, %dma_wait3A_77, %dma_wait3A_78] : memref<32x79x128xi32, #tpu.memory_space<hbm>> -> memref<1x79x128xi32, #tpu.memory_space<hbm>>
      %dma_wait3A_80 = tpu.memref_squeeze %dma_wait3A_79 : memref<1x79x128xi32, #tpu.memory_space<hbm>> -> memref<79x128xi32, #tpu.memory_space<hbm>>
      tpu.wait_dma2 semaphore(%run_scoped3A : memref<!tpu.dma_semaphore, #tpu.memory_space<semaphore_mem>>) src(%dma_wait3A_80 : memref<79x128xi32, #tpu.memory_space<hbm>>) dst(%arg7 : memref<79x128xi32, #tpu.memory_space<vmem>>)
      tpu.yield
    }) : () -> ()
    "tpu.region"() ({
      %run_scoped3A = tpu.sem_alloc : memref<!tpu.dma_semaphore, #tpu.memory_space<semaphore_mem>>
      %dma_start3A = arith.constant 0 : i32
      %dma_start3A_67 = arith.constant 0 : i32
      %dma_start3A_68 = tpu.memref_slice %arg4[%add3A, %dma_start3A, %dma_start3A_67] : memref<32x79x128xi32, #tpu.memory_space<hbm>> -> memref<1x79x128xi32, #tpu.memory_space<hbm>>
      %dma_start3A_69 = tpu.memref_squeeze %dma_start3A_68 : memref<1x79x128xi32, #tpu.memory_space<hbm>> -> memref<79x128xi32, #tpu.memory_space<hbm>>
      %dma_start3A_70 = arith.constant 0 : i32
      %dma_start3A_71 = arith.constant 0 : i32
      %dma_start3A_72 = tpu.memref_slice %arg4[%add3A, %dma_start3A_70, %dma_start3A_71] : memref<32x79x128xi32, #tpu.memory_space<hbm>> -> memref<1x79x128xi32, #tpu.memory_space<hbm>>
      %dma_start3A_73 = tpu.memref_squeeze %dma_start3A_72 : memref<1x79x128xi32, #tpu.memory_space<hbm>> -> memref<79x128xi32, #tpu.memory_space<hbm>>
      tpu.enqueue_dma source(%dma_start3A_73 : memref<79x128xi32, #tpu.memory_space<hbm>>) target(%arg8 : memref<79x128xi32, #tpu.memory_space<vmem>>) target_semaphore(%run_scoped3A : memref<!tpu.dma_semaphore, #tpu.memory_space<semaphore_mem>>)
      %dma_wait3A = arith.constant 0 : i32
      %dma_wait3A_74 = arith.constant 0 : i32
      %dma_wait3A_75 = tpu.memref_slice %arg4[%add3A, %dma_wait3A, %dma_wait3A_74] : memref<32x79x128xi32, #tpu.memory_space<hbm>> -> memref<1x79x128xi32, #tpu.memory_space<hbm>>
      %dma_wait3A_76 = tpu.memref_squeeze %dma_wait3A_75 : memref<1x79x128xi32, #tpu.memory_space<hbm>> -> memref<79x128xi32, #tpu.memory_space<hbm>>
      %dma_wait3A_77 = arith.constant 0 : i32
      %dma_wait3A_78 = arith.constant 0 : i32
      %dma_wait3A_79 = tpu.memref_slice %arg4[%add3A, %dma_wait3A_77, %dma_wait3A_78] : memref<32x79x128xi32, #tpu.memory_space<hbm>> -> memref<1x79x128xi32, #tpu.memory_space<hbm>>
      %dma_wait3A_80 = tpu.memref_squeeze %dma_wait3A_79 : memref<1x79x128xi32, #tpu.memory_space<hbm>> -> memref<79x128xi32, #tpu.memory_space<hbm>>
      tpu.wait_dma2 semaphore(%run_scoped3A : memref<!tpu.dma_semaphore, #tpu.memory_space<semaphore_mem>>) src(%dma_wait3A_80 : memref<79x128xi32, #tpu.memory_space<hbm>>) dst(%arg8 : memref<79x128xi32, #tpu.memory_space<vmem>>)
      tpu.yield
    }) : () -> ()
    "tpu.region"() ({
      %run_scoped3A = tpu.sem_alloc : memref<!tpu.dma_semaphore, #tpu.memory_space<semaphore_mem>>
      tpu.enqueue_dma source(%arg5 : memref<128x128xf32, #tpu.memory_space<hbm>>) target(%arg9 : memref<128x128xf32, #tpu.memory_space<vmem>>) target_semaphore(%run_scoped3A : memref<!tpu.dma_semaphore, #tpu.memory_space<semaphore_mem>>)
      tpu.wait_dma2 semaphore(%run_scoped3A : memref<!tpu.dma_semaphore, #tpu.memory_space<semaphore_mem>>) src(%arg5 : memref<128x128xf32, #tpu.memory_space<hbm>>) dst(%arg9 : memref<128x128xf32, #tpu.memory_space<vmem>>)
      tpu.yield
    }) : () -> ()
    %mul3A_1 = arith.constant 640 : i32
    %mul3A_2 = arith.muli %arg1, %mul3A_1 : i32
    %add3A_3 = arith.constant 0 : i32
    %add3A_4 = arith.addi %mul3A_2, %add3A_3 : i32
    "tpu.region"() ({
      %run_scoped3A = tpu.sem_alloc : memref<!tpu.dma_semaphore, #tpu.memory_space<semaphore_mem>>
      %dma_start3A = arith.constant 0 : i32
      %dma_start3A_67 = tpu.memref_slice %arg10[%add3A_4, %dma_start3A] : memref<10240x128xf32, #tpu.memory_space<vmem_shared>> -> memref<128x128xf32, #tpu.memory_space<vmem_shared>>
      %dma_start3A_68 = arith.constant 0 : i32
      %dma_start3A_69 = tpu.memref_slice %arg10[%add3A_4, %dma_start3A_68] : memref<10240x128xf32, #tpu.memory_space<vmem_shared>> -> memref<128x128xf32, #tpu.memory_space<vmem_shared>>
      tpu.enqueue_dma source(%arg9 : memref<128x128xf32, #tpu.memory_space<vmem>>) target(%dma_start3A_69 : memref<128x128xf32, #tpu.memory_space<vmem_shared>>) target_semaphore(%run_scoped3A : memref<!tpu.dma_semaphore, #tpu.memory_space<semaphore_mem>>)
      %dma_wait3A = arith.constant 0 : i32
      %dma_wait3A_70 = tpu.memref_slice %arg10[%add3A_4, %dma_wait3A] : memref<10240x128xf32, #tpu.memory_space<vmem_shared>> -> memref<128x128xf32, #tpu.memory_space<vmem_shared>>
      %dma_wait3A_71 = arith.constant 0 : i32
      %dma_wait3A_72 = tpu.memref_slice %arg10[%add3A_4, %dma_wait3A_71] : memref<10240x128xf32, #tpu.memory_space<vmem_shared>> -> memref<128x128xf32, #tpu.memory_space<vmem_shared>>
      tpu.wait_dma2 semaphore(%run_scoped3A : memref<!tpu.dma_semaphore, #tpu.memory_space<semaphore_mem>>) src(%arg9 : memref<128x128xf32, #tpu.memory_space<vmem>>) dst(%dma_wait3A_72 : memref<128x128xf32, #tpu.memory_space<vmem_shared>>)
      tpu.yield
    }) : () -> ()
    %mul3A_5 = arith.constant 640 : i32
    %mul3A_6 = arith.muli %arg1, %mul3A_5 : i32
    %add3A_7 = arith.constant 128 : i32
    %add3A_8 = arith.addi %mul3A_6, %add3A_7 : i32
    "tpu.region"() ({
      %run_scoped3A = tpu.sem_alloc : memref<!tpu.dma_semaphore, #tpu.memory_space<semaphore_mem>>
      %dma_start3A = arith.constant 0 : i32
      %dma_start3A_67 = tpu.memref_slice %arg10[%add3A_8, %dma_start3A] : memref<10240x128xf32, #tpu.memory_space<vmem_shared>> -> memref<128x128xf32, #tpu.memory_space<vmem_shared>>
      %dma_start3A_68 = arith.constant 0 : i32
      %dma_start3A_69 = tpu.memref_slice %arg10[%add3A_8, %dma_start3A_68] : memref<10240x128xf32, #tpu.memory_space<vmem_shared>> -> memref<128x128xf32, #tpu.memory_space<vmem_shared>>
      tpu.enqueue_dma source(%arg9 : memref<128x128xf32, #tpu.memory_space<vmem>>) target(%dma_start3A_69 : memref<128x128xf32, #tpu.memory_space<vmem_shared>>) target_semaphore(%run_scoped3A : memref<!tpu.dma_semaphore, #tpu.memory_space<semaphore_mem>>)
      %dma_wait3A = arith.constant 0 : i32
      %dma_wait3A_70 = tpu.memref_slice %arg10[%add3A_8, %dma_wait3A] : memref<10240x128xf32, #tpu.memory_space<vmem_shared>> -> memref<128x128xf32, #tpu.memory_space<vmem_shared>>
      %dma_wait3A_71 = arith.constant 0 : i32
      %dma_wait3A_72 = tpu.memref_slice %arg10[%add3A_8, %dma_wait3A_71] : memref<10240x128xf32, #tpu.memory_space<vmem_shared>> -> memref<128x128xf32, #tpu.memory_space<vmem_shared>>
      tpu.wait_dma2 semaphore(%run_scoped3A : memref<!tpu.dma_semaphore, #tpu.memory_space<semaphore_mem>>) src(%arg9 : memref<128x128xf32, #tpu.memory_space<vmem>>) dst(%dma_wait3A_72 : memref<128x128xf32, #tpu.memory_space<vmem_shared>>)
      tpu.yield
    }) : () -> ()
    %mul3A_9 = arith.constant 640 : i32
    %mul3A_10 = arith.muli %arg1, %mul3A_9 : i32
    %add3A_11 = arith.constant 256 : i32
    %add3A_12 = arith.addi %mul3A_10, %add3A_11 : i32
    "tpu.region"() ({
      %run_scoped3A = tpu.sem_alloc : memref<!tpu.dma_semaphore, #tpu.memory_space<semaphore_mem>>
      %dma_start3A = arith.constant 0 : i32
      %dma_start3A_67 = tpu.memref_slice %arg10[%add3A_12, %dma_start3A] : memref<10240x128xf32, #tpu.memory_space<vmem_shared>> -> memref<128x128xf32, #tpu.memory_space<vmem_shared>>
      %dma_start3A_68 = arith.constant 0 : i32
      %dma_start3A_69 = tpu.memref_slice %arg10[%add3A_12, %dma_start3A_68] : memref<10240x128xf32, #tpu.memory_space<vmem_shared>> -> memref<128x128xf32, #tpu.memory_space<vmem_shared>>
      tpu.enqueue_dma source(%arg9 : memref<128x128xf32, #tpu.memory_space<vmem>>) target(%dma_start3A_69 : memref<128x128xf32, #tpu.memory_space<vmem_shared>>) target_semaphore(%run_scoped3A : memref<!tpu.dma_semaphore, #tpu.memory_space<semaphore_mem>>)
      %dma_wait3A = arith.constant 0 : i32
      %dma_wait3A_70 = tpu.memref_slice %arg10[%add3A_12, %dma_wait3A] : memref<10240x128xf32, #tpu.memory_space<vmem_shared>> -> memref<128x128xf32, #tpu.memory_space<vmem_shared>>
      %dma_wait3A_71 = arith.constant 0 : i32
      %dma_wait3A_72 = tpu.memref_slice %arg10[%add3A_12, %dma_wait3A_71] : memref<10240x128xf32, #tpu.memory_space<vmem_shared>> -> memref<128x128xf32, #tpu.memory_space<vmem_shared>>
      tpu.wait_dma2 semaphore(%run_scoped3A : memref<!tpu.dma_semaphore, #tpu.memory_space<semaphore_mem>>) src(%arg9 : memref<128x128xf32, #tpu.memory_space<vmem>>) dst(%dma_wait3A_72 : memref<128x128xf32, #tpu.memory_space<vmem_shared>>)
      tpu.yield
    }) : () -> ()
    %mul3A_13 = arith.constant 640 : i32
    %mul3A_14 = arith.muli %arg1, %mul3A_13 : i32
    %add3A_15 = arith.constant 384 : i32
    %add3A_16 = arith.addi %mul3A_14, %add3A_15 : i32
    "tpu.region"() ({
      %run_scoped3A = tpu.sem_alloc : memref<!tpu.dma_semaphore, #tpu.memory_space<semaphore_mem>>
      %dma_start3A = arith.constant 0 : i32
      %dma_start3A_67 = tpu.memref_slice %arg10[%add3A_16, %dma_start3A] : memref<10240x128xf32, #tpu.memory_space<vmem_shared>> -> memref<128x128xf32, #tpu.memory_space<vmem_shared>>
      %dma_start3A_68 = arith.constant 0 : i32
      %dma_start3A_69 = tpu.memref_slice %arg10[%add3A_16, %dma_start3A_68] : memref<10240x128xf32, #tpu.memory_space<vmem_shared>> -> memref<128x128xf32, #tpu.memory_space<vmem_shared>>
      tpu.enqueue_dma source(%arg9 : memref<128x128xf32, #tpu.memory_space<vmem>>) target(%dma_start3A_69 : memref<128x128xf32, #tpu.memory_space<vmem_shared>>) target_semaphore(%run_scoped3A : memref<!tpu.dma_semaphore, #tpu.memory_space<semaphore_mem>>)
      %dma_wait3A = arith.constant 0 : i32
      %dma_wait3A_70 = tpu.memref_slice %arg10[%add3A_16, %dma_wait3A] : memref<10240x128xf32, #tpu.memory_space<vmem_shared>> -> memref<128x128xf32, #tpu.memory_space<vmem_shared>>
      %dma_wait3A_71 = arith.constant 0 : i32
      %dma_wait3A_72 = tpu.memref_slice %arg10[%add3A_16, %dma_wait3A_71] : memref<10240x128xf32, #tpu.memory_space<vmem_shared>> -> memref<128x128xf32, #tpu.memory_space<vmem_shared>>
      tpu.wait_dma2 semaphore(%run_scoped3A : memref<!tpu.dma_semaphore, #tpu.memory_space<semaphore_mem>>) src(%arg9 : memref<128x128xf32, #tpu.memory_space<vmem>>) dst(%dma_wait3A_72 : memref<128x128xf32, #tpu.memory_space<vmem_shared>>)
      tpu.yield
    }) : () -> ()
    %mul3A_17 = arith.constant 640 : i32
    %mul3A_18 = arith.muli %arg1, %mul3A_17 : i32
    %add3A_19 = arith.constant 512 : i32
    %add3A_20 = arith.addi %mul3A_18, %add3A_19 : i32
    "tpu.region"() ({
      %run_scoped3A = tpu.sem_alloc : memref<!tpu.dma_semaphore, #tpu.memory_space<semaphore_mem>>
      %dma_start3A = arith.constant 0 : i32
      %dma_start3A_67 = tpu.memref_slice %arg10[%add3A_20, %dma_start3A] : memref<10240x128xf32, #tpu.memory_space<vmem_shared>> -> memref<128x128xf32, #tpu.memory_space<vmem_shared>>
      %dma_start3A_68 = arith.constant 0 : i32
      %dma_start3A_69 = tpu.memref_slice %arg10[%add3A_20, %dma_start3A_68] : memref<10240x128xf32, #tpu.memory_space<vmem_shared>> -> memref<128x128xf32, #tpu.memory_space<vmem_shared>>
      tpu.enqueue_dma source(%arg9 : memref<128x128xf32, #tpu.memory_space<vmem>>) target(%dma_start3A_69 : memref<128x128xf32, #tpu.memory_space<vmem_shared>>) target_semaphore(%run_scoped3A : memref<!tpu.dma_semaphore, #tpu.memory_space<semaphore_mem>>)
      %dma_wait3A = arith.constant 0 : i32
      %dma_wait3A_70 = tpu.memref_slice %arg10[%add3A_20, %dma_wait3A] : memref<10240x128xf32, #tpu.memory_space<vmem_shared>> -> memref<128x128xf32, #tpu.memory_space<vmem_shared>>
      %dma_wait3A_71 = arith.constant 0 : i32
      %dma_wait3A_72 = tpu.memref_slice %arg10[%add3A_20, %dma_wait3A_71] : memref<10240x128xf32, #tpu.memory_space<vmem_shared>> -> memref<128x128xf32, #tpu.memory_space<vmem_shared>>
      tpu.wait_dma2 semaphore(%run_scoped3A : memref<!tpu.dma_semaphore, #tpu.memory_space<semaphore_mem>>) src(%arg9 : memref<128x128xf32, #tpu.memory_space<vmem>>) dst(%dma_wait3A_72 : memref<128x128xf32, #tpu.memory_space<vmem_shared>>)
      tpu.yield
    }) : () -> ()
    %barrier3A = arith.constant 0 : index
    tpu.barrier barrier_id(%barrier3A)
    %scan3A = arith.constant 0 : i32
    %scan3A_21 = arith.constant 0 : i32
    %scan3A_22 = arith.constant 79 : i32
    %scan3A_23 = arith.addi %scan3A_21, %scan3A_22 : i32
    %scan3A_24 = arith.constant 1 : i32
    scf.for %scan3A_67 = %scan3A_21 to %scan3A_23 step %scan3A_24  : i32 {
      %dma_start3A = arith.constant 0 : i32
      %dma_start3A_68 = tpu.memref_slice %arg7[%scan3A_67, %dma_start3A] : memref<79x128xi32, #tpu.memory_space<vmem>> -> memref<1x128xi32, #tpu.memory_space<vmem>>
      %dma_start3A_69 = tpu.memref_squeeze %dma_start3A_68 : memref<1x128xi32, #tpu.memory_space<vmem>> -> memref<128xi32, #tpu.memory_space<vmem>>
      %dma_start3A_70 = arith.constant 0 : i32
      %dma_start3A_71 = arith.constant 0 : i32
      %dma_start3A_72 = tpu.memref_slice %arg2[%dma_start3A_70, %dma_start3A_71] : memref<10000x128xf32, #tpu.memory_space<hbm>> -> memref<10000x128xf32, #tpu.memory_space<hbm>>
      tpu.enqueue_indirect_dma source(%dma_start3A_72 : memref<10000x128xf32, #tpu.memory_space<hbm>>) target(%arg9 : memref<128x128xf32, #tpu.memory_space<vmem>>) offsets(%dma_start3A_69 : memref<128xi32, #tpu.memory_space<vmem>>) semaphore(%arg11 : memref<!tpu.dma_semaphore, #tpu.memory_space<semaphore_mem>>)
      %dma_wait3A = arith.constant 0 : i32
      %dma_wait3A_73 = tpu.memref_slice %arg7[%scan3A_67, %dma_wait3A] : memref<79x128xi32, #tpu.memory_space<vmem>> -> memref<1x128xi32, #tpu.memory_space<vmem>>
      %dma_wait3A_74 = tpu.memref_squeeze %dma_wait3A_73 : memref<1x128xi32, #tpu.memory_space<vmem>> -> memref<128xi32, #tpu.memory_space<vmem>>
      %dma_wait3A_75 = arith.constant 0 : i32
      %dma_wait3A_76 = arith.constant 0 : i32
      %dma_wait3A_77 = tpu.memref_slice %arg2[%dma_wait3A_75, %dma_wait3A_76] : memref<10000x128xf32, #tpu.memory_space<hbm>> -> memref<10000x128xf32, #tpu.memory_space<hbm>>
      tpu.wait_indirect_dma semaphore(%arg11 : memref<!tpu.dma_semaphore, #tpu.memory_space<semaphore_mem>>) src(%dma_wait3A_77 : memref<10000x128xf32, #tpu.memory_space<hbm>>) dst(%arg9 : memref<128x128xf32, #tpu.memory_space<vmem>>)
      "tpu.region"() ({
        %run_scoped3A = tpu.sem_alloc : memref<!tpu.dma_semaphore, #tpu.memory_space<semaphore_mem>>
        %dma_start3A_78 = arith.constant 0 : i32
        %dma_start3A_79 = tpu.memref_slice %arg8[%scan3A_67, %dma_start3A_78] : memref<79x128xi32, #tpu.memory_space<vmem>> -> memref<1x128xi32, #tpu.memory_space<vmem>>
        %dma_start3A_80 = tpu.memref_squeeze %dma_start3A_79 : memref<1x128xi32, #tpu.memory_space<vmem>> -> memref<128xi32, #tpu.memory_space<vmem>>
        %dma_start3A_81 = arith.constant 0 : i32
        %dma_start3A_82 = arith.constant 0 : i32
        %dma_start3A_83 = tpu.memref_slice %arg10[%dma_start3A_81, %dma_start3A_82] : memref<10240x128xf32, #tpu.memory_space<vmem_shared>> -> memref<10240x128xf32, #tpu.memory_space<vmem_shared>>
        tpu.enqueue_indirect_dma source(%arg9 : memref<128x128xf32, #tpu.memory_space<vmem>>) target(%dma_start3A_83 : memref<10240x128xf32, #tpu.memory_space<vmem_shared>>) offsets(%dma_start3A_80 : memref<128xi32, #tpu.memory_space<vmem>>) semaphore(%run_scoped3A : memref<!tpu.dma_semaphore, #tpu.memory_space<semaphore_mem>>) {add = true}
        %dma_wait3A_84 = arith.constant 0 : i32
        %dma_wait3A_85 = tpu.memref_slice %arg8[%scan3A_67, %dma_wait3A_84] : memref<79x128xi32, #tpu.memory_space<vmem>> -> memref<1x128xi32, #tpu.memory_space<vmem>>
        %dma_wait3A_86 = tpu.memref_squeeze %dma_wait3A_85 : memref<1x128xi32, #tpu.memory_space<vmem>> -> memref<128xi32, #tpu.memory_space<vmem>>
        %dma_wait3A_87 = arith.constant 0 : i32
        %dma_wait3A_88 = arith.constant 0 : i32
        %dma_wait3A_89 = tpu.memref_slice %arg10[%dma_wait3A_87, %dma_wait3A_88] : memref<10240x128xf32, #tpu.memory_space<vmem_shared>> -> memref<10240x128xf32, #tpu.memory_space<vmem_shared>>
        tpu.wait_indirect_dma semaphore(%run_scoped3A : memref<!tpu.dma_semaphore, #tpu.memory_space<semaphore_mem>>) src(%arg9 : memref<128x128xf32, #tpu.memory_space<vmem>>) dst(%dma_wait3A_89 : memref<10240x128xf32, #tpu.memory_space<vmem_shared>>)
        tpu.yield
      }) : () -> ()
    }
    %scan3A_25 = arith.constant 79 : i32
    %barrier3A_26 = arith.constant 0 : index
    tpu.barrier barrier_id(%barrier3A_26)
    %mul3A_27 = arith.constant 640 : i32
    %mul3A_28 = arith.muli %arg1, %mul3A_27 : i32
    %add3A_29 = arith.constant 0 : i32
    %add3A_30 = arith.addi %mul3A_28, %add3A_29 : i32
    %mul3A_31 = arith.constant 640 : i32
    %mul3A_32 = arith.muli %arg1, %mul3A_31 : i32
    %add3A_33 = arith.constant 0 : i32
    %add3A_34 = arith.addi %mul3A_32, %add3A_33 : i32
    "tpu.region"() ({
      %run_scoped3A = tpu.sem_alloc : memref<!tpu.dma_semaphore, #tpu.memory_space<semaphore_mem>>
      %dma_start3A = arith.constant 0 : i32
      %dma_start3A_67 = tpu.memref_slice %arg6[%arg0, %add3A_34, %dma_start3A] : memref<2x10240x128xf32, #tpu.memory_space<hbm>> -> memref<1x128x128xf32, #tpu.memory_space<hbm>>
      %dma_start3A_68 = tpu.memref_squeeze %dma_start3A_67 : memref<1x128x128xf32, #tpu.memory_space<hbm>> -> memref<128x128xf32, #tpu.memory_space<hbm>>
      %dma_start3A_69 = arith.constant 0 : i32
      %dma_start3A_70 = tpu.memref_slice %arg10[%add3A_30, %dma_start3A_69] : memref<10240x128xf32, #tpu.memory_space<vmem_shared>> -> memref<128x128xf32, #tpu.memory_space<vmem_shared>>
      tpu.enqueue_dma source(%dma_start3A_70 : memref<128x128xf32, #tpu.memory_space<vmem_shared>>) target(%dma_start3A_68 : memref<128x128xf32, #tpu.memory_space<hbm>>) target_semaphore(%run_scoped3A : memref<!tpu.dma_semaphore, #tpu.memory_space<semaphore_mem>>)
      %dma_wait3A = arith.constant 0 : i32
      %dma_wait3A_71 = tpu.memref_slice %arg6[%arg0, %add3A_34, %dma_wait3A] : memref<2x10240x128xf32, #tpu.memory_space<hbm>> -> memref<1x128x128xf32, #tpu.memory_space<hbm>>
      %dma_wait3A_72 = tpu.memref_squeeze %dma_wait3A_71 : memref<1x128x128xf32, #tpu.memory_space<hbm>> -> memref<128x128xf32, #tpu.memory_space<hbm>>
      %dma_wait3A_73 = arith.constant 0 : i32
      %dma_wait3A_74 = tpu.memref_slice %arg10[%add3A_30, %dma_wait3A_73] : memref<10240x128xf32, #tpu.memory_space<vmem_shared>> -> memref<128x128xf32, #tpu.memory_space<vmem_shared>>
      tpu.wait_dma2 semaphore(%run_scoped3A : memref<!tpu.dma_semaphore, #tpu.memory_space<semaphore_mem>>) src(%dma_wait3A_74 : memref<128x128xf32, #tpu.memory_space<vmem_shared>>) dst(%dma_wait3A_72 : memref<128x128xf32, #tpu.memory_space<hbm>>)
      tpu.yield
    }) : () -> ()
    %mul3A_35 = arith.constant 640 : i32
    %mul3A_36 = arith.muli %arg1, %mul3A_35 : i32
    %add3A_37 = arith.constant 128 : i32
    %add3A_38 = arith.addi %mul3A_36, %add3A_37 : i32
    %mul3A_39 = arith.constant 640 : i32
    %mul3A_40 = arith.muli %arg1, %mul3A_39 : i32
    %add3A_41 = arith.constant 128 : i32
    %add3A_42 = arith.addi %mul3A_40, %add3A_41 : i32
    "tpu.region"() ({
      %run_scoped3A = tpu.sem_alloc : memref<!tpu.dma_semaphore, #tpu.memory_space<semaphore_mem>>
      %dma_start3A = arith.constant 0 : i32
      %dma_start3A_67 = tpu.memref_slice %arg6[%arg0, %add3A_42, %dma_start3A] : memref<2x10240x128xf32, #tpu.memory_space<hbm>> -> memref<1x128x128xf32, #tpu.memory_space<hbm>>
      %dma_start3A_68 = tpu.memref_squeeze %dma_start3A_67 : memref<1x128x128xf32, #tpu.memory_space<hbm>> -> memref<128x128xf32, #tpu.memory_space<hbm>>
      %dma_start3A_69 = arith.constant 0 : i32
      %dma_start3A_70 = tpu.memref_slice %arg10[%add3A_38, %dma_start3A_69] : memref<10240x128xf32, #tpu.memory_space<vmem_shared>> -> memref<128x128xf32, #tpu.memory_space<vmem_shared>>
      tpu.enqueue_dma source(%dma_start3A_70 : memref<128x128xf32, #tpu.memory_space<vmem_shared>>) target(%dma_start3A_68 : memref<128x128xf32, #tpu.memory_space<hbm>>) target_semaphore(%run_scoped3A : memref<!tpu.dma_semaphore, #tpu.memory_space<semaphore_mem>>)
      %dma_wait3A = arith.constant 0 : i32
      %dma_wait3A_71 = tpu.memref_slice %arg6[%arg0, %add3A_42, %dma_wait3A] : memref<2x10240x128xf32, #tpu.memory_space<hbm>> -> memref<1x128x128xf32, #tpu.memory_space<hbm>>
      %dma_wait3A_72 = tpu.memref_squeeze %dma_wait3A_71 : memref<1x128x128xf32, #tpu.memory_space<hbm>> -> memref<128x128xf32, #tpu.memory_space<hbm>>
      %dma_wait3A_73 = arith.constant 0 : i32
      %dma_wait3A_74 = tpu.memref_slice %arg10[%add3A_38, %dma_wait3A_73] : memref<10240x128xf32, #tpu.memory_space<vmem_shared>> -> memref<128x128xf32, #tpu.memory_space<vmem_shared>>
      tpu.wait_dma2 semaphore(%run_scoped3A : memref<!tpu.dma_semaphore, #tpu.memory_space<semaphore_mem>>) src(%dma_wait3A_74 : memref<128x128xf32, #tpu.memory_space<vmem_shared>>) dst(%dma_wait3A_72 : memref<128x128xf32, #tpu.memory_space<hbm>>)
      tpu.yield
    }) : () -> ()
    %mul3A_43 = arith.constant 640 : i32
    %mul3A_44 = arith.muli %arg1, %mul3A_43 : i32
    %add3A_45 = arith.constant 256 : i32
    %add3A_46 = arith.addi %mul3A_44, %add3A_45 : i32
    %mul3A_47 = arith.constant 640 : i32
    %mul3A_48 = arith.muli %arg1, %mul3A_47 : i32
    %add3A_49 = arith.constant 256 : i32
    %add3A_50 = arith.addi %mul3A_48, %add3A_49 : i32
    "tpu.region"() ({
      %run_scoped3A = tpu.sem_alloc : memref<!tpu.dma_semaphore, #tpu.memory_space<semaphore_mem>>
      %dma_start3A = arith.constant 0 : i32
      %dma_start3A_67 = tpu.memref_slice %arg6[%arg0, %add3A_50, %dma_start3A] : memref<2x10240x128xf32, #tpu.memory_space<hbm>> -> memref<1x128x128xf32, #tpu.memory_space<hbm>>
      %dma_start3A_68 = tpu.memref_squeeze %dma_start3A_67 : memref<1x128x128xf32, #tpu.memory_space<hbm>> -> memref<128x128xf32, #tpu.memory_space<hbm>>
      %dma_start3A_69 = arith.constant 0 : i32
      %dma_start3A_70 = tpu.memref_slice %arg10[%add3A_46, %dma_start3A_69] : memref<10240x128xf32, #tpu.memory_space<vmem_shared>> -> memref<128x128xf32, #tpu.memory_space<vmem_shared>>
      tpu.enqueue_dma source(%dma_start3A_70 : memref<128x128xf32, #tpu.memory_space<vmem_shared>>) target(%dma_start3A_68 : memref<128x128xf32, #tpu.memory_space<hbm>>) target_semaphore(%run_scoped3A : memref<!tpu.dma_semaphore, #tpu.memory_space<semaphore_mem>>)
      %dma_wait3A = arith.constant 0 : i32
      %dma_wait3A_71 = tpu.memref_slice %arg6[%arg0, %add3A_50, %dma_wait3A] : memref<2x10240x128xf32, #tpu.memory_space<hbm>> -> memref<1x128x128xf32, #tpu.memory_space<hbm>>
      %dma_wait3A_72 = tpu.memref_squeeze %dma_wait3A_71 : memref<1x128x128xf32, #tpu.memory_space<hbm>> -> memref<128x128xf32, #tpu.memory_space<hbm>>
      %dma_wait3A_73 = arith.constant 0 : i32
      %dma_wait3A_74 = tpu.memref_slice %arg10[%add3A_46, %dma_wait3A_73] : memref<10240x128xf32, #tpu.memory_space<vmem_shared>> -> memref<128x128xf32, #tpu.memory_space<vmem_shared>>
      tpu.wait_dma2 semaphore(%run_scoped3A : memref<!tpu.dma_semaphore, #tpu.memory_space<semaphore_mem>>) src(%dma_wait3A_74 : memref<128x128xf32, #tpu.memory_space<vmem_shared>>) dst(%dma_wait3A_72 : memref<128x128xf32, #tpu.memory_space<hbm>>)
      tpu.yield
    }) : () -> ()
    %mul3A_51 = arith.constant 640 : i32
    %mul3A_52 = arith.muli %arg1, %mul3A_51 : i32
    %add3A_53 = arith.constant 384 : i32
    %add3A_54 = arith.addi %mul3A_52, %add3A_53 : i32
    %mul3A_55 = arith.constant 640 : i32
    %mul3A_56 = arith.muli %arg1, %mul3A_55 : i32
    %add3A_57 = arith.constant 384 : i32
    %add3A_58 = arith.addi %mul3A_56, %add3A_57 : i32
    "tpu.region"() ({
      %run_scoped3A = tpu.sem_alloc : memref<!tpu.dma_semaphore, #tpu.memory_space<semaphore_mem>>
      %dma_start3A = arith.constant 0 : i32
      %dma_start3A_67 = tpu.memref_slice %arg6[%arg0, %add3A_58, %dma_start3A] : memref<2x10240x128xf32, #tpu.memory_space<hbm>> -> memref<1x128x128xf32, #tpu.memory_space<hbm>>
      %dma_start3A_68 = tpu.memref_squeeze %dma_start3A_67 : memref<1x128x128xf32, #tpu.memory_space<hbm>> -> memref<128x128xf32, #tpu.memory_space<hbm>>
      %dma_start3A_69 = arith.constant 0 : i32
      %dma_start3A_70 = tpu.memref_slice %arg10[%add3A_54, %dma_start3A_69] : memref<10240x128xf32, #tpu.memory_space<vmem_shared>> -> memref<128x128xf32, #tpu.memory_space<vmem_shared>>
      tpu.enqueue_dma source(%dma_start3A_70 : memref<128x128xf32, #tpu.memory_space<vmem_shared>>) target(%dma_start3A_68 : memref<128x128xf32, #tpu.memory_space<hbm>>) target_semaphore(%run_scoped3A : memref<!tpu.dma_semaphore, #tpu.memory_space<semaphore_mem>>)
      %dma_wait3A = arith.constant 0 : i32
      %dma_wait3A_71 = tpu.memref_slice %arg6[%arg0, %add3A_58, %dma_wait3A] : memref<2x10240x128xf32, #tpu.memory_space<hbm>> -> memref<1x128x128xf32, #tpu.memory_space<hbm>>
      %dma_wait3A_72 = tpu.memref_squeeze %dma_wait3A_71 : memref<1x128x128xf32, #tpu.memory_space<hbm>> -> memref<128x128xf32, #tpu.memory_space<hbm>>
      %dma_wait3A_73 = arith.constant 0 : i32
      %dma_wait3A_74 = tpu.memref_slice %arg10[%add3A_54, %dma_wait3A_73] : memref<10240x128xf32, #tpu.memory_space<vmem_shared>> -> memref<128x128xf32, #tpu.memory_space<vmem_shared>>
      tpu.wait_dma2 semaphore(%run_scoped3A : memref<!tpu.dma_semaphore, #tpu.memory_space<semaphore_mem>>) src(%dma_wait3A_74 : memref<128x128xf32, #tpu.memory_space<vmem_shared>>) dst(%dma_wait3A_72 : memref<128x128xf32, #tpu.memory_space<hbm>>)
      tpu.yield
    }) : () -> ()
    %mul3A_59 = arith.constant 640 : i32
    %mul3A_60 = arith.muli %arg1, %mul3A_59 : i32
    %add3A_61 = arith.constant 512 : i32
    %add3A_62 = arith.addi %mul3A_60, %add3A_61 : i32
    %mul3A_63 = arith.constant 640 : i32
    %mul3A_64 = arith.muli %arg1, %mul3A_63 : i32
    %add3A_65 = arith.constant 512 : i32
    %add3A_66 = arith.addi %mul3A_64, %add3A_65 : i32
    "tpu.region"() ({
      %run_scoped3A = tpu.sem_alloc : memref<!tpu.dma_semaphore, #tpu.memory_space<semaphore_mem>>
      %dma_start3A = arith.constant 0 : i32
      %dma_start3A_67 = tpu.memref_slice %arg6[%arg0, %add3A_66, %dma_start3A] : memref<2x10240x128xf32, #tpu.memory_space<hbm>> -> memref<1x128x128xf32, #tpu.memory_space<hbm>>
      %dma_start3A_68 = tpu.memref_squeeze %dma_start3A_67 : memref<1x128x128xf32, #tpu.memory_space<hbm>> -> memref<128x128xf32, #tpu.memory_space<hbm>>
      %dma_start3A_69 = arith.constant 0 : i32
      %dma_start3A_70 = tpu.memref_slice %arg10[%add3A_62, %dma_start3A_69] : memref<10240x128xf32, #tpu.memory_space<vmem_shared>> -> memref<128x128xf32, #tpu.memory_space<vmem_shared>>
      tpu.enqueue_dma source(%dma_start3A_70 : memref<128x128xf32, #tpu.memory_space<vmem_shared>>) target(%dma_start3A_68 : memref<128x128xf32, #tpu.memory_space<hbm>>) target_semaphore(%run_scoped3A : memref<!tpu.dma_semaphore, #tpu.memory_space<semaphore_mem>>)
      %dma_wait3A = arith.constant 0 : i32
      %dma_wait3A_71 = tpu.memref_slice %arg6[%arg0, %add3A_66, %dma_wait3A] : memref<2x10240x128xf32, #tpu.memory_space<hbm>> -> memref<1x128x128xf32, #tpu.memory_space<hbm>>
      %dma_wait3A_72 = tpu.memref_squeeze %dma_wait3A_71 : memref<1x128x128xf32, #tpu.memory_space<hbm>> -> memref<128x128xf32, #tpu.memory_space<hbm>>
      %dma_wait3A_73 = arith.constant 0 : i32
      %dma_wait3A_74 = tpu.memref_slice %arg10[%add3A_62, %dma_wait3A_73] : memref<10240x128xf32, #tpu.memory_space<vmem_shared>> -> memref<128x128xf32, #tpu.memory_space<vmem_shared>>
      tpu.wait_dma2 semaphore(%run_scoped3A : memref<!tpu.dma_semaphore, #tpu.memory_space<semaphore_mem>>) src(%dma_wait3A_74 : memref<128x128xf32, #tpu.memory_space<vmem_shared>>) dst(%dma_wait3A_72 : memref<128x128xf32, #tpu.memory_space<hbm>>)
      tpu.yield
    }) : () -> ()
    return
  }
}

module attributes {stable_mosaic.version = 14 : i64} {
  func.func @_tc_pre_body(%arg0: memref<2x10240x128xf32, #tpu.memory_space<vmem>>, %arg1: memref<10000x128xf32, #tpu.memory_space<vmem>>, %arg2: memref<128x128xf32, #tpu.memory_space<vmem>>, %arg3: memref<10000x1xf32, #tpu.memory_space<vmem>>, %arg4: memref<10000x128xf32, #tpu.memory_space<vmem>>) attributes {dimension_semantics = [], scalar_prefetch = 0 : i64, scratch_operands = 0 : i64, tpu.core_type = #tpu.core_type<tc>} {
    %get3A = arith.constant 0 : index
    %get3A_0 = arith.constant 0 : index
    %get3A_1 = arith.constant 0 : index
    %get3A_2 = vector.load %arg0[%get3A, %get3A_0, %get3A_1] : memref<2x10240x128xf32, #tpu.memory_space<vmem>>, vector<1x10000x1xf32>
    %get3A_3 = vector.shape_cast %get3A_2 : vector<1x10000x1xf32> to vector<10000x1xf32>
    %get3A_4 = arith.constant 1 : index
    %get3A_5 = arith.constant 0 : index
    %get3A_6 = arith.constant 0 : index
    %get3A_7 = vector.load %arg0[%get3A_4, %get3A_5, %get3A_6] : memref<2x10240x128xf32, #tpu.memory_space<vmem>>, vector<1x10000x1xf32>
    %get3A_8 = vector.shape_cast %get3A_7 : vector<1x10000x1xf32> to vector<10000x1xf32>
    %add3A = arith.addf %get3A_3, %get3A_8 : vector<10000x1xf32>
    %add3A_9 = arith.constant 1.000000e+00 : f32
    %add3A_10 = vector.broadcast %add3A_9 : f32 to vector<10000x1xf32>
    %add3A_11 = arith.addf %add3A, %add3A_10 : vector<10000x1xf32>
    %rsqrt3A = math.rsqrt %add3A_11 : vector<10000x1xf32>
    %swap3A = arith.constant 0 : index
    %swap3A_12 = arith.constant 0 : index
    %swap3A_13 = vector.load %arg3[%swap3A, %swap3A_12] : memref<10000x1xf32, #tpu.memory_space<vmem>>, vector<10000x1xf32>
    tpu.vector_store %arg3[%swap3A, %swap3A_12], %rsqrt3A {strides = array<i32>} : memref<10000x1xf32, #tpu.memory_space<vmem>>, vector<10000x1xf32>,
    %get3A_14 = arith.constant 0 : index
    %get3A_15 = arith.constant 0 : index
    %get3A_16 = vector.load %arg1[%get3A_14, %get3A_15] : memref<10000x128xf32, #tpu.memory_space<vmem>>, vector<10000x128xf32>
    %get3A_17 = arith.constant 0 : index
    %get3A_18 = arith.constant 0 : index
    %get3A_19 = vector.load %arg2[%get3A_17, %get3A_18] : memref<128x128xf32, #tpu.memory_space<vmem>>, vector<128x128xf32>
    %dot_general3A = arith.constant dense<0.000000e+00> : vector<10000x128xf32>
    %dot_general3A_20 = tpu.matmul %get3A_16, %get3A_19, %dot_general3A {dimension_numbers = #tpu.dot_dimension_numbers<[1], [0], [0], [1], [0, 0, 1, 1], [], []>, transpose_lhs_hint = false} : vector<10000x128xf32>, vector<128x128xf32>, vector<10000x128xf32> -> vector<10000x128xf32>
    %mul3A = vector.broadcast %rsqrt3A : vector<10000x1xf32> to vector<10000x128xf32>
    %mul3A_21 = arith.mulf %dot_general3A_20, %mul3A : vector<10000x128xf32>
    %swap3A_22 = arith.constant 0 : index
    %swap3A_23 = arith.constant 0 : index
    %swap3A_24 = vector.load %arg4[%swap3A_22, %swap3A_23] : memref<10000x128xf32, #tpu.memory_space<vmem>>, vector<10000x128xf32>
    tpu.vector_store %arg4[%swap3A_22, %swap3A_23], %mul3A_21 {strides = array<i32>} : memref<10000x128xf32, #tpu.memory_space<vmem>>, vector<10000x128xf32>,
    return
  }
}

module attributes {stable_mosaic.version = 14 : i64} {
  func.func @_tc_mid_body(%arg0: memref<2x10240x128xf32, #tpu.memory_space<vmem>>, %arg1: memref<10000x128xf32, #tpu.memory_space<vmem>>, %arg2: memref<10000x1xf32, #tpu.memory_space<vmem>>, %arg3: memref<1x128xf32, #tpu.memory_space<vmem>>, %arg4: memref<128x128xf32, #tpu.memory_space<vmem>>, %arg5: memref<10000x128xf32, #tpu.memory_space<vmem>>) attributes {dimension_semantics = [], scalar_prefetch = 0 : i64, scratch_operands = 0 : i64, tpu.core_type = #tpu.core_type<tc>} {
    %get3A = arith.constant 0 : index
    %get3A_0 = arith.constant 0 : index
    %get3A_1 = arith.constant 0 : index
    %get3A_2 = vector.load %arg0[%get3A, %get3A_0, %get3A_1] : memref<2x10240x128xf32, #tpu.memory_space<vmem>>, vector<1x10000x128xf32>
    %get3A_3 = vector.shape_cast %get3A_2 : vector<1x10000x128xf32> to vector<10000x128xf32>
    %get3A_4 = arith.constant 1 : index
    %get3A_5 = arith.constant 0 : index
    %get3A_6 = arith.constant 0 : index
    %get3A_7 = vector.load %arg0[%get3A_4, %get3A_5, %get3A_6] : memref<2x10240x128xf32, #tpu.memory_space<vmem>>, vector<1x10000x128xf32>
    %get3A_8 = vector.shape_cast %get3A_7 : vector<1x10000x128xf32> to vector<10000x128xf32>
    %add3A = arith.addf %get3A_3, %get3A_8 : vector<10000x128xf32>
    %get3A_9 = arith.constant 0 : index
    %get3A_10 = arith.constant 0 : index
    %get3A_11 = vector.load %arg1[%get3A_9, %get3A_10] : memref<10000x128xf32, #tpu.memory_space<vmem>>, vector<10000x128xf32>
    %add3A_12 = arith.addf %add3A, %get3A_11 : vector<10000x128xf32>
    %get3A_13 = arith.constant 0 : index
    %get3A_14 = arith.constant 0 : index
    %get3A_15 = vector.load %arg2[%get3A_13, %get3A_14] : memref<10000x1xf32, #tpu.memory_space<vmem>>, vector<10000x1xf32>
    %mul3A = vector.broadcast %get3A_15 : vector<10000x1xf32> to vector<10000x128xf32>
    %mul3A_16 = arith.mulf %add3A_12, %mul3A : vector<10000x128xf32>
    %get3A_17 = arith.constant 0 : index
    %get3A_18 = arith.constant 0 : index
    %get3A_19 = vector.load %arg3[%get3A_17, %get3A_18] : memref<1x128xf32, #tpu.memory_space<vmem>>, vector<1x128xf32>
    %add3A_20 = vector.broadcast %get3A_19 : vector<1x128xf32> to vector<10000x128xf32>
    %add3A_21 = arith.addf %mul3A_16, %add3A_20 : vector<10000x128xf32>
    %max3A = arith.constant 0.000000e+00 : f32
    %max3A_22 = vector.broadcast %max3A : f32 to vector<10000x128xf32>
    %max3A_23 = arith.maximumf %add3A_21, %max3A_22 : vector<10000x128xf32>
    %get3A_24 = arith.constant 0 : index
    %get3A_25 = arith.constant 0 : index
    %get3A_26 = vector.load %arg4[%get3A_24, %get3A_25] : memref<128x128xf32, #tpu.memory_space<vmem>>, vector<128x128xf32>
    %dot_general3A = arith.constant dense<0.000000e+00> : vector<10000x128xf32>
    %dot_general3A_27 = tpu.matmul %max3A_23, %get3A_26, %dot_general3A {dimension_numbers = #tpu.dot_dimension_numbers<[1], [0], [0], [1], [0, 0, 1, 1], [], []>, transpose_lhs_hint = false} : vector<10000x128xf32>, vector<128x128xf32>, vector<10000x128xf32> -> vector<10000x128xf32>
    %get3A_28 = arith.constant 0 : index
    %get3A_29 = arith.constant 0 : index
    %get3A_30 = vector.load %arg2[%get3A_28, %get3A_29] : memref<10000x1xf32, #tpu.memory_space<vmem>>, vector<10000x1xf32>
    %mul3A_31 = vector.broadcast %get3A_30 : vector<10000x1xf32> to vector<10000x128xf32>
    %mul3A_32 = arith.mulf %dot_general3A_27, %mul3A_31 : vector<10000x128xf32>
    %swap3A = arith.constant 0 : index
    %swap3A_33 = arith.constant 0 : index
    %swap3A_34 = vector.load %arg5[%swap3A, %swap3A_33] : memref<10000x128xf32, #tpu.memory_space<vmem>>, vector<10000x128xf32>
    tpu.vector_store %arg5[%swap3A, %swap3A_33], %mul3A_32 {strides = array<i32>} : memref<10000x128xf32, #tpu.memory_space<vmem>>, vector<10000x128xf32>,
    return
  }
}

module attributes {stable_mosaic.version = 14 : i64} {
  func.func @_tc_fin_body(%arg0: memref<2x10240x128xf32, #tpu.memory_space<vmem>>, %arg1: memref<10000x128xf32, #tpu.memory_space<vmem>>, %arg2: memref<10000x1xf32, #tpu.memory_space<vmem>>, %arg3: memref<1x128xf32, #tpu.memory_space<vmem>>, %arg4: memref<10000x128xf32, #tpu.memory_space<vmem>>) attributes {dimension_semantics = [], scalar_prefetch = 0 : i64, scratch_operands = 0 : i64, tpu.core_type = #tpu.core_type<tc>} {
    %get3A = arith.constant 0 : index
    %get3A_0 = arith.constant 0 : index
    %get3A_1 = arith.constant 0 : index
    %get3A_2 = vector.load %arg0[%get3A, %get3A_0, %get3A_1] : memref<2x10240x128xf32, #tpu.memory_space<vmem>>, vector<1x10000x128xf32>
    %get3A_3 = vector.shape_cast %get3A_2 : vector<1x10000x128xf32> to vector<10000x128xf32>
    %get3A_4 = arith.constant 1 : index
    %get3A_5 = arith.constant 0 : index
    %get3A_6 = arith.constant 0 : index
    %get3A_7 = vector.load %arg0[%get3A_4, %get3A_5, %get3A_6] : memref<2x10240x128xf32, #tpu.memory_space<vmem>>, vector<1x10000x128xf32>
    %get3A_8 = vector.shape_cast %get3A_7 : vector<1x10000x128xf32> to vector<10000x128xf32>
    %add3A = arith.addf %get3A_3, %get3A_8 : vector<10000x128xf32>
    %get3A_9 = arith.constant 0 : index
    %get3A_10 = arith.constant 0 : index
    %get3A_11 = vector.load %arg1[%get3A_9, %get3A_10] : memref<10000x128xf32, #tpu.memory_space<vmem>>, vector<10000x128xf32>
    %add3A_12 = arith.addf %add3A, %get3A_11 : vector<10000x128xf32>
    %get3A_13 = arith.constant 0 : index
    %get3A_14 = arith.constant 0 : index
    %get3A_15 = vector.load %arg2[%get3A_13, %get3A_14] : memref<10000x1xf32, #tpu.memory_space<vmem>>, vector<10000x1xf32>
    %mul3A = vector.broadcast %get3A_15 : vector<10000x1xf32> to vector<10000x128xf32>
    %mul3A_16 = arith.mulf %add3A_12, %mul3A : vector<10000x128xf32>
    %get3A_17 = arith.constant 0 : index
    %get3A_18 = arith.constant 0 : index
    %get3A_19 = vector.load %arg3[%get3A_17, %get3A_18] : memref<1x128xf32, #tpu.memory_space<vmem>>, vector<1x128xf32>
    %add3A_20 = vector.broadcast %get3A_19 : vector<1x128xf32> to vector<10000x128xf32>
    %add3A_21 = arith.addf %mul3A_16, %add3A_20 : vector<10000x128xf32>
    %swap3A = arith.constant 0 : index
    %swap3A_22 = arith.constant 0 : index
    %swap3A_23 = vector.load %arg4[%swap3A, %swap3A_22] : memref<10000x128xf32, #tpu.memory_space<vmem>>, vector<10000x128xf32>
    tpu.vector_store %arg4[%swap3A, %swap3A_22], %add3A_21 {strides = array<i32>} : memref<10000x128xf32, #tpu.memory_space<vmem>>, vector<10000x128xf32>,
    return
  }
}

</mosaic_0001>

<sc_bundles>
// kernel: kernel.10.cloned.1.call-start
scs
__scs_entry_jumppad:
0x0: {  	(pc) =	sbr.rel $0x88, $3  }
0x1: {  	(tag) =	ssettag $0x0;
	lr =	simm.s32 $0x1  }
0x2: {  	[smem:$0x3F99] =	sst lr;
	_ =	strace $0xD0000000  }
0x3: {  	_ = 	snop  }
0x4: {  	_ = 	snop  }
0x5: {  	_ = 	snop  }
0x6: {  	_ = 	snop  }
0x7: {  	_ = 	snop  }
__scs_overlays_trampoline_lowered:
0x8: {  	[smem:$0x3FA8] =	sst s0  }
0x9: {  	[smem:$0x3FA9] =	sst s1  }
0xa: {  	[smem:$0x3FAA] =	sst s2  }
0xb: {  	[smem:$0x3FAB] =	sst s3  }
0xc: {  	[smem:$0x3FAC] =	sst s4  }
0xd: {  	[smem:$0x3FAD] =	sst s5  }
0xe: {  	[smem:$0x3FAE] =	sst s6  }
0xf: {  	[smem:$0x3FAF] =	sst s7  }
0x10: {  	[smem:$0x3FB0] =	sst s8  }
0x11: {  	[smem:$0x3FB1] =	sst s9;
	s0 =	simm.s32 @!p0 $0x0  }
0x12: {  	s1 =	sld [smem:$0x3F97];
	s0 =	simm.s32 @p0 $0x1  }
0x13: {  	[smem:$0x3FB2] =	sst s0;
	s0 =	simm.s32 @!p1 $0x0  }
0x14: {  	s2 =	sld [smem:$0x3F96];
	s0 =	simm.s32 @p1 $0x1  }
0x15: {  	[smem:$0x3FB3] =	sst s0;
	s0 =	simm.s32 @!p2 $0x0  }
0x16: {  	s3 =	sld [smem:$0x3FDB];
	s0 =	simm.s32 @p2 $0x1  }
0x17: {  	s4 =	simm.s32 $0x1BF5;
	[smem:$0x3FB5] =	sst s0  }
0x18: {  	s0 =	sld [smem:$0x3F98];
	_ =	swait.ge [sflag:s4], $0x0  }
0x19: {  	s7 =	sld [smem:$0x3F99]  }
0x1a: {  	s8 =	sadd.s32 $0xFFFFE003, lr  }
0x1b: {  	s9 =	sadd.s32 $0xFFFFFEF7, lr;
	s5 =	simm.s32 $0xFFFFFFFF;
	p2 =	slt.u32 s8, $0xFFFFF086  }
0x1c: {  	p1 =	slt.u32 s9, $0xF7A;
	s5 =	simm.s32 @!p2 $0x0  }
0x1d: {  	s5 =	simm.s32 @p1 $0x1;
	p0 =	seq.s32 s7, s2  }
0x1e: {  	s7 =	smul.u32 @!p0 $0xF7A, s2;
	p2 =	seq.s32 @!p0 s5, $0x0  }
0x1f: {  	s9 =	smul.u32 $0xF7A, s1;
	s8 =	simm.s32 @!p0 $0x1BF5;
	p2 =	por !p2, p0  }
0x20: {  	[sflag:s8] =	ssyncset.s32 @!p0 $0xFFFFF086;
	s6 =	sadd.s32 @!p0 s3, s7;
	s7 =	simm.s32 @!p0 $0x108  }
0x21: {  	s3 =	sadd.s32 s3, s9;
	s6 =	sadd.s32 @!p0 $0x88, s6;
	s7 =	simm.s32 @p2 $0x1082  }
0x22: {  	[simem:s7], [sflag:s8] =	dma.local @!p0 [hbm:s6], $0xF7A  }
0x23: {  	s9 =	sor.u32 $0xD0000000, s2;
	s6 =	simm.s32 $0x108;
	_ =	swait.ge @!p0 [sflag:s8], $0x0  }
0x24: {  	s3 =	sadd.s32 $0x88, s3;
	s6 =	simm.s32 @!p1 $0x1082;
	[sflag:s4] =	ssyncset.s32 $0xFFFFF086  }
0x25: {  	[simem:s6], [sflag:s4] =	dma.local [hbm:s3], $0xF7A  }
0x26: {  	[smem:$0x3F99] =	sst s1;
	(tag) =	ssettag s2;
	_ =	strace s9  }
0x27: {  	s1 =	sld [smem:$0x3FA9]  }
0x28: {  	s2 =	sld [smem:$0x3FAA]  }
0x29: {  	s4 =	sld [smem:$0x3FAC]  }
0x2a: {  	p0 =	seq.s32 s5, $0x0;
	s5 =	sld [smem:$0x3FAD]  }
0x2b: {  	s6 =	sld [smem:$0x3FAE]  }
0x2c: {  	s7 =	sld [smem:$0x3FAF]  }
0x2d: {  	s3 =	simm.s32 $0x108;
	s8 =	sld [smem:$0x3FB0]  }
0x2e: {  	s3 =	simm.s32 @!p0 $0x1082;
	s9 =	sld [smem:$0x3FB1]  }
0x2f: {  	lr =	sadd.s32 s0, s3;
	s0 =	sld [smem:$0x3FA8]  }
0x30: {  	s3 =	sld [smem:$0x3FAB]  }
0x31: {  	[smem:$0x3FB4] =	sst s10  }
0x32: {  	s10 =	sld [smem:$0x3FB2];
	_ =	sdelay $0x3  }
0x33: {  	p0 =	seq.s32 s10, $0x1;
	s10 =	sld [smem:$0x3FB4];
	_ =	sdelay $0x3  }
0x34: {  	[smem:$0x3FB4] =	sst s10  }
0x35: {  	s10 =	sld [smem:$0x3FB3];
	_ =	sdelay $0x3  }
0x36: {  	p1 =	seq.s32 s10, $0x1;
	s10 =	sld [smem:$0x3FB4];
	_ =	sdelay $0x3  }
0x37: {  	[smem:$0x3FB4] =	sst s10  }
0x38: {  	s10 =	sld [smem:$0x3FB5]  }
0x39: {  	_ = 	snop;
	(pc) =	sbr.ind lr, $3  }
0x3a: {  	_ = 	snop  }
0x3b: {  	_ = 	snop  }
0x3c: {  	p2 =	seq.s32 s10, $0x1;
	s10 =	sld [smem:$0x3FB4]  }
0x3d: {  	_ =	shalt  }
0x3e: {  	_ =	shalt  }
0x3f: {  	_ =	shalt  }
0x40: {  	_ =	shalt  }
0x41: {  	_ =	shalt  }
0x42: {  	_ =	shalt  }
0x43: {  	_ =	shalt  }
0x44: {  	_ =	shalt  }
0x45: {  	_ =	shalt  }
0x46: {  	_ =	shalt  }
0x47: {  	_ =	shalt  }
0x48: {  	_ =	shalt  }
0x49: {  	_ =	shalt  }
0x4a: {  	_ =	shalt  }
0x4b: {  	_ =	shalt  }
0x4c: {  	_ =	shalt  }
0x4d: {  	_ =	shalt  }
0x4e: {  	_ =	shalt  }
0x4f: {  	_ =	shalt  }
0x50: {  	_ =	shalt  }
0x51: {  	_ =	shalt  }
0x52: {  	_ =	shalt  }
0x53: {  	_ =	shalt  }
0x54: {  	_ =	shalt  }
0x55: {  	_ =	shalt  }
0x56: {  	_ =	shalt  }
0x57: {  	_ =	shalt  }
0x58: {  	_ =	shalt  }
0x59: {  	_ =	shalt  }
0x5a: {  	_ =	shalt  }
0x5b: {  	_ =	shalt  }
0x5c: {  	_ =	shalt  }
0x5d: {  	_ =	shalt  }
0x5e: {  	_ =	shalt  }
0x5f: {  	_ =	shalt  }
0x60: {  	_ =	shalt  }
0x61: {  	_ =	shalt  }
0x62: {  	_ =	shalt  }
0x63: {  	_ =	shalt  }
0x64: {  	_ =	shalt  }
0x65: {  	_ =	shalt  }
0x66: {  	_ =	shalt  }
0x67: {  	_ =	shalt  }
0x68: {  	_ =	shalt  }
0x69: {  	_ =	shalt  }
0x6a: {  	_ =	shalt  }
0x6b: {  	_ =	shalt  }
0x6c: {  	_ =	shalt  }
0x6d: {  	_ =	shalt  }
0x6e: {  	_ =	shalt  }
0x6f: {  	_ =	shalt  }
0x70: {  	_ =	shalt  }
0x71: {  	_ =	shalt  }
0x72: {  	_ =	shalt  }
0x73: {  	_ =	shalt  }
0x74: {  	_ =	shalt  }
0x75: {  	_ =	shalt  }
0x76: {  	_ =	shalt  }
0x77: {  	_ =	shalt  }
0x78: {  	_ =	shalt  }
0x79: {  	_ =	shalt  }
0x7a: {  	_ =	shalt  }
0x7b: {  	_ =	shalt  }
0x7c: {  	_ =	shalt  }
0x7d: {  	_ =	shalt  }
0x7e: {  	_ =	shalt  }
0x7f: {  	_ =	shalt  }
0x80: {  	_ =	shalt  }
0x81: {  	_ =	shalt  }
0x82: {  	_ =	shalt  }
0x83: {  	_ =	shalt  }
0x84: {  	_ =	shalt  }
0x85: {  	_ =	shalt  }
0x86: {  	_ =	shalt  }
0x87: {  	_ =	shalt  }
.Lfunc_end0:
.L_simem_size_0:
called_computation_lowered:
.L_overlay_start_0:
0x88: {  	s2 =	sld [smem:$0x3FD9]  }
0x89: {  	s3 =	sld [smem:$0x3FFE];
	_ =	sdelay $0x1  }
0x8a: {  	s1 =	srdreg.scid  }
0x8b: {  	s0 =	sand.u32 $0x1, s1  }
0x8c: {  	s17 =	sshll.u32 s0, $0xA;
	s2 =	sadd.s32 s3, s2  }
0x8d: {  	s2 =	sadd.s32 s2, s17  }
0x8e: {  	[smem:$0x3FC0] =	sst s2  }
0x8f: {  	_ = 	snop  }
0x90: {  	s2 =	sld [smem:$0x3FD0];
	(tm) =	ssettm $0x1  }
0x91: {  	s18 =	sld [smem:$0x3FFB];
	_ =	sdelay $0x3  }
0x92: {  	_ =	strace s18  }
0x93: {  	s3 =	sld [smem:$0x3FFC];
	_ =	sdelay $0x3  }
0x94: {  	_ =	strace s3  }
0x95: {  	s3 =	sld [smem:$0x3FFD];
	_ =	sdelay $0x3  }
0x96: {  	_ =	strace s3  }
0x97: {  	_ =	strace $0x8FFFFFFF  }
0x98: {  	s19 =	sld [smem:$0x3FDB];
	_ =	sdelay $0x1  }
0x99: {  	s4 =	simm.s32 $_scs_section_size  }
0x9a: {  	s5 =	simm.s32 $_size__tile_overlayer_lowered;
	s6 =	simm.s32 $_tile_overlayer_lowered  }
0x9b: {  	s22 =	simm.s32 $0x1BFF;
	s21 =	sshll.u32 s6, $0x1;
	s3 =	sadd.s32 s4, s19  }
0x9c: {  	s7 =	simm.s32 $0x0;
	s20 =	sshll.u32 s5, $0x1;
	s5 =	sadd.s32 s21, s3  }
0x9d: {  	[timem:s7], [sflag:s22] =	dma.local [hbm:s5], s20  }
0x9e: {  	_ =	swait.ge [sflag:s22], s20  }
0x9f: {  	s4 =	ssub.s32 $0x0, s20;
	[sflag:s22] =	ssyncset.done $0x0  }
0xa0: {  	[sflag:s22] =	ssyncadd.s32 s4;
	_ =	sdelay $0x1  }
0xa1: {  	s23 =	simm.s32 $0x1B8B  }
0xa2: {  	_ =	swait.ge [sflag:s23], $0x1  }
0xa3: {  	[sflag:s23] =	ssyncset.done $0x0  }
0xa4: {  	s25 =	simm.s32 $0x1B8E;
	s24 =	sld [smem:$0x3FFE];
	[sflag:s23] =	ssyncadd.s32 $0xFFFFFFFF  }
0xa5: {  	s26 =	simm.s32 $execute0_lowered;
	[smem:$0x3FD2] =	sst s25  }
0xa6: {  	s5 =	sshll.u32 s26, $0x1;
	_ =	strace $0x80000046;
	[dreg:$0x1] =	wrdreg $0xFFFFFFFF  }
0xa7: {  	s28 =	simm.s32 $_size_execute0_lowered;
	s3 =	sadd.s32 s3, s5;
	[dreg:$0x0] =	wrdreg $0x0  }
0xa8: {  	s5 =	sshll.u32 s28, $0x1;
	[dreg:$0x2] =	wrdreg s3  }
0xa9: {  	[dreg:$0x3] =	wrdreg s5  }
0xaa: {  	[dreg:$0x4] =	wrdreg $0xC0  }
0xab: {  	_ =	task [dreg:s7], $0x5FFFF  }
0xac: {  	[dreg:$0x1] =	wrdreg $0xFFFFFFFF  }
0xad: {  	[dreg:$0x0] =	wrdreg $0x60  }
0xae: {  	[dreg:$0x2] =	wrdreg s24  }
0xaf: {  	[dreg:$0x3] =	wrdreg s2  }
0xb0: {  	[dreg:$0x4] =	wrdreg $0x68000  }
0xb1: {  	[dreg:$0x5] =	wrdreg $0x9  }
0xb2: {  	_ =	task.clear_ibuf [dreg:s7], $0x6FFFF;
	_ =	strace $0x90000046  }
0xb3: {  	s29 =	simm.s32 $0x9;
	_ =	strace $0x80000048  }
0xb4: {  	_ =	swait.ge [sflag:s29], $0x1  }
0xb5: {  	[sflag:s29] =	ssyncadd.s32 $0xFFFFFFFF  }
0xb6: {  	_ =	strace $0x90000048  }
0xb7: {  	_ =	sfence  }
0xb8: {  	s30 =	sld [smem:$0x0];
	_ =	sdelay $0x2  }
0xb9: {  	s31 =	sshll.u32 s1, $0xD;
	s1 =	sshrl.u32 s1, $0x2  }
0xba: {  	s3 =	sand.u32 $0x4000, s31;
	s1 =	sadd.s32 s1, s30  }
0xbb: {  	s0 =	sor.u32 s3, s0;
	s1 =	sshll.u32 s1, $0x11  }
0xbc: {  	s0 =	sor.u32 s1, s0  }
0xbd: {  	s0 =	sadd.s32 $0x8F2B, s0  }
0xbe: {  	[sflag:s0] =	ssyncadd.remote.s32 $0x1  }
0xbf: {  	_ =	sfence.sel $0xFFFF  }
0xc0: {  	[dreg:$0x0] =	wrdreg $0xFFFFFFFF;
	(pc) =	sbr.abs _section_cstart, $3  }
0xc1: {  	[dreg:$0x1] =	wrdreg $0xFFFFFFFF  }
0xc2: {  	_ =	task.clear_ibuf [dreg:s7], $0x2FFFF;
	_ =	strace $0x9FFFFFFF  }
0xc3: {  	(tm) =	ssettm $0x7FFFFFFF  }
tec
execute0_lowered:
.L_overlay_start_1:
0x0: {  	(tag) =	ssettag $0x1  }
0x1: {  	s6 =	rddreg [dreg:$0x0]  }
0x2: {  	s2 =	rddreg [dreg:$0x1]  }
0x3: {  	s0 =	srdreg.scid;
	s3 =	rddreg [dreg:$0x2]  }
0x4: {  	s1 =	stileid.u32;
	s4 =	simm.s32 $0x0;
	s21 =	simm.s32 $0x80  }
0x5: {  	s8 =	sand.u32 $0x1, s0;
	s0 =	rddreg [dreg:$0x3];
	s10 =	smul.u32 $0x50000, s1  }
0x6: {  	s22 =	simm.s32 $0x0;
	[smem:$0x7FF] =	sst s4;
	s12 =	smul.u32 $0x14000, s1  }
0x7: {  	s16 =	sadd.s32 $0xDC00, s6;
	s20 =	sshll.u32 s1, $0x6;
	s5 =	sshll.u32 s8, $0x4  }
0x8: {  	_ =	strace $0x80000047;
	s9 =	ssub.s32 $0x2, s8;
	s18 =	smul.u32 $0x140000, s8  }
0x9: {  	s20 =	sor.u32 $0x1C01, s20;
	s5 =	sor.u32 s1, s5;
	s11 =	sshrl.u32 s9, $0x1  }
0xa: {  	s30 =	sshrl.u32 s10, $0x2;
	s31 =	sadd.s32 $0x4000, s12;
	s14 =	sadd.s32 $0x8000, s12  }
0xb: {  	s15 =	sadd.s32 $0xC000, s12;
	s19 =	sadd.s32 $0x10000, s12;
	s5 =	smul.u32 $0x500, s5  }
0xc: {  	s17 =	ssub.s32 s9, s11;
	s8 =	sadd.s32 s31, s3;
	s9 =	sadd.s32 s14, s3  }
0xd: {  	s10 =	sadd.s32 s15, s3;
	s12 =	sadd.s32 s12, s18;
	s13 =	sadd.s32 s18, s31  }
0xe: {  	s11 =	sadd.s32 s19, s3;
	s14 =	sadd.s32 s18, s14;
	s15 =	sadd.s32 s18, s15  }
0xf: {  	s18 =	sadd.s32 s18, s19;
	s19 =	simm.s32 $0x2800;
	s12 =	sshrl.u32 s12, $0x3  }
0x10: {  	s13 =	sshrl.u32 s13, $0x3;
	s14 =	sshrl.u32 s14, $0x3;
	s15 =	sshrl.u32 s15, $0x3  }
0x11: {  	s18 =	sshrl.u32 s18, $0x3;
	s17 =	smax.u32 s17, $0x1;
	s7 =	sadd.s32 s5, s6  }
0x12: {  	s5 =	sadd.s32 $0xD400, s6;
	s12 =	sadd.s32 s16, s12;
	s13 =	sadd.s32 s16, s13  }
0x13: {  	s14 =	sadd.s32 s16, s14;
	s15 =	sadd.s32 s16, s15;
	s16 =	sadd.s32 s16, s18  }
0x14: {  	s18 =	simm.s32 $0x1;
	s6 =	sadd.s32 $0x3400, s7;
	s7 =	sadd.s32 s30, s3  }
.LBB2_1:
0x15: {  	[tilespmem:s4], [sflag:$0x1] =	stream.linear.gather [hbm4b:s6+s4], $0x2780, $0x38;
	[tilespmem:$0x1A800] =	vst v63  }
0x16: {  	_ =	swait.ge [sflag:s18], $0x2780  }
0x17: {  	[sflag:s18] =	ssyncset.done $0x0  }
0x18: {  	[sflag:s18] =	ssyncadd.s32 $0xFFFFD880  }
0x19: {  	[tilespmem:s19], [sflag:$0x1] =	stream.linear.gather [hbm4b:s2+s4], $0x4000, $0x38;
	[tilespmem:$0x1A800] =	vst v63  }
0x1a: {  	_ =	swait.ge [sflag:s18], $0x4000  }
0x1b: {  	[sflag:s18] =	ssyncset.done $0x0  }
0x1c: {  	s23 =	sshrl.u32 s7, $0x3;
	[sflag:s18] =	ssyncadd.s32 $0xFFFFC000  }
0x1d: {  	[spmem:s23], [sflag:s20] =	dma.local [hbm:s5], $0x800  }
0x1e: {  	_ =	swait.ge [sflag:s18], $0x800  }
0x1f: {  	[sflag:s18] =	ssyncset.done $0x0  }
0x20: {  	s24 =	sshrl.u32 s8, $0x3;
	[sflag:s18] =	ssyncadd.s32 $0xFFFFF800  }
0x21: {  	[spmem:s24], [sflag:s20] =	dma.local [hbm:s5], $0x800  }
0x22: {  	_ =	swait.ge [sflag:s18], $0x800  }
0x23: {  	[sflag:s18] =	ssyncset.done $0x0  }
0x24: {  	s25 =	sshrl.u32 s9, $0x3;
	[sflag:s18] =	ssyncadd.s32 $0xFFFFF800  }
0x25: {  	[spmem:s25], [sflag:s20] =	dma.local [hbm:s5], $0x800  }
0x26: {  	_ =	swait.ge [sflag:s18], $0x800  }
0x27: {  	[sflag:s18] =	ssyncset.done $0x0  }
0x28: {  	s26 =	sshrl.u32 s10, $0x3;
	[sflag:s18] =	ssyncadd.s32 $0xFFFFF800  }
0x29: {  	[spmem:s26], [sflag:s20] =	dma.local [hbm:s5], $0x800  }
0x2a: {  	_ =	swait.ge [sflag:s18], $0x800  }
0x2b: {  	[sflag:s18] =	ssyncset.done $0x0  }
0x2c: {  	s28 =	sshrl.u32 s11, $0x3;
	[sflag:s18] =	ssyncadd.s32 $0xFFFFF800  }
0x2d: {  	[spmem:s28], [sflag:s20] =	dma.local [hbm:s5], $0x800  }
0x2e: {  	_ =	swait.ge [sflag:s18], $0x800  }
0x2f: {  	[sflag:s18] =	ssyncset.done $0x0  }
0x30: {  	[sflag:s18] =	ssyncadd.s32 $0xFFFFF800  }
0x31: {  	s29 =	simm.s32 $0x0;
	[bflag:$0x0] =	sbarrier.arrive $0xFFFF  }
0x32: {  	[spmem:s3] =	stream.indirect.scatter.add.f32 [tilespmem:s19], [sflag:$0x1], $0x80, s29, s21, $0xb8;
	[tilespmem:$0x1A800] =	vst v63  }
0x33: {  	_ =	swait.ge [sflag:s18], $0x4000  }
0x34: {  	s29 =	simm.s32 $0x200;
	[sflag:s18] =	ssyncset.done $0x0  }
.LBB2_2:
0x35: {  	s30 =	sshra.s32 s29, $0x2;
	[sflag:s18] =	ssyncadd.s32 $0xFFFFC000;
	p0 =	sne.s32 s29, $0x9C00  }
0x36: {  	[spmem:s3] =	stream.indirect.scatter.add.f32 [tilespmem:s19], [sflag:$0x1], $0x80, s30, s21, $0xb8;
	[tilespmem:$0x1A800] =	vst v63  }
.Ltmp0:
0x37: {  	_ = 	snop;
	(pc) =	sbr.rel @p0 .LBB2_2-.Ltmp0, $4  }
0x38: {  	_ = 	snop  }
0x39: {  	s29 =	sadd.s32 $0x200, s29  }
0x3a: {  	_ =	swait.ge [sflag:s18], $0x4000  }
0x3b: {  	[sflag:s18] =	ssyncset.done $0x0  }
0x3c: {  	[sflag:s18] =	ssyncadd.s32 $0xFFFFC000  }
0x3d: {  	[bflag:$0x0] =	sbarrier.arrive $0xFFFF  }
0x3e: {  	[hbm:s12], [sflag:s20] =	dma.local [spmem:s23], $0x800  }
0x3f: {  	_ =	swait.ge [sflag:s18], $0x800  }
0x40: {  	[sflag:s18] =	ssyncset.done $0x0  }
0x41: {  	[sflag:s18] =	ssyncadd.s32 $0xFFFFF800  }
0x42: {  	[hbm:s13], [sflag:s20] =	dma.local [spmem:s24], $0x800  }
0x43: {  	_ =	swait.ge [sflag:s18], $0x800  }
0x44: {  	[sflag:s18] =	ssyncset.done $0x0  }
0x45: {  	[sflag:s18] =	ssyncadd.s32 $0xFFFFF800  }
0x46: {  	[hbm:s14], [sflag:s20] =	dma.local [spmem:s25], $0x800  }
0x47: {  	_ =	swait.ge [sflag:s18], $0x800  }
0x48: {  	[sflag:s18] =	ssyncset.done $0x0  }
0x49: {  	[sflag:s18] =	ssyncadd.s32 $0xFFFFF800  }
0x4a: {  	[hbm:s15], [sflag:s20] =	dma.local [spmem:s26], $0x800  }
0x4b: {  	s22 =	sadd.s32 $0x1, s22;
	_ =	swait.ge [sflag:s18], $0x800  }
0x4c: {  	p0 =	sne.s32 s22, s17;
	[sflag:s18] =	ssyncset.done $0x0  }
.Ltmp1:
0x4d: {  	[sflag:s18] =	ssyncadd.s32 $0xFFFFF800;
	(pc) =	sbr.rel @p0 .LBB2_1-.Ltmp1, $4  }
0x4e: {  	[hbm:s16], [sflag:s20] =	dma.local [spmem:s28], $0x800  }
0x4f: {  	_ =	swait.ge [sflag:s18], $0x800  }
0x50: {  	[sflag:s18] =	ssyncset.done $0x0  }
0x51: {  	[sflag:s18] =	ssyncadd.s32 $0xFFFFF800  }
0x52: {  	_ =	sfence.sel $0x180000  }
0x53: {  	[bflag:$0x0] =	sbarrier.arrive $0xFFFF  }
0x54: {  	p0 =	sne.s32 s1, $0x0;
	_ =	strace $0x90000047  }
0x55: {  	s0 =	sadd.s32 @!p0 $0x100000, s0;
	[bflag:$0x2] =	sbarrier.arrive $0xFFFF  }
0x56: {  	[sflag:s0] =	ssyncadd.tile.s32 @!p0 $0x1;
	_ =	shalt  }
.Lfunc_end2:
_tile_overlayer_lowered:
.L_overlay_start_2:
0x57: {  	(tag) =	ssettag $0x2  }
0x58: {  	s0 =	rddreg [dreg:$0x0];
	s2 =	stileid.u32  }
0x59: {  	s1 =	rddreg [dreg:$0x1];
	p0 =	sne.s32 s2, $0x0  }
0x5a: {  	s3 =	rddreg [dreg:$0x2];
	[bflag:$0x3] =	sbarrier.arrive $0xFFFF;
	s2 =	simm.s32 @!p0 $0x1C01  }
0x5b: {  	[timem:s3], [sflag:s2] =	dma.local @!p0 [hbm:s0], s1  }
0x5c: {  	s0 =	simm.s32 @!p0 $0x1  }
0x5d: {  	_ =	swait.ge @!p0 [sflag:s0], s1  }
0x5e: {  	s1 =	ssub.s32 @!p0 $0x0, s1;
	[sflag:s0] =	ssyncset.done @!p0 $0x0  }
0x5f: {  	[sflag:s0] =	ssyncadd.s32 @!p0 s1  }
0x60: {  	[bflag:$0x3] =	sbarrier.arrive $0xFFFF  }
0x61: {  	_ =	shalt  }

// kernel: kernel.13.cloned.1.call-start
scs
__scs_entry_jumppad:
0x0: {  	(pc) =	sbr.rel $0x88, $3  }
0x1: {  	(tag) =	ssettag $0x0;
	lr =	simm.s32 $0x1  }
0x2: {  	[smem:$0x3F99] =	sst lr;
	_ =	strace $0xD0000000  }
0x3: {  	_ = 	snop  }
0x4: {  	_ = 	snop  }
0x5: {  	_ = 	snop  }
0x6: {  	_ = 	snop  }
0x7: {  	_ = 	snop  }
__scs_overlays_trampoline_lowered:
0x8: {  	[smem:$0x3FA8] =	sst s0  }
0x9: {  	[smem:$0x3FA9] =	sst s1  }
0xa: {  	[smem:$0x3FAA] =	sst s2  }
0xb: {  	[smem:$0x3FAB] =	sst s3  }
0xc: {  	[smem:$0x3FAC] =	sst s4  }
0xd: {  	[smem:$0x3FAD] =	sst s5  }
0xe: {  	[smem:$0x3FAE] =	sst s6  }
0xf: {  	[smem:$0x3FAF] =	sst s7  }
0x10: {  	[smem:$0x3FB0] =	sst s8  }
0x11: {  	[smem:$0x3FB1] =	sst s9;
	s0 =	simm.s32 @!p0 $0x0  }
0x12: {  	s1 =	sld [smem:$0x3F97];
	s0 =	simm.s32 @p0 $0x1  }
0x13: {  	[smem:$0x3FB2] =	sst s0;
	s0 =	simm.s32 @!p1 $0x0  }
0x14: {  	s2 =	sld [smem:$0x3F96];
	s0 =	simm.s32 @p1 $0x1  }
0x15: {  	[smem:$0x3FB3] =	sst s0;
	s0 =	simm.s32 @!p2 $0x0  }
0x16: {  	s3 =	sld [smem:$0x3FDB];
	s0 =	simm.s32 @p2 $0x1  }
0x17: {  	s4 =	simm.s32 $0x1BF5;
	[smem:$0x3FB5] =	sst s0  }
0x18: {  	s0 =	sld [smem:$0x3F98];
	_ =	swait.ge [sflag:s4], $0x0  }
0x19: {  	s7 =	sld [smem:$0x3F99]  }
0x1a: {  	s8 =	sadd.s32 $0xFFFFE003, lr  }
0x1b: {  	s9 =	sadd.s32 $0xFFFFFEF7, lr;
	s5 =	simm.s32 $0xFFFFFFFF;
	p2 =	slt.u32 s8, $0xFFFFF086  }
0x1c: {  	p1 =	slt.u32 s9, $0xF7A;
	s5 =	simm.s32 @!p2 $0x0  }
0x1d: {  	s5 =	simm.s32 @p1 $0x1;
	p0 =	seq.s32 s7, s2  }
0x1e: {  	s7 =	smul.u32 @!p0 $0xF7A, s2;
	p2 =	seq.s32 @!p0 s5, $0x0  }
0x1f: {  	s9 =	smul.u32 $0xF7A, s1;
	s8 =	simm.s32 @!p0 $0x1BF5;
	p2 =	por !p2, p0  }
0x20: {  	[sflag:s8] =	ssyncset.s32 @!p0 $0xFFFFF086;
	s6 =	sadd.s32 @!p0 s3, s7;
	s7 =	simm.s32 @!p0 $0x108  }
0x21: {  	s3 =	sadd.s32 s3, s9;
	s6 =	sadd.s32 @!p0 $0x88, s6;
	s7 =	simm.s32 @p2 $0x1082  }
0x22: {  	[simem:s7], [sflag:s8] =	dma.local @!p0 [hbm:s6], $0xF7A  }
0x23: {  	s9 =	sor.u32 $0xD0000000, s2;
	s6 =	simm.s32 $0x108;
	_ =	swait.ge @!p0 [sflag:s8], $0x0  }
0x24: {  	s3 =	sadd.s32 $0x88, s3;
	s6 =	simm.s32 @!p1 $0x1082;
	[sflag:s4] =	ssyncset.s32 $0xFFFFF086  }
0x25: {  	[simem:s6], [sflag:s4] =	dma.local [hbm:s3], $0xF7A  }
0x26: {  	[smem:$0x3F99] =	sst s1;
	(tag) =	ssettag s2;
	_ =	strace s9  }
0x27: {  	s1 =	sld [smem:$0x3FA9]  }
0x28: {  	s2 =	sld [smem:$0x3FAA]  }
0x29: {  	s4 =	sld [smem:$0x3FAC]  }
0x2a: {  	p0 =	seq.s32 s5, $0x0;
	s5 =	sld [smem:$0x3FAD]  }
0x2b: {  	s6 =	sld [smem:$0x3FAE]  }
0x2c: {  	s7 =	sld [smem:$0x3FAF]  }
0x2d: {  	s3 =	simm.s32 $0x108;
	s8 =	sld [smem:$0x3FB0]  }
0x2e: {  	s3 =	simm.s32 @!p0 $0x1082;
	s9 =	sld [smem:$0x3FB1]  }
0x2f: {  	lr =	sadd.s32 s0, s3;
	s0 =	sld [smem:$0x3FA8]  }
0x30: {  	s3 =	sld [smem:$0x3FAB]  }
0x31: {  	[smem:$0x3FB4] =	sst s10  }
0x32: {  	s10 =	sld [smem:$0x3FB2];
	_ =	sdelay $0x3  }
0x33: {  	p0 =	seq.s32 s10, $0x1;
	s10 =	sld [smem:$0x3FB4];
	_ =	sdelay $0x3  }
0x34: {  	[smem:$0x3FB4] =	sst s10  }
0x35: {  	s10 =	sld [smem:$0x3FB3];
	_ =	sdelay $0x3  }
0x36: {  	p1 =	seq.s32 s10, $0x1;
	s10 =	sld [smem:$0x3FB4];
	_ =	sdelay $0x3  }
0x37: {  	[smem:$0x3FB4] =	sst s10  }
0x38: {  	s10 =	sld [smem:$0x3FB5]  }
0x39: {  	_ = 	snop;
	(pc) =	sbr.ind lr, $3  }
0x3a: {  	_ = 	snop  }
0x3b: {  	_ = 	snop  }
0x3c: {  	p2 =	seq.s32 s10, $0x1;
	s10 =	sld [smem:$0x3FB4]  }
0x3d: {  	_ =	shalt  }
0x3e: {  	_ =	shalt  }
0x3f: {  	_ =	shalt  }
0x40: {  	_ =	shalt  }
0x41: {  	_ =	shalt  }
0x42: {  	_ =	shalt  }
0x43: {  	_ =	shalt  }
0x44: {  	_ =	shalt  }
0x45: {  	_ =	shalt  }
0x46: {  	_ =	shalt  }
0x47: {  	_ =	shalt  }
0x48: {  	_ =	shalt  }
0x49: {  	_ =	shalt  }
0x4a: {  	_ =	shalt  }
0x4b: {  	_ =	shalt  }
0x4c: {  	_ =	shalt  }
0x4d: {  	_ =	shalt  }
0x4e: {  	_ =	shalt  }
0x4f: {  	_ =	shalt  }
0x50: {  	_ =	shalt  }
0x51: {  	_ =	shalt  }
0x52: {  	_ =	shalt  }
0x53: {  	_ =	shalt  }
0x54: {  	_ =	shalt  }
0x55: {  	_ =	shalt  }
0x56: {  	_ =	shalt  }
0x57: {  	_ =	shalt  }
0x58: {  	_ =	shalt  }
0x59: {  	_ =	shalt  }
0x5a: {  	_ =	shalt  }
0x5b: {  	_ =	shalt  }
0x5c: {  	_ =	shalt  }
0x5d: {  	_ =	shalt  }
0x5e: {  	_ =	shalt  }
0x5f: {  	_ =	shalt  }
0x60: {  	_ =	shalt  }
0x61: {  	_ =	shalt  }
0x62: {  	_ =	shalt  }
0x63: {  	_ =	shalt  }
0x64: {  	_ =	shalt  }
0x65: {  	_ =	shalt  }
0x66: {  	_ =	shalt  }
0x67: {  	_ =	shalt  }
0x68: {  	_ =	shalt  }
0x69: {  	_ =	shalt  }
0x6a: {  	_ =	shalt  }
0x6b: {  	_ =	shalt  }
0x6c: {  	_ =	shalt  }
0x6d: {  	_ =	shalt  }
0x6e: {  	_ =	shalt  }
0x6f: {  	_ =	shalt  }
0x70: {  	_ =	shalt  }
0x71: {  	_ =	shalt  }
0x72: {  	_ =	shalt  }
0x73: {  	_ =	shalt  }
0x74: {  	_ =	shalt  }
0x75: {  	_ =	shalt  }
0x76: {  	_ =	shalt  }
0x77: {  	_ =	shalt  }
0x78: {  	_ =	shalt  }
0x79: {  	_ =	shalt  }
0x7a: {  	_ =	shalt  }
0x7b: {  	_ =	shalt  }
0x7c: {  	_ =	shalt  }
0x7d: {  	_ =	shalt  }
0x7e: {  	_ =	shalt  }
0x7f: {  	_ =	shalt  }
0x80: {  	_ =	shalt  }
0x81: {  	_ =	shalt  }
0x82: {  	_ =	shalt  }
0x83: {  	_ =	shalt  }
0x84: {  	_ =	shalt  }
0x85: {  	_ =	shalt  }
0x86: {  	_ =	shalt  }
0x87: {  	_ =	shalt  }
.Lfunc_end0:
.L_simem_size_0:
called_computation.1_lowered:
.L_overlay_start_0:
0x88: {  	s2 =	sld [smem:$0x3FD9]  }
0x89: {  	s3 =	sld [smem:$0x3FFE];
	_ =	sdelay $0x1  }
0x8a: {  	s1 =	srdreg.scid  }
0x8b: {  	s0 =	sand.u32 $0x1, s1  }
0x8c: {  	s17 =	sshll.u32 s0, $0xA;
	s2 =	sadd.s32 s3, s2  }
0x8d: {  	s2 =	sadd.s32 s2, s17  }
0x8e: {  	[smem:$0x3FC0] =	sst s2  }
0x8f: {  	_ = 	snop  }
0x90: {  	s2 =	sld [smem:$0x3FD0];
	(tm) =	ssettm $0x1  }
0x91: {  	s18 =	sld [smem:$0x3FFB];
	_ =	sdelay $0x3  }
0x92: {  	_ =	strace s18  }
0x93: {  	s3 =	sld [smem:$0x3FFC];
	_ =	sdelay $0x3  }
0x94: {  	_ =	strace s3  }
0x95: {  	s3 =	sld [smem:$0x3FFD];
	_ =	sdelay $0x3  }
0x96: {  	_ =	strace s3  }
0x97: {  	_ =	strace $0x8FFFFFFF  }
0x98: {  	s19 =	sld [smem:$0x3FDB];
	_ =	sdelay $0x1  }
0x99: {  	s4 =	simm.s32 $_scs_section_size  }
0x9a: {  	s5 =	simm.s32 $_size__tile_overlayer_lowered;
	s6 =	simm.s32 $_tile_overlayer_lowered  }
0x9b: {  	s22 =	simm.s32 $0x1BFF;
	s21 =	sshll.u32 s6, $0x1;
	s3 =	sadd.s32 s4, s19  }
0x9c: {  	s7 =	simm.s32 $0x0;
	s20 =	sshll.u32 s5, $0x1;
	s5 =	sadd.s32 s21, s3  }
0x9d: {  	[timem:s7], [sflag:s22] =	dma.local [hbm:s5], s20  }
0x9e: {  	_ =	swait.ge [sflag:s22], s20  }
0x9f: {  	s4 =	ssub.s32 $0x0, s20;
	[sflag:s22] =	ssyncset.done $0x0  }
0xa0: {  	[sflag:s22] =	ssyncadd.s32 s4;
	_ =	sdelay $0x1  }
0xa1: {  	s23 =	simm.s32 $0x1B8B  }
0xa2: {  	_ =	swait.ge [sflag:s23], $0x1  }
0xa3: {  	[sflag:s23] =	ssyncset.done $0x0  }
0xa4: {  	s25 =	simm.s32 $0x1B8E;
	s24 =	sld [smem:$0x3FFE];
	[sflag:s23] =	ssyncadd.s32 $0xFFFFFFFF  }
0xa5: {  	s26 =	simm.s32 $execute0_lowered;
	[smem:$0x3FD2] =	sst s25  }
0xa6: {  	s5 =	sshll.u32 s26, $0x1;
	_ =	strace $0x80000049;
	[dreg:$0x1] =	wrdreg $0xFFFFFFFF  }
0xa7: {  	s28 =	simm.s32 $_size_execute0_lowered;
	s3 =	sadd.s32 s3, s5;
	[dreg:$0x0] =	wrdreg $0x0  }
0xa8: {  	s5 =	sshll.u32 s28, $0x1;
	[dreg:$0x2] =	wrdreg s3  }
0xa9: {  	[dreg:$0x3] =	wrdreg s5  }
0xaa: {  	[dreg:$0x4] =	wrdreg $0xC0  }
0xab: {  	_ =	task [dreg:s7], $0x5FFFF  }
0xac: {  	[dreg:$0x1] =	wrdreg $0xFFFFFFFF  }
0xad: {  	[dreg:$0x0] =	wrdreg $0x60  }
0xae: {  	[dreg:$0x2] =	wrdreg s2  }
0xaf: {  	[dreg:$0x3] =	wrdreg s24  }
0xb0: {  	[dreg:$0x4] =	wrdreg $0x90000  }
0xb1: {  	[dreg:$0x5] =	wrdreg $0x9  }
0xb2: {  	_ =	task.clear_ibuf [dreg:s7], $0x6FFFF;
	_ =	strace $0x90000049  }
0xb3: {  	s29 =	simm.s32 $0x9;
	_ =	strace $0x8000004B  }
0xb4: {  	_ =	swait.ge [sflag:s29], $0x1  }
0xb5: {  	[sflag:s29] =	ssyncadd.s32 $0xFFFFFFFF  }
0xb6: {  	_ =	strace $0x9000004B  }
0xb7: {  	_ =	sfence  }
0xb8: {  	s30 =	sld [smem:$0x0];
	_ =	sdelay $0x2  }
0xb9: {  	s31 =	sshll.u32 s1, $0xD;
	s1 =	sshrl.u32 s1, $0x2  }
0xba: {  	s3 =	sand.u32 $0x4000, s31;
	s1 =	sadd.s32 s1, s30  }
0xbb: {  	s0 =	sor.u32 s3, s0;
	s1 =	sshll.u32 s1, $0x11  }
0xbc: {  	s0 =	sor.u32 s1, s0  }
0xbd: {  	s0 =	sadd.s32 $0x8F2B, s0  }
0xbe: {  	[sflag:s0] =	ssyncadd.remote.s32 $0x1  }
0xbf: {  	_ =	sfence.sel $0xFFFF  }
0xc0: {  	[dreg:$0x0] =	wrdreg $0xFFFFFFFF;
	(pc) =	sbr.abs _section_cstart, $3  }
0xc1: {  	[dreg:$0x1] =	wrdreg $0xFFFFFFFF  }
0xc2: {  	_ =	task.clear_ibuf [dreg:s7], $0x2FFFF;
	_ =	strace $0x9FFFFFFF  }
0xc3: {  	(tm) =	ssettm $0x7FFFFFFF  }
tec
execute0_lowered:
.L_overlay_start_1:
0x0: {  	(tag) =	ssettag $0x1  }
0x1: {  	s1 =	rddreg [dreg:$0x0]  }
0x2: {  	s6 =	rddreg [dreg:$0x1]  }
0x3: {  	s0 =	srdreg.scid;
	s3 =	rddreg [dreg:$0x2];
	s4 =	simm.s32 $0x0  }
0x4: {  	s22 =	simm.s32 $0x80;
	s9 =	sand.u32 $0x1, s0;
	s0 =	stileid.u32  }
0x5: {  	s23 =	simm.s32 $0x1;
	s24 =	simm.s32 $0x0;
	s10 =	smul.u32 $0x50000, s0  }
0x6: {  	[smem:$0x7FF] =	sst s4;
	s17 =	sadd.s32 $0xDC00, s6;
	s12 =	smul.u32 $0x14000, s0  }
0x7: {  	s2 =	sshll.u32 s9, $0x4;
	s8 =	ssub.s32 $0x2, s9;
	s19 =	smul.u32 $0x140000, s9  }
0x8: {  	s5 =	sor.u32 s0, s2;
	s2 =	rddreg [dreg:$0x3];
	s30 =	sshrl.u32 s8, $0x1  }
0x9: {  	_ =	strace $0x8000004A;
	s5 =	smul.u32 $0x500, s5;
	s18 =	ssub.s32 s8, s30  }
0xa: {  	s31 =	sshrl.u32 s10, $0x2;
	s13 =	sadd.s32 $0x4000, s12;
	s15 =	sadd.s32 $0x8000, s12  }
0xb: {  	s16 =	sadd.s32 $0xC000, s12;
	s20 =	sadd.s32 $0x10000, s12;
	s14 =	sadd.s32 s12, s19  }
0xc: {  	s8 =	sadd.s32 s31, s3;
	s9 =	sadd.s32 s13, s3;
	s10 =	sadd.s32 s15, s3  }
0xd: {  	s11 =	sadd.s32 s16, s3;
	s13 =	sadd.s32 s19, s13;
	s12 =	sadd.s32 s20, s3  }
0xe: {  	s14 =	sshrl.u32 s14, $0x3;
	s15 =	sadd.s32 s19, s15;
	s16 =	sadd.s32 s19, s16  }
0xf: {  	s19 =	sadd.s32 s19, s20;
	s18 =	smax.u32 s18, $0x1;
	s20 =	simm.s32 $0x2800  }
0x10: {  	s7 =	sadd.s32 s5, s6;
	s5 =	sadd.s32 $0xD400, s6;
	s21 =	sshrl.u32 s13, $0x3  }
0x11: {  	s13 =	sadd.s32 s17, s14;
	s15 =	sshrl.u32 s15, $0x3;
	s16 =	sshrl.u32 s16, $0x3  }
0x12: {  	s19 =	sshrl.u32 s19, $0x3;
	s6 =	sadd.s32 $0x5DC00, s7;
	s7 =	sadd.s32 $0x3400, s7  }
0x13: {  	s14 =	sadd.s32 s17, s21;
	s15 =	sadd.s32 s17, s15;
	s16 =	sadd.s32 s17, s16  }
0x14: {  	s17 =	sadd.s32 s17, s19;
	s19 =	simm.s32 $0x2;
	s21 =	simm.s32 $0x5000  }
.LBB2_1:
0x15: {  	[tilespmem:s4], [sflag:$0x2] =	stream.linear.gather [hbm4b:s6+s4], $0x2780, $0x38;
	[tilespmem:$0x1D000] =	vst v63  }
0x16: {  	_ =	swait.ge [sflag:s19], $0x2780  }
0x17: {  	[sflag:s19] =	ssyncset.done $0x0  }
0x18: {  	[sflag:s19] =	ssyncadd.s32 $0xFFFFD880  }
0x19: {  	[tilespmem:s20], [sflag:$0x2] =	stream.linear.gather [hbm4b:s7+s4], $0x2780, $0x38;
	[tilespmem:$0x1D000] =	vst v63  }
0x1a: {  	_ =	swait.ge [sflag:s19], $0x2780  }
0x1b: {  	[sflag:s19] =	ssyncset.done $0x0  }
0x1c: {  	[sflag:s19] =	ssyncadd.s32 $0xFFFFD880  }
0x1d: {  	[tilespmem:s21], [sflag:$0x2] =	stream.linear.gather [hbm4b:s5+s4], $0x4000, $0x38;
	[tilespmem:$0x1D000] =	vst v63  }
0x1e: {  	_ =	swait.ge [sflag:s19], $0x4000  }
0x1f: {  	[sflag:s19] =	ssyncset.done $0x0  }
0x20: {  	[sflag:s19] =	ssyncadd.s32 $0xFFFFC000  }
0x21: {  	[spmem:s8] =	stream.linear.scatter [tilespmem:s21], [sflag:$0x2], $0x4000, $0x38;
	[tilespmem:$0x1D000] =	vst v63  }
0x22: {  	_ =	swait.ge [sflag:s19], $0x4000  }
0x23: {  	[sflag:s19] =	ssyncset.done $0x0  }
0x24: {  	[sflag:s19] =	ssyncadd.s32 $0xFFFFC000  }
0x25: {  	[spmem:s9] =	stream.linear.scatter [tilespmem:s21], [sflag:$0x2], $0x4000, $0x38;
	[tilespmem:$0x1D000] =	vst v63  }
0x26: {  	_ =	swait.ge [sflag:s19], $0x4000  }
0x27: {  	[sflag:s19] =	ssyncset.done $0x0  }
0x28: {  	[sflag:s19] =	ssyncadd.s32 $0xFFFFC000  }
0x29: {  	[spmem:s10] =	stream.linear.scatter [tilespmem:s21], [sflag:$0x2], $0x4000, $0x38;
	[tilespmem:$0x1D000] =	vst v63  }
0x2a: {  	_ =	swait.ge [sflag:s19], $0x4000  }
0x2b: {  	[sflag:s19] =	ssyncset.done $0x0  }
0x2c: {  	[sflag:s19] =	ssyncadd.s32 $0xFFFFC000  }
0x2d: {  	[spmem:s11] =	stream.linear.scatter [tilespmem:s21], [sflag:$0x2], $0x4000, $0x38;
	[tilespmem:$0x1D000] =	vst v63  }
0x2e: {  	_ =	swait.ge [sflag:s19], $0x4000  }
0x2f: {  	[sflag:s19] =	ssyncset.done $0x0  }
0x30: {  	[sflag:s19] =	ssyncadd.s32 $0xFFFFC000  }
0x31: {  	[spmem:s12] =	stream.linear.scatter [tilespmem:s21], [sflag:$0x2], $0x4000, $0x38;
	[tilespmem:$0x1D000] =	vst v63  }
0x32: {  	_ =	swait.ge [sflag:s19], $0x4000  }
0x33: {  	[sflag:s19] =	ssyncset.done $0x0  }
0x34: {  	[sflag:s19] =	ssyncadd.s32 $0xFFFFC000  }
0x35: {  	s25 =	simm.s32 $0x0;
	[bflag:$0x0] =	sbarrier.arrive $0xFFFF  }
0x36: {  	[tilespmem:s21], [sflag:$0x1] =	stream.indirect.gather [hbm4b:s1+s22], $0x80, s25, s22, $0xb8;
	[tilespmem:$0x1D000] =	vst v63  }
0x37: {  	_ =	swait.ge [sflag:s23], $0x4000  }
0x38: {  	[sflag:s23] =	ssyncset.done $0x0  }
0x39: {  	s31 =	simm.s32 $0x2800;
	[sflag:s23] =	ssyncadd.s32 $0xFFFFC000  }
0x3a: {  	[spmem:s3] =	stream.indirect.scatter.add.f32 [tilespmem:s21], [sflag:$0x2], $0x80, s31, s22, $0xb8;
	[tilespmem:$0x1D000] =	vst v63  }
0x3b: {  	_ =	swait.ge [sflag:s19], $0x4000  }
0x3c: {  	s26 =	simm.s32 $0x400;
	s25 =	simm.s32 $0x200;
	[sflag:s19] =	ssyncset.done $0x0  }
.LBB2_2:
0x3d: {  	s28 =	sshra.s32 s25, $0x2  }
0x3e: {  	[sflag:s19] =	ssyncadd.s32 $0xFFFFC000;
	s25 =	smov.u32 s26;
	s29 =	sadd.s32 $0x200, s26  }
0x3f: {  	[tilespmem:s21], [sflag:$0x1] =	stream.indirect.gather [hbm4b:s1+s22], $0x80, s28, s22, $0xb8;
	[tilespmem:$0x1D000] =	vst v63  }
0x40: {  	p0 =	sne.s32 s26, $0x9C00;
	_ =	swait.ge [sflag:s23], $0x4000  }
.Ltmp0:
0x41: {  	[sflag:s23] =	ssyncset.done $0x0;
	(pc) =	sbr.rel @p0 .LBB2_2-.Ltmp0, $4  }
0x42: {  	s26 =	sadd.s32 $0x2800, s28;
	[sflag:s23] =	ssyncadd.s32 $0xFFFFC000  }
0x43: {  	[spmem:s3] =	stream.indirect.scatter.add.f32 [tilespmem:s21], [sflag:$0x2], $0x80, s26, s22, $0xb8;
	[tilespmem:$0x1D000] =	vst v63  }
0x44: {  	_ =	swait.ge [sflag:s19], $0x4000  }
0x45: {  	s26 =	smov.u32 s29;
	[sflag:s19] =	ssyncset.done $0x0  }
0x46: {  	s25 =	sshra.s32 s25, $0x2;
	[sflag:s19] =	ssyncadd.s32 $0xFFFFC000  }
0x47: {  	[tilespmem:s21], [sflag:$0x1] =	stream.indirect.gather [hbm4b:s1+s22], $0x80, s25, s22, $0xb8;
	[tilespmem:$0x1D000] =	vst v63  }
0x48: {  	_ =	swait.ge [sflag:s23], $0x4000  }
0x49: {  	[sflag:s23] =	ssyncset.done $0x0  }
0x4a: {  	s25 =	sadd.s32 $0x2800, s25;
	[sflag:s23] =	ssyncadd.s32 $0xFFFFC000  }
0x4b: {  	[spmem:s3] =	stream.indirect.scatter.add.f32 [tilespmem:s21], [sflag:$0x2], $0x80, s25, s22, $0xb8;
	[tilespmem:$0x1D000] =	vst v63  }
0x4c: {  	_ =	swait.ge [sflag:s19], $0x4000  }
0x4d: {  	[sflag:s19] =	ssyncset.done $0x0  }
0x4e: {  	s26 =	sshll.u32 s0, $0x6;
	[sflag:s19] =	ssyncadd.s32 $0xFFFFC000  }
0x4f: {  	s25 =	sor.u32 $0x1C02, s26;
	s26 =	sshrl.u32 s8, $0x3;
	[bflag:$0x0] =	sbarrier.arrive $0xFFFF  }
0x50: {  	[hbm:s13], [sflag:s25] =	dma.local [spmem:s26], $0x800  }
0x51: {  	_ =	swait.ge [sflag:s19], $0x800  }
0x52: {  	[sflag:s19] =	ssyncset.done $0x0  }
0x53: {  	s28 =	sshrl.u32 s9, $0x3;
	[sflag:s19] =	ssyncadd.s32 $0xFFFFF800  }
0x54: {  	[hbm:s14], [sflag:s25] =	dma.local [spmem:s28], $0x800  }
0x55: {  	_ =	swait.ge [sflag:s19], $0x800  }
0x56: {  	[sflag:s19] =	ssyncset.done $0x0  }
0x57: {  	s29 =	sshrl.u32 s10, $0x3;
	[sflag:s19] =	ssyncadd.s32 $0xFFFFF800  }
0x58: {  	[hbm:s15], [sflag:s25] =	dma.local [spmem:s29], $0x800  }
0x59: {  	_ =	swait.ge [sflag:s19], $0x800  }
0x5a: {  	[sflag:s19] =	ssyncset.done $0x0  }
0x5b: {  	s30 =	sshrl.u32 s11, $0x3;
	[sflag:s19] =	ssyncadd.s32 $0xFFFFF800  }
0x5c: {  	[hbm:s16], [sflag:s25] =	dma.local [spmem:s30], $0x800  }
0x5d: {  	s24 =	sadd.s32 $0x1, s24;
	_ =	swait.ge [sflag:s19], $0x800  }
0x5e: {  	p0 =	sne.s32 s24, s18;
	[sflag:s19] =	ssyncset.done $0x0  }
.Ltmp1:
0x5f: {  	s31 =	sshrl.u32 s12, $0x3;
	[sflag:s19] =	ssyncadd.s32 $0xFFFFF800;
	(pc) =	sbr.rel @p0 .LBB2_1-.Ltmp1, $4  }
0x60: {  	[hbm:s17], [sflag:s25] =	dma.local [spmem:s31], $0x800  }
0x61: {  	_ =	swait.ge [sflag:s19], $0x800  }
0x62: {  	[sflag:s19] =	ssyncset.done $0x0  }
0x63: {  	[sflag:s19] =	ssyncadd.s32 $0xFFFFF800  }
0x64: {  	_ =	sfence.sel $0x180000  }
0x65: {  	[bflag:$0x0] =	sbarrier.arrive $0xFFFF  }
0x66: {  	p0 =	sne.s32 s0, $0x0;
	_ =	strace $0x9000004A  }
0x67: {  	s0 =	sadd.s32 @!p0 $0x100000, s2;
	[bflag:$0x2] =	sbarrier.arrive $0xFFFF  }
0x68: {  	[sflag:s0] =	ssyncadd.tile.s32 @!p0 $0x1;
	_ =	shalt  }
.Lfunc_end2:
_tile_overlayer_lowered:
.L_overlay_start_2:
0x69: {  	(tag) =	ssettag $0x2  }
0x6a: {  	s0 =	rddreg [dreg:$0x0];
	s2 =	stileid.u32  }
0x6b: {  	s1 =	rddreg [dreg:$0x1];
	p0 =	sne.s32 s2, $0x0  }
0x6c: {  	s3 =	rddreg [dreg:$0x2];
	[bflag:$0x3] =	sbarrier.arrive $0xFFFF;
	s2 =	simm.s32 @!p0 $0x1C02  }
0x6d: {  	[timem:s3], [sflag:s2] =	dma.local @!p0 [hbm:s0], s1  }
0x6e: {  	s0 =	simm.s32 @!p0 $0x2  }
0x6f: {  	_ =	swait.ge @!p0 [sflag:s0], s1  }
0x70: {  	s1 =	ssub.s32 @!p0 $0x0, s1;
	[sflag:s0] =	ssyncset.done @!p0 $0x0  }
0x71: {  	[sflag:s0] =	ssyncadd.s32 @!p0 s1  }
0x72: {  	[bflag:$0x3] =	sbarrier.arrive $0xFFFF  }
0x73: {  	_ =	shalt  }

// kernel: kernel.16.cloned.1.call-start
scs
__scs_entry_jumppad:
0x0: {  	(pc) =	sbr.rel $0x88, $3  }
0x1: {  	(tag) =	ssettag $0x0;
	lr =	simm.s32 $0x1  }
0x2: {  	[smem:$0x3F99] =	sst lr;
	_ =	strace $0xD0000000  }
0x3: {  	_ = 	snop  }
0x4: {  	_ = 	snop  }
0x5: {  	_ = 	snop  }
0x6: {  	_ = 	snop  }
0x7: {  	_ = 	snop  }
__scs_overlays_trampoline_lowered:
0x8: {  	[smem:$0x3FA8] =	sst s0  }
0x9: {  	[smem:$0x3FA9] =	sst s1  }
0xa: {  	[smem:$0x3FAA] =	sst s2  }
0xb: {  	[smem:$0x3FAB] =	sst s3  }
0xc: {  	[smem:$0x3FAC] =	sst s4  }
0xd: {  	[smem:$0x3FAD] =	sst s5  }
0xe: {  	[smem:$0x3FAE] =	sst s6  }
0xf: {  	[smem:$0x3FAF] =	sst s7  }
0x10: {  	[smem:$0x3FB0] =	sst s8  }
0x11: {  	[smem:$0x3FB1] =	sst s9;
	s0 =	simm.s32 @!p0 $0x0  }
0x12: {  	s1 =	sld [smem:$0x3F97];
	s0 =	simm.s32 @p0 $0x1  }
0x13: {  	[smem:$0x3FB2] =	sst s0;
	s0 =	simm.s32 @!p1 $0x0  }
0x14: {  	s2 =	sld [smem:$0x3F96];
	s0 =	simm.s32 @p1 $0x1  }
0x15: {  	[smem:$0x3FB3] =	sst s0;
	s0 =	simm.s32 @!p2 $0x0  }
0x16: {  	s3 =	sld [smem:$0x3FDB];
	s0 =	simm.s32 @p2 $0x1  }
0x17: {  	s4 =	simm.s32 $0x1BF5;
	[smem:$0x3FB5] =	sst s0  }
0x18: {  	s0 =	sld [smem:$0x3F98];
	_ =	swait.ge [sflag:s4], $0x0  }
0x19: {  	s7 =	sld [smem:$0x3F99]  }
0x1a: {  	s8 =	sadd.s32 $0xFFFFE003, lr  }
0x1b: {  	s9 =	sadd.s32 $0xFFFFFEF7, lr;
	s5 =	simm.s32 $0xFFFFFFFF;
	p2 =	slt.u32 s8, $0xFFFFF086  }
0x1c: {  	p1 =	slt.u32 s9, $0xF7A;
	s5 =	simm.s32 @!p2 $0x0  }
0x1d: {  	s5 =	simm.s32 @p1 $0x1;
	p0 =	seq.s32 s7, s2  }
0x1e: {  	s7 =	smul.u32 @!p0 $0xF7A, s2;
	p2 =	seq.s32 @!p0 s5, $0x0  }
0x1f: {  	s9 =	smul.u32 $0xF7A, s1;
	s8 =	simm.s32 @!p0 $0x1BF5;
	p2 =	por !p2, p0  }
0x20: {  	[sflag:s8] =	ssyncset.s32 @!p0 $0xFFFFF086;
	s6 =	sadd.s32 @!p0 s3, s7;
	s7 =	simm.s32 @!p0 $0x108  }
0x21: {  	s3 =	sadd.s32 s3, s9;
	s6 =	sadd.s32 @!p0 $0x88, s6;
	s7 =	simm.s32 @p2 $0x1082  }
0x22: {  	[simem:s7], [sflag:s8] =	dma.local @!p0 [hbm:s6], $0xF7A  }
0x23: {  	s9 =	sor.u32 $0xD0000000, s2;
	s6 =	simm.s32 $0x108;
	_ =	swait.ge @!p0 [sflag:s8], $0x0  }
0x24: {  	s3 =	sadd.s32 $0x88, s3;
	s6 =	simm.s32 @!p1 $0x1082;
	[sflag:s4] =	ssyncset.s32 $0xFFFFF086  }
0x25: {  	[simem:s6], [sflag:s4] =	dma.local [hbm:s3], $0xF7A  }
0x26: {  	[smem:$0x3F99] =	sst s1;
	(tag) =	ssettag s2;
	_ =	strace s9  }
0x27: {  	s1 =	sld [smem:$0x3FA9]  }
0x28: {  	s2 =	sld [smem:$0x3FAA]  }
0x29: {  	s4 =	sld [smem:$0x3FAC]  }
0x2a: {  	p0 =	seq.s32 s5, $0x0;
	s5 =	sld [smem:$0x3FAD]  }
0x2b: {  	s6 =	sld [smem:$0x3FAE]  }
0x2c: {  	s7 =	sld [smem:$0x3FAF]  }
0x2d: {  	s3 =	simm.s32 $0x108;
	s8 =	sld [smem:$0x3FB0]  }
0x2e: {  	s3 =	simm.s32 @!p0 $0x1082;
	s9 =	sld [smem:$0x3FB1]  }
0x2f: {  	lr =	sadd.s32 s0, s3;
	s0 =	sld [smem:$0x3FA8]  }
0x30: {  	s3 =	sld [smem:$0x3FAB]  }
0x31: {  	[smem:$0x3FB4] =	sst s10  }
0x32: {  	s10 =	sld [smem:$0x3FB2];
	_ =	sdelay $0x3  }
0x33: {  	p0 =	seq.s32 s10, $0x1;
	s10 =	sld [smem:$0x3FB4];
	_ =	sdelay $0x3  }
0x34: {  	[smem:$0x3FB4] =	sst s10  }
0x35: {  	s10 =	sld [smem:$0x3FB3];
	_ =	sdelay $0x3  }
0x36: {  	p1 =	seq.s32 s10, $0x1;
	s10 =	sld [smem:$0x3FB4];
	_ =	sdelay $0x3  }
0x37: {  	[smem:$0x3FB4] =	sst s10  }
0x38: {  	s10 =	sld [smem:$0x3FB5]  }
0x39: {  	_ = 	snop;
	(pc) =	sbr.ind lr, $3  }
0x3a: {  	_ = 	snop  }
0x3b: {  	_ = 	snop  }
0x3c: {  	p2 =	seq.s32 s10, $0x1;
	s10 =	sld [smem:$0x3FB4]  }
0x3d: {  	_ =	shalt  }
0x3e: {  	_ =	shalt  }
0x3f: {  	_ =	shalt  }
0x40: {  	_ =	shalt  }
0x41: {  	_ =	shalt  }
0x42: {  	_ =	shalt  }
0x43: {  	_ =	shalt  }
0x44: {  	_ =	shalt  }
0x45: {  	_ =	shalt  }
0x46: {  	_ =	shalt  }
0x47: {  	_ =	shalt  }
0x48: {  	_ =	shalt  }
0x49: {  	_ =	shalt  }
0x4a: {  	_ =	shalt  }
0x4b: {  	_ =	shalt  }
0x4c: {  	_ =	shalt  }
0x4d: {  	_ =	shalt  }
0x4e: {  	_ =	shalt  }
0x4f: {  	_ =	shalt  }
0x50: {  	_ =	shalt  }
0x51: {  	_ =	shalt  }
0x52: {  	_ =	shalt  }
0x53: {  	_ =	shalt  }
0x54: {  	_ =	shalt  }
0x55: {  	_ =	shalt  }
0x56: {  	_ =	shalt  }
0x57: {  	_ =	shalt  }
0x58: {  	_ =	shalt  }
0x59: {  	_ =	shalt  }
0x5a: {  	_ =	shalt  }
0x5b: {  	_ =	shalt  }
0x5c: {  	_ =	shalt  }
0x5d: {  	_ =	shalt  }
0x5e: {  	_ =	shalt  }
0x5f: {  	_ =	shalt  }
0x60: {  	_ =	shalt  }
0x61: {  	_ =	shalt  }
0x62: {  	_ =	shalt  }
0x63: {  	_ =	shalt  }
0x64: {  	_ =	shalt  }
0x65: {  	_ =	shalt  }
0x66: {  	_ =	shalt  }
0x67: {  	_ =	shalt  }
0x68: {  	_ =	shalt  }
0x69: {  	_ =	shalt  }
0x6a: {  	_ =	shalt  }
0x6b: {  	_ =	shalt  }
0x6c: {  	_ =	shalt  }
0x6d: {  	_ =	shalt  }
0x6e: {  	_ =	shalt  }
0x6f: {  	_ =	shalt  }
0x70: {  	_ =	shalt  }
0x71: {  	_ =	shalt  }
0x72: {  	_ =	shalt  }
0x73: {  	_ =	shalt  }
0x74: {  	_ =	shalt  }
0x75: {  	_ =	shalt  }
0x76: {  	_ =	shalt  }
0x77: {  	_ =	shalt  }
0x78: {  	_ =	shalt  }
0x79: {  	_ =	shalt  }
0x7a: {  	_ =	shalt  }
0x7b: {  	_ =	shalt  }
0x7c: {  	_ =	shalt  }
0x7d: {  	_ =	shalt  }
0x7e: {  	_ =	shalt  }
0x7f: {  	_ =	shalt  }
0x80: {  	_ =	shalt  }
0x81: {  	_ =	shalt  }
0x82: {  	_ =	shalt  }
0x83: {  	_ =	shalt  }
0x84: {  	_ =	shalt  }
0x85: {  	_ =	shalt  }
0x86: {  	_ =	shalt  }
0x87: {  	_ =	shalt  }
.Lfunc_end0:
.L_simem_size_0:
called_computation.2_lowered:
.L_overlay_start_0:
0x88: {  	s2 =	sld [smem:$0x3FD9]  }
0x89: {  	s3 =	sld [smem:$0x3FFE];
	_ =	sdelay $0x1  }
0x8a: {  	s1 =	srdreg.scid  }
0x8b: {  	s0 =	sand.u32 $0x1, s1  }
0x8c: {  	s17 =	sshll.u32 s0, $0xA;
	s2 =	sadd.s32 s3, s2  }
0x8d: {  	s2 =	sadd.s32 s2, s17  }
0x8e: {  	[smem:$0x3FC0] =	sst s2  }
0x8f: {  	_ = 	snop  }
0x90: {  	s2 =	sld [smem:$0x3FD0];
	(tm) =	ssettm $0x1  }
0x91: {  	s18 =	sld [smem:$0x3FFB];
	_ =	sdelay $0x3  }
0x92: {  	_ =	strace s18  }
0x93: {  	s3 =	sld [smem:$0x3FFC];
	_ =	sdelay $0x3  }
0x94: {  	_ =	strace s3  }
0x95: {  	s3 =	sld [smem:$0x3FFD];
	_ =	sdelay $0x3  }
0x96: {  	_ =	strace s3  }
0x97: {  	_ =	strace $0x8FFFFFFF  }
0x98: {  	s19 =	sld [smem:$0x3FDB];
	_ =	sdelay $0x1  }
0x99: {  	s4 =	simm.s32 $_scs_section_size  }
0x9a: {  	s5 =	simm.s32 $_size__tile_overlayer_lowered;
	s6 =	simm.s32 $_tile_overlayer_lowered  }
0x9b: {  	s22 =	simm.s32 $0x1BFF;
	s21 =	sshll.u32 s6, $0x1;
	s3 =	sadd.s32 s4, s19  }
0x9c: {  	s7 =	simm.s32 $0x0;
	s20 =	sshll.u32 s5, $0x1;
	s5 =	sadd.s32 s21, s3  }
0x9d: {  	[timem:s7], [sflag:s22] =	dma.local [hbm:s5], s20  }
0x9e: {  	_ =	swait.ge [sflag:s22], s20  }
0x9f: {  	s4 =	ssub.s32 $0x0, s20;
	[sflag:s22] =	ssyncset.done $0x0  }
0xa0: {  	[sflag:s22] =	ssyncadd.s32 s4;
	_ =	sdelay $0x1  }
0xa1: {  	s23 =	simm.s32 $0x1B8B  }
0xa2: {  	_ =	swait.ge [sflag:s23], $0x1  }
0xa3: {  	[sflag:s23] =	ssyncset.done $0x0  }
0xa4: {  	s25 =	simm.s32 $0x1B8E;
	s24 =	sld [smem:$0x3FFE];
	[sflag:s23] =	ssyncadd.s32 $0xFFFFFFFF  }
0xa5: {  	s26 =	simm.s32 $execute0_lowered;
	[smem:$0x3FD2] =	sst s25  }
0xa6: {  	s5 =	sshll.u32 s26, $0x1;
	_ =	strace $0x8000004C;
	[dreg:$0x1] =	wrdreg $0xFFFFFFFF  }
0xa7: {  	s28 =	simm.s32 $_size_execute0_lowered;
	s3 =	sadd.s32 s3, s5;
	[dreg:$0x0] =	wrdreg $0x0  }
0xa8: {  	s5 =	sshll.u32 s28, $0x1;
	[dreg:$0x2] =	wrdreg s3  }
0xa9: {  	[dreg:$0x3] =	wrdreg s5  }
0xaa: {  	[dreg:$0x4] =	wrdreg $0xC0  }
0xab: {  	_ =	task [dreg:s7], $0x5FFFF  }
0xac: {  	[dreg:$0x1] =	wrdreg $0xFFFFFFFF  }
0xad: {  	[dreg:$0x0] =	wrdreg $0x60  }
0xae: {  	[dreg:$0x2] =	wrdreg s2  }
0xaf: {  	[dreg:$0x3] =	wrdreg s24  }
0xb0: {  	[dreg:$0x4] =	wrdreg $0x90000  }
0xb1: {  	[dreg:$0x5] =	wrdreg $0x9  }
0xb2: {  	_ =	task.clear_ibuf [dreg:s7], $0x6FFFF;
	_ =	strace $0x9000004C  }
0xb3: {  	s29 =	simm.s32 $0x9;
	_ =	strace $0x8000004E  }
0xb4: {  	_ =	swait.ge [sflag:s29], $0x1  }
0xb5: {  	[sflag:s29] =	ssyncadd.s32 $0xFFFFFFFF  }
0xb6: {  	_ =	strace $0x9000004E  }
0xb7: {  	_ =	sfence  }
0xb8: {  	s30 =	sld [smem:$0x0];
	_ =	sdelay $0x2  }
0xb9: {  	s31 =	sshll.u32 s1, $0xD;
	s1 =	sshrl.u32 s1, $0x2  }
0xba: {  	s3 =	sand.u32 $0x4000, s31;
	s1 =	sadd.s32 s1, s30  }
0xbb: {  	s0 =	sor.u32 s3, s0;
	s1 =	sshll.u32 s1, $0x11  }
0xbc: {  	s0 =	sor.u32 s1, s0  }
0xbd: {  	s0 =	sadd.s32 $0x8F2B, s0  }
0xbe: {  	[sflag:s0] =	ssyncadd.remote.s32 $0x1  }
0xbf: {  	_ =	sfence.sel $0xFFFF  }
0xc0: {  	[dreg:$0x0] =	wrdreg $0xFFFFFFFF;
	(pc) =	sbr.abs _section_cstart, $3  }
0xc1: {  	[dreg:$0x1] =	wrdreg $0xFFFFFFFF  }
0xc2: {  	_ =	task.clear_ibuf [dreg:s7], $0x2FFFF;
	_ =	strace $0x9FFFFFFF  }
0xc3: {  	(tm) =	ssettm $0x7FFFFFFF  }
tec
execute0_lowered:
.L_overlay_start_1:
0x0: {  	(tag) =	ssettag $0x1  }
0x1: {  	s1 =	rddreg [dreg:$0x0]  }
0x2: {  	s6 =	rddreg [dreg:$0x1]  }
0x3: {  	s0 =	srdreg.scid;
	s3 =	rddreg [dreg:$0x2];
	s4 =	simm.s32 $0x0  }
0x4: {  	s22 =	simm.s32 $0x80;
	s9 =	sand.u32 $0x1, s0;
	s0 =	stileid.u32  }
0x5: {  	s23 =	simm.s32 $0x1;
	s24 =	simm.s32 $0x0;
	s10 =	smul.u32 $0x50000, s0  }
0x6: {  	[smem:$0x7FF] =	sst s4;
	s17 =	sadd.s32 $0xDC00, s6;
	s12 =	smul.u32 $0x14000, s0  }
0x7: {  	s2 =	sshll.u32 s9, $0x4;
	s8 =	ssub.s32 $0x2, s9;
	s19 =	smul.u32 $0x140000, s9  }
0x8: {  	s5 =	sor.u32 s0, s2;
	s2 =	rddreg [dreg:$0x3];
	s30 =	sshrl.u32 s8, $0x1  }
0x9: {  	_ =	strace $0x8000004D;
	s5 =	smul.u32 $0x500, s5;
	s18 =	ssub.s32 s8, s30  }
0xa: {  	s31 =	sshrl.u32 s10, $0x2;
	s13 =	sadd.s32 $0x4000, s12;
	s15 =	sadd.s32 $0x8000, s12  }
0xb: {  	s16 =	sadd.s32 $0xC000, s12;
	s20 =	sadd.s32 $0x10000, s12;
	s14 =	sadd.s32 s12, s19  }
0xc: {  	s8 =	sadd.s32 s31, s3;
	s9 =	sadd.s32 s13, s3;
	s10 =	sadd.s32 s15, s3  }
0xd: {  	s11 =	sadd.s32 s16, s3;
	s13 =	sadd.s32 s19, s13;
	s12 =	sadd.s32 s20, s3  }
0xe: {  	s14 =	sshrl.u32 s14, $0x3;
	s15 =	sadd.s32 s19, s15;
	s16 =	sadd.s32 s19, s16  }
0xf: {  	s19 =	sadd.s32 s19, s20;
	s18 =	smax.u32 s18, $0x1;
	s20 =	simm.s32 $0x2800  }
0x10: {  	s7 =	sadd.s32 s5, s6;
	s5 =	sadd.s32 $0xD400, s6;
	s21 =	sshrl.u32 s13, $0x3  }
0x11: {  	s13 =	sadd.s32 s17, s14;
	s15 =	sshrl.u32 s15, $0x3;
	s16 =	sshrl.u32 s16, $0x3  }
0x12: {  	s19 =	sshrl.u32 s19, $0x3;
	s6 =	sadd.s32 $0x5DC00, s7;
	s7 =	sadd.s32 $0x3400, s7  }
0x13: {  	s14 =	sadd.s32 s17, s21;
	s15 =	sadd.s32 s17, s15;
	s16 =	sadd.s32 s17, s16  }
0x14: {  	s17 =	sadd.s32 s17, s19;
	s19 =	simm.s32 $0x2;
	s21 =	simm.s32 $0x5000  }
.LBB2_1:
0x15: {  	[tilespmem:s4], [sflag:$0x2] =	stream.linear.gather [hbm4b:s6+s4], $0x2780, $0x38;
	[tilespmem:$0x1D000] =	vst v63  }
0x16: {  	_ =	swait.ge [sflag:s19], $0x2780  }
0x17: {  	[sflag:s19] =	ssyncset.done $0x0  }
0x18: {  	[sflag:s19] =	ssyncadd.s32 $0xFFFFD880  }
0x19: {  	[tilespmem:s20], [sflag:$0x2] =	stream.linear.gather [hbm4b:s7+s4], $0x2780, $0x38;
	[tilespmem:$0x1D000] =	vst v63  }
0x1a: {  	_ =	swait.ge [sflag:s19], $0x2780  }
0x1b: {  	[sflag:s19] =	ssyncset.done $0x0  }
0x1c: {  	[sflag:s19] =	ssyncadd.s32 $0xFFFFD880  }
0x1d: {  	[tilespmem:s21], [sflag:$0x2] =	stream.linear.gather [hbm4b:s5+s4], $0x4000, $0x38;
	[tilespmem:$0x1D000] =	vst v63  }
0x1e: {  	_ =	swait.ge [sflag:s19], $0x4000  }
0x1f: {  	[sflag:s19] =	ssyncset.done $0x0  }
0x20: {  	[sflag:s19] =	ssyncadd.s32 $0xFFFFC000  }
0x21: {  	[spmem:s8] =	stream.linear.scatter [tilespmem:s21], [sflag:$0x2], $0x4000, $0x38;
	[tilespmem:$0x1D000] =	vst v63  }
0x22: {  	_ =	swait.ge [sflag:s19], $0x4000  }
0x23: {  	[sflag:s19] =	ssyncset.done $0x0  }
0x24: {  	[sflag:s19] =	ssyncadd.s32 $0xFFFFC000  }
0x25: {  	[spmem:s9] =	stream.linear.scatter [tilespmem:s21], [sflag:$0x2], $0x4000, $0x38;
	[tilespmem:$0x1D000] =	vst v63  }
0x26: {  	_ =	swait.ge [sflag:s19], $0x4000  }
0x27: {  	[sflag:s19] =	ssyncset.done $0x0  }
0x28: {  	[sflag:s19] =	ssyncadd.s32 $0xFFFFC000  }
0x29: {  	[spmem:s10] =	stream.linear.scatter [tilespmem:s21], [sflag:$0x2], $0x4000, $0x38;
	[tilespmem:$0x1D000] =	vst v63  }
0x2a: {  	_ =	swait.ge [sflag:s19], $0x4000  }
0x2b: {  	[sflag:s19] =	ssyncset.done $0x0  }
0x2c: {  	[sflag:s19] =	ssyncadd.s32 $0xFFFFC000  }
0x2d: {  	[spmem:s11] =	stream.linear.scatter [tilespmem:s21], [sflag:$0x2], $0x4000, $0x38;
	[tilespmem:$0x1D000] =	vst v63  }
0x2e: {  	_ =	swait.ge [sflag:s19], $0x4000  }
0x2f: {  	[sflag:s19] =	ssyncset.done $0x0  }
0x30: {  	[sflag:s19] =	ssyncadd.s32 $0xFFFFC000  }
0x31: {  	[spmem:s12] =	stream.linear.scatter [tilespmem:s21], [sflag:$0x2], $0x4000, $0x38;
	[tilespmem:$0x1D000] =	vst v63  }
0x32: {  	_ =	swait.ge [sflag:s19], $0x4000  }
0x33: {  	[sflag:s19] =	ssyncset.done $0x0  }
0x34: {  	[sflag:s19] =	ssyncadd.s32 $0xFFFFC000  }
0x35: {  	s25 =	simm.s32 $0x0;
	[bflag:$0x0] =	sbarrier.arrive $0xFFFF  }
0x36: {  	[tilespmem:s21], [sflag:$0x1] =	stream.indirect.gather [hbm4b:s1+s22], $0x80, s25, s22, $0xb8;
	[tilespmem:$0x1D000] =	vst v63  }
0x37: {  	_ =	swait.ge [sflag:s23], $0x4000  }
0x38: {  	[sflag:s23] =	ssyncset.done $0x0  }
0x39: {  	s31 =	simm.s32 $0x2800;
	[sflag:s23] =	ssyncadd.s32 $0xFFFFC000  }
0x3a: {  	[spmem:s3] =	stream.indirect.scatter.add.f32 [tilespmem:s21], [sflag:$0x2], $0x80, s31, s22, $0xb8;
	[tilespmem:$0x1D000] =	vst v63  }
0x3b: {  	_ =	swait.ge [sflag:s19], $0x4000  }
0x3c: {  	s26 =	simm.s32 $0x400;
	s25 =	simm.s32 $0x200;
	[sflag:s19] =	ssyncset.done $0x0  }
.LBB2_2:
0x3d: {  	s28 =	sshra.s32 s25, $0x2  }
0x3e: {  	[sflag:s19] =	ssyncadd.s32 $0xFFFFC000;
	s25 =	smov.u32 s26;
	s29 =	sadd.s32 $0x200, s26  }
0x3f: {  	[tilespmem:s21], [sflag:$0x1] =	stream.indirect.gather [hbm4b:s1+s22], $0x80, s28, s22, $0xb8;
	[tilespmem:$0x1D000] =	vst v63  }
0x40: {  	p0 =	sne.s32 s26, $0x9C00;
	_ =	swait.ge [sflag:s23], $0x4000  }
.Ltmp0:
0x41: {  	[sflag:s23] =	ssyncset.done $0x0;
	(pc) =	sbr.rel @p0 .LBB2_2-.Ltmp0, $4  }
0x42: {  	s26 =	sadd.s32 $0x2800, s28;
	[sflag:s23] =	ssyncadd.s32 $0xFFFFC000  }
0x43: {  	[spmem:s3] =	stream.indirect.scatter.add.f32 [tilespmem:s21], [sflag:$0x2], $0x80, s26, s22, $0xb8;
	[tilespmem:$0x1D000] =	vst v63  }
0x44: {  	_ =	swait.ge [sflag:s19], $0x4000  }
0x45: {  	s26 =	smov.u32 s29;
	[sflag:s19] =	ssyncset.done $0x0  }
0x46: {  	s25 =	sshra.s32 s25, $0x2;
	[sflag:s19] =	ssyncadd.s32 $0xFFFFC000  }
0x47: {  	[tilespmem:s21], [sflag:$0x1] =	stream.indirect.gather [hbm4b:s1+s22], $0x80, s25, s22, $0xb8;
	[tilespmem:$0x1D000] =	vst v63  }
0x48: {  	_ =	swait.ge [sflag:s23], $0x4000  }
0x49: {  	[sflag:s23] =	ssyncset.done $0x0  }
0x4a: {  	s25 =	sadd.s32 $0x2800, s25;
	[sflag:s23] =	ssyncadd.s32 $0xFFFFC000  }
0x4b: {  	[spmem:s3] =	stream.indirect.scatter.add.f32 [tilespmem:s21], [sflag:$0x2], $0x80, s25, s22, $0xb8;
	[tilespmem:$0x1D000] =	vst v63  }
0x4c: {  	_ =	swait.ge [sflag:s19], $0x4000  }
0x4d: {  	[sflag:s19] =	ssyncset.done $0x0  }
0x4e: {  	s26 =	sshll.u32 s0, $0x6;
	[sflag:s19] =	ssyncadd.s32 $0xFFFFC000  }
0x4f: {  	s25 =	sor.u32 $0x1C02, s26;
	s26 =	sshrl.u32 s8, $0x3;
	[bflag:$0x0] =	sbarrier.arrive $0xFFFF  }
0x50: {  	[hbm:s13], [sflag:s25] =	dma.local [spmem:s26], $0x800  }
0x51: {  	_ =	swait.ge [sflag:s19], $0x800  }
0x52: {  	[sflag:s19] =	ssyncset.done $0x0  }
0x53: {  	s28 =	sshrl.u32 s9, $0x3;
	[sflag:s19] =	ssyncadd.s32 $0xFFFFF800  }
0x54: {  	[hbm:s14], [sflag:s25] =	dma.local [spmem:s28], $0x800  }
0x55: {  	_ =	swait.ge [sflag:s19], $0x800  }
0x56: {  	[sflag:s19] =	ssyncset.done $0x0  }
0x57: {  	s29 =	sshrl.u32 s10, $0x3;
	[sflag:s19] =	ssyncadd.s32 $0xFFFFF800  }
0x58: {  	[hbm:s15], [sflag:s25] =	dma.local [spmem:s29], $0x800  }
0x59: {  	_ =	swait.ge [sflag:s19], $0x800  }
0x5a: {  	[sflag:s19] =	ssyncset.done $0x0  }
0x5b: {  	s30 =	sshrl.u32 s11, $0x3;
	[sflag:s19] =	ssyncadd.s32 $0xFFFFF800  }
0x5c: {  	[hbm:s16], [sflag:s25] =	dma.local [spmem:s30], $0x800  }
0x5d: {  	s24 =	sadd.s32 $0x1, s24;
	_ =	swait.ge [sflag:s19], $0x800  }
0x5e: {  	p0 =	sne.s32 s24, s18;
	[sflag:s19] =	ssyncset.done $0x0  }
.Ltmp1:
0x5f: {  	s31 =	sshrl.u32 s12, $0x3;
	[sflag:s19] =	ssyncadd.s32 $0xFFFFF800;
	(pc) =	sbr.rel @p0 .LBB2_1-.Ltmp1, $4  }
0x60: {  	[hbm:s17], [sflag:s25] =	dma.local [spmem:s31], $0x800  }
0x61: {  	_ =	swait.ge [sflag:s19], $0x800  }
0x62: {  	[sflag:s19] =	ssyncset.done $0x0  }
0x63: {  	[sflag:s19] =	ssyncadd.s32 $0xFFFFF800  }
0x64: {  	_ =	sfence.sel $0x180000  }
0x65: {  	[bflag:$0x0] =	sbarrier.arrive $0xFFFF  }
0x66: {  	p0 =	sne.s32 s0, $0x0;
	_ =	strace $0x9000004D  }
0x67: {  	s0 =	sadd.s32 @!p0 $0x100000, s2;
	[bflag:$0x2] =	sbarrier.arrive $0xFFFF  }
0x68: {  	[sflag:s0] =	ssyncadd.tile.s32 @!p0 $0x1;
	_ =	shalt  }
.Lfunc_end2:
_tile_overlayer_lowered:
.L_overlay_start_2:
0x69: {  	(tag) =	ssettag $0x2  }
0x6a: {  	s0 =	rddreg [dreg:$0x0];
	s2 =	stileid.u32  }
0x6b: {  	s1 =	rddreg [dreg:$0x1];
	p0 =	sne.s32 s2, $0x0  }
0x6c: {  	s3 =	rddreg [dreg:$0x2];
	[bflag:$0x3] =	sbarrier.arrive $0xFFFF;
	s2 =	simm.s32 @!p0 $0x1C02  }
0x6d: {  	[timem:s3], [sflag:s2] =	dma.local @!p0 [hbm:s0], s1  }
0x6e: {  	s0 =	simm.s32 @!p0 $0x2  }
0x6f: {  	_ =	swait.ge @!p0 [sflag:s0], s1  }
0x70: {  	s1 =	ssub.s32 @!p0 $0x0, s1;
	[sflag:s0] =	ssyncset.done @!p0 $0x0  }
0x71: {  	[sflag:s0] =	ssyncadd.s32 @!p0 s1  }
0x72: {  	[bflag:$0x3] =	sbarrier.arrive $0xFFFF  }
0x73: {  	_ =	shalt  }

// kernel: kernel.19.cloned.1.call-start
scs
__scs_entry_jumppad:
0x0: {  	(pc) =	sbr.rel $0x88, $3  }
0x1: {  	(tag) =	ssettag $0x0;
	lr =	simm.s32 $0x1  }
0x2: {  	[smem:$0x3F99] =	sst lr;
	_ =	strace $0xD0000000  }
0x3: {  	_ = 	snop  }
0x4: {  	_ = 	snop  }
0x5: {  	_ = 	snop  }
0x6: {  	_ = 	snop  }
0x7: {  	_ = 	snop  }
__scs_overlays_trampoline_lowered:
0x8: {  	[smem:$0x3FA8] =	sst s0  }
0x9: {  	[smem:$0x3FA9] =	sst s1  }
0xa: {  	[smem:$0x3FAA] =	sst s2  }
0xb: {  	[smem:$0x3FAB] =	sst s3  }
0xc: {  	[smem:$0x3FAC] =	sst s4  }
0xd: {  	[smem:$0x3FAD] =	sst s5  }
0xe: {  	[smem:$0x3FAE] =	sst s6  }
0xf: {  	[smem:$0x3FAF] =	sst s7  }
0x10: {  	[smem:$0x3FB0] =	sst s8  }
0x11: {  	[smem:$0x3FB1] =	sst s9;
	s0 =	simm.s32 @!p0 $0x0  }
0x12: {  	s1 =	sld [smem:$0x3F97];
	s0 =	simm.s32 @p0 $0x1  }
0x13: {  	[smem:$0x3FB2] =	sst s0;
	s0 =	simm.s32 @!p1 $0x0  }
0x14: {  	s2 =	sld [smem:$0x3F96];
	s0 =	simm.s32 @p1 $0x1  }
0x15: {  	[smem:$0x3FB3] =	sst s0;
	s0 =	simm.s32 @!p2 $0x0  }
0x16: {  	s3 =	sld [smem:$0x3FDB];
	s0 =	simm.s32 @p2 $0x1  }
0x17: {  	s4 =	simm.s32 $0x1BF5;
	[smem:$0x3FB5] =	sst s0  }
0x18: {  	s0 =	sld [smem:$0x3F98];
	_ =	swait.ge [sflag:s4], $0x0  }
0x19: {  	s7 =	sld [smem:$0x3F99]  }
0x1a: {  	s8 =	sadd.s32 $0xFFFFE003, lr  }
0x1b: {  	s9 =	sadd.s32 $0xFFFFFEF7, lr;
	s5 =	simm.s32 $0xFFFFFFFF;
	p2 =	slt.u32 s8, $0xFFFFF086  }
0x1c: {  	p1 =	slt.u32 s9, $0xF7A;
	s5 =	simm.s32 @!p2 $0x0  }
0x1d: {  	s5 =	simm.s32 @p1 $0x1;
	p0 =	seq.s32 s7, s2  }
0x1e: {  	s7 =	smul.u32 @!p0 $0xF7A, s2;
	p2 =	seq.s32 @!p0 s5, $0x0  }
0x1f: {  	s9 =	smul.u32 $0xF7A, s1;
	s8 =	simm.s32 @!p0 $0x1BF5;
	p2 =	por !p2, p0  }
0x20: {  	[sflag:s8] =	ssyncset.s32 @!p0 $0xFFFFF086;
	s6 =	sadd.s32 @!p0 s3, s7;
	s7 =	simm.s32 @!p0 $0x108  }
0x21: {  	s3 =	sadd.s32 s3, s9;
	s6 =	sadd.s32 @!p0 $0x88, s6;
	s7 =	simm.s32 @p2 $0x1082  }
0x22: {  	[simem:s7], [sflag:s8] =	dma.local @!p0 [hbm:s6], $0xF7A  }
0x23: {  	s9 =	sor.u32 $0xD0000000, s2;
	s6 =	simm.s32 $0x108;
	_ =	swait.ge @!p0 [sflag:s8], $0x0  }
0x24: {  	s3 =	sadd.s32 $0x88, s3;
	s6 =	simm.s32 @!p1 $0x1082;
	[sflag:s4] =	ssyncset.s32 $0xFFFFF086  }
0x25: {  	[simem:s6], [sflag:s4] =	dma.local [hbm:s3], $0xF7A  }
0x26: {  	[smem:$0x3F99] =	sst s1;
	(tag) =	ssettag s2;
	_ =	strace s9  }
0x27: {  	s1 =	sld [smem:$0x3FA9]  }
0x28: {  	s2 =	sld [smem:$0x3FAA]  }
0x29: {  	s4 =	sld [smem:$0x3FAC]  }
0x2a: {  	p0 =	seq.s32 s5, $0x0;
	s5 =	sld [smem:$0x3FAD]  }
0x2b: {  	s6 =	sld [smem:$0x3FAE]  }
0x2c: {  	s7 =	sld [smem:$0x3FAF]  }
0x2d: {  	s3 =	simm.s32 $0x108;
	s8 =	sld [smem:$0x3FB0]  }
0x2e: {  	s3 =	simm.s32 @!p0 $0x1082;
	s9 =	sld [smem:$0x3FB1]  }
0x2f: {  	lr =	sadd.s32 s0, s3;
	s0 =	sld [smem:$0x3FA8]  }
0x30: {  	s3 =	sld [smem:$0x3FAB]  }
0x31: {  	[smem:$0x3FB4] =	sst s10  }
0x32: {  	s10 =	sld [smem:$0x3FB2];
	_ =	sdelay $0x3  }
0x33: {  	p0 =	seq.s32 s10, $0x1;
	s10 =	sld [smem:$0x3FB4];
	_ =	sdelay $0x3  }
0x34: {  	[smem:$0x3FB4] =	sst s10  }
0x35: {  	s10 =	sld [smem:$0x3FB3];
	_ =	sdelay $0x3  }
0x36: {  	p1 =	seq.s32 s10, $0x1;
	s10 =	sld [smem:$0x3FB4];
	_ =	sdelay $0x3  }
0x37: {  	[smem:$0x3FB4] =	sst s10  }
0x38: {  	s10 =	sld [smem:$0x3FB5]  }
0x39: {  	_ = 	snop;
	(pc) =	sbr.ind lr, $3  }
0x3a: {  	_ = 	snop  }
0x3b: {  	_ = 	snop  }
0x3c: {  	p2 =	seq.s32 s10, $0x1;
	s10 =	sld [smem:$0x3FB4]  }
0x3d: {  	_ =	shalt  }
0x3e: {  	_ =	shalt  }
0x3f: {  	_ =	shalt  }
0x40: {  	_ =	shalt  }
0x41: {  	_ =	shalt  }
0x42: {  	_ =	shalt  }
0x43: {  	_ =	shalt  }
0x44: {  	_ =	shalt  }
0x45: {  	_ =	shalt  }
0x46: {  	_ =	shalt  }
0x47: {  	_ =	shalt  }
0x48: {  	_ =	shalt  }
0x49: {  	_ =	shalt  }
0x4a: {  	_ =	shalt  }
0x4b: {  	_ =	shalt  }
0x4c: {  	_ =	shalt  }
0x4d: {  	_ =	shalt  }
0x4e: {  	_ =	shalt  }
0x4f: {  	_ =	shalt  }
0x50: {  	_ =	shalt  }
0x51: {  	_ =	shalt  }
0x52: {  	_ =	shalt  }
0x53: {  	_ =	shalt  }
0x54: {  	_ =	shalt  }
0x55: {  	_ =	shalt  }
0x56: {  	_ =	shalt  }
0x57: {  	_ =	shalt  }
0x58: {  	_ =	shalt  }
0x59: {  	_ =	shalt  }
0x5a: {  	_ =	shalt  }
0x5b: {  	_ =	shalt  }
0x5c: {  	_ =	shalt  }
0x5d: {  	_ =	shalt  }
0x5e: {  	_ =	shalt  }
0x5f: {  	_ =	shalt  }
0x60: {  	_ =	shalt  }
0x61: {  	_ =	shalt  }
0x62: {  	_ =	shalt  }
0x63: {  	_ =	shalt  }
0x64: {  	_ =	shalt  }
0x65: {  	_ =	shalt  }
0x66: {  	_ =	shalt  }
0x67: {  	_ =	shalt  }
0x68: {  	_ =	shalt  }
0x69: {  	_ =	shalt  }
0x6a: {  	_ =	shalt  }
0x6b: {  	_ =	shalt  }
0x6c: {  	_ =	shalt  }
0x6d: {  	_ =	shalt  }
0x6e: {  	_ =	shalt  }
0x6f: {  	_ =	shalt  }
0x70: {  	_ =	shalt  }
0x71: {  	_ =	shalt  }
0x72: {  	_ =	shalt  }
0x73: {  	_ =	shalt  }
0x74: {  	_ =	shalt  }
0x75: {  	_ =	shalt  }
0x76: {  	_ =	shalt  }
0x77: {  	_ =	shalt  }
0x78: {  	_ =	shalt  }
0x79: {  	_ =	shalt  }
0x7a: {  	_ =	shalt  }
0x7b: {  	_ =	shalt  }
0x7c: {  	_ =	shalt  }
0x7d: {  	_ =	shalt  }
0x7e: {  	_ =	shalt  }
0x7f: {  	_ =	shalt  }
0x80: {  	_ =	shalt  }
0x81: {  	_ =	shalt  }
0x82: {  	_ =	shalt  }
0x83: {  	_ =	shalt  }
0x84: {  	_ =	shalt  }
0x85: {  	_ =	shalt  }
0x86: {  	_ =	shalt  }
0x87: {  	_ =	shalt  }
.Lfunc_end0:
.L_simem_size_0:
called_computation.3_lowered:
.L_overlay_start_0:
0x88: {  	s2 =	sld [smem:$0x3FD9]  }
0x89: {  	s3 =	sld [smem:$0x3FFE];
	_ =	sdelay $0x1  }
0x8a: {  	s1 =	srdreg.scid  }
0x8b: {  	s0 =	sand.u32 $0x1, s1  }
0x8c: {  	s17 =	sshll.u32 s0, $0xA;
	s2 =	sadd.s32 s3, s2  }
0x8d: {  	s2 =	sadd.s32 s2, s17  }
0x8e: {  	[smem:$0x3FC0] =	sst s2  }
0x8f: {  	_ = 	snop  }
0x90: {  	s2 =	sld [smem:$0x3FD0];
	(tm) =	ssettm $0x1  }
0x91: {  	s18 =	sld [smem:$0x3FFB];
	_ =	sdelay $0x3  }
0x92: {  	_ =	strace s18  }
0x93: {  	s3 =	sld [smem:$0x3FFC];
	_ =	sdelay $0x3  }
0x94: {  	_ =	strace s3  }
0x95: {  	s3 =	sld [smem:$0x3FFD];
	_ =	sdelay $0x3  }
0x96: {  	_ =	strace s3  }
0x97: {  	_ =	strace $0x8FFFFFFF  }
0x98: {  	s19 =	sld [smem:$0x3FDB];
	_ =	sdelay $0x1  }
0x99: {  	s4 =	simm.s32 $_scs_section_size  }
0x9a: {  	s5 =	simm.s32 $_size__tile_overlayer_lowered;
	s6 =	simm.s32 $_tile_overlayer_lowered  }
0x9b: {  	s22 =	simm.s32 $0x1BFF;
	s21 =	sshll.u32 s6, $0x1;
	s3 =	sadd.s32 s4, s19  }
0x9c: {  	s7 =	simm.s32 $0x0;
	s20 =	sshll.u32 s5, $0x1;
	s5 =	sadd.s32 s21, s3  }
0x9d: {  	[timem:s7], [sflag:s22] =	dma.local [hbm:s5], s20  }
0x9e: {  	_ =	swait.ge [sflag:s22], s20  }
0x9f: {  	s4 =	ssub.s32 $0x0, s20;
	[sflag:s22] =	ssyncset.done $0x0  }
0xa0: {  	[sflag:s22] =	ssyncadd.s32 s4;
	_ =	sdelay $0x1  }
0xa1: {  	s23 =	simm.s32 $0x1B8B  }
0xa2: {  	_ =	swait.ge [sflag:s23], $0x1  }
0xa3: {  	[sflag:s23] =	ssyncset.done $0x0  }
0xa4: {  	s25 =	simm.s32 $0x1B8E;
	s24 =	sld [smem:$0x3FFE];
	[sflag:s23] =	ssyncadd.s32 $0xFFFFFFFF  }
0xa5: {  	s26 =	simm.s32 $execute0_lowered;
	[smem:$0x3FD2] =	sst s25  }
0xa6: {  	s5 =	sshll.u32 s26, $0x1;
	_ =	strace $0x8000004F;
	[dreg:$0x1] =	wrdreg $0xFFFFFFFF  }
0xa7: {  	s28 =	simm.s32 $_size_execute0_lowered;
	s3 =	sadd.s32 s3, s5;
	[dreg:$0x0] =	wrdreg $0x0  }
0xa8: {  	s5 =	sshll.u32 s28, $0x1;
	[dreg:$0x2] =	wrdreg s3  }
0xa9: {  	[dreg:$0x3] =	wrdreg s5  }
0xaa: {  	[dreg:$0x4] =	wrdreg $0xC0  }
0xab: {  	_ =	task [dreg:s7], $0x5FFFF  }
0xac: {  	[dreg:$0x1] =	wrdreg $0xFFFFFFFF  }
0xad: {  	[dreg:$0x0] =	wrdreg $0x60  }
0xae: {  	[dreg:$0x2] =	wrdreg s2  }
0xaf: {  	[dreg:$0x3] =	wrdreg s24  }
0xb0: {  	[dreg:$0x4] =	wrdreg $0x90000  }
0xb1: {  	[dreg:$0x5] =	wrdreg $0x9  }
0xb2: {  	_ =	task.clear_ibuf [dreg:s7], $0x6FFFF;
	_ =	strace $0x9000004F  }
0xb3: {  	s29 =	simm.s32 $0x9;
	_ =	strace $0x80000051  }
0xb4: {  	_ =	swait.ge [sflag:s29], $0x1  }
0xb5: {  	[sflag:s29] =	ssyncadd.s32 $0xFFFFFFFF  }
0xb6: {  	_ =	strace $0x90000051  }
0xb7: {  	_ =	sfence  }
0xb8: {  	s30 =	sld [smem:$0x0];
	_ =	sdelay $0x2  }
0xb9: {  	s31 =	sshll.u32 s1, $0xD;
	s1 =	sshrl.u32 s1, $0x2  }
0xba: {  	s3 =	sand.u32 $0x4000, s31;
	s1 =	sadd.s32 s1, s30  }
0xbb: {  	s0 =	sor.u32 s3, s0;
	s1 =	sshll.u32 s1, $0x11  }
0xbc: {  	s0 =	sor.u32 s1, s0  }
0xbd: {  	s0 =	sadd.s32 $0x8F2B, s0  }
0xbe: {  	[sflag:s0] =	ssyncadd.remote.s32 $0x1  }
0xbf: {  	_ =	sfence.sel $0xFFFF  }
0xc0: {  	[dreg:$0x0] =	wrdreg $0xFFFFFFFF;
	(pc) =	sbr.abs _section_cstart, $3  }
0xc1: {  	[dreg:$0x1] =	wrdreg $0xFFFFFFFF  }
0xc2: {  	_ =	task.clear_ibuf [dreg:s7], $0x2FFFF;
	_ =	strace $0x9FFFFFFF  }
0xc3: {  	(tm) =	ssettm $0x7FFFFFFF  }
tec
execute0_lowered:
.L_overlay_start_1:
0x0: {  	(tag) =	ssettag $0x1  }
0x1: {  	s1 =	rddreg [dreg:$0x0]  }
0x2: {  	s6 =	rddreg [dreg:$0x1]  }
0x3: {  	s0 =	srdreg.scid;
	s3 =	rddreg [dreg:$0x2];
	s4 =	simm.s32 $0x0  }
0x4: {  	s22 =	simm.s32 $0x80;
	s9 =	sand.u32 $0x1, s0;
	s0 =	stileid.u32  }
0x5: {  	s23 =	simm.s32 $0x1;
	s24 =	simm.s32 $0x0;
	s10 =	smul.u32 $0x50000, s0  }
0x6: {  	[smem:$0x7FF] =	sst s4;
	s17 =	sadd.s32 $0xDC00, s6;
	s12 =	smul.u32 $0x14000, s0  }
0x7: {  	s2 =	sshll.u32 s9, $0x4;
	s8 =	ssub.s32 $0x2, s9;
	s19 =	smul.u32 $0x140000, s9  }
0x8: {  	s5 =	sor.u32 s0, s2;
	s2 =	rddreg [dreg:$0x3];
	s30 =	sshrl.u32 s8, $0x1  }
0x9: {  	_ =	strace $0x80000050;
	s5 =	smul.u32 $0x500, s5;
	s18 =	ssub.s32 s8, s30  }
0xa: {  	s31 =	sshrl.u32 s10, $0x2;
	s13 =	sadd.s32 $0x4000, s12;
	s15 =	sadd.s32 $0x8000, s12  }
0xb: {  	s16 =	sadd.s32 $0xC000, s12;
	s20 =	sadd.s32 $0x10000, s12;
	s14 =	sadd.s32 s12, s19  }
0xc: {  	s8 =	sadd.s32 s31, s3;
	s9 =	sadd.s32 s13, s3;
	s10 =	sadd.s32 s15, s3  }
0xd: {  	s11 =	sadd.s32 s16, s3;
	s13 =	sadd.s32 s19, s13;
	s12 =	sadd.s32 s20, s3  }
0xe: {  	s14 =	sshrl.u32 s14, $0x3;
	s15 =	sadd.s32 s19, s15;
	s16 =	sadd.s32 s19, s16  }
0xf: {  	s19 =	sadd.s32 s19, s20;
	s18 =	smax.u32 s18, $0x1;
	s20 =	simm.s32 $0x2800  }
0x10: {  	s7 =	sadd.s32 s5, s6;
	s5 =	sadd.s32 $0xD400, s6;
	s21 =	sshrl.u32 s13, $0x3  }
0x11: {  	s13 =	sadd.s32 s17, s14;
	s15 =	sshrl.u32 s15, $0x3;
	s16 =	sshrl.u32 s16, $0x3  }
0x12: {  	s19 =	sshrl.u32 s19, $0x3;
	s6 =	sadd.s32 $0x5DC00, s7;
	s7 =	sadd.s32 $0x3400, s7  }
0x13: {  	s14 =	sadd.s32 s17, s21;
	s15 =	sadd.s32 s17, s15;
	s16 =	sadd.s32 s17, s16  }
0x14: {  	s17 =	sadd.s32 s17, s19;
	s19 =	simm.s32 $0x2;
	s21 =	simm.s32 $0x5000  }
.LBB2_1:
0x15: {  	[tilespmem:s4], [sflag:$0x2] =	stream.linear.gather [hbm4b:s6+s4], $0x2780, $0x38;
	[tilespmem:$0x1D000] =	vst v63  }
0x16: {  	_ =	swait.ge [sflag:s19], $0x2780  }
0x17: {  	[sflag:s19] =	ssyncset.done $0x0  }
0x18: {  	[sflag:s19] =	ssyncadd.s32 $0xFFFFD880  }
0x19: {  	[tilespmem:s20], [sflag:$0x2] =	stream.linear.gather [hbm4b:s7+s4], $0x2780, $0x38;
	[tilespmem:$0x1D000] =	vst v63  }
0x1a: {  	_ =	swait.ge [sflag:s19], $0x2780  }
0x1b: {  	[sflag:s19] =	ssyncset.done $0x0  }
0x1c: {  	[sflag:s19] =	ssyncadd.s32 $0xFFFFD880  }
0x1d: {  	[tilespmem:s21], [sflag:$0x2] =	stream.linear.gather [hbm4b:s5+s4], $0x4000, $0x38;
	[tilespmem:$0x1D000] =	vst v63  }
0x1e: {  	_ =	swait.ge [sflag:s19], $0x4000  }
0x1f: {  	[sflag:s19] =	ssyncset.done $0x0  }
0x20: {  	[sflag:s19] =	ssyncadd.s32 $0xFFFFC000  }
0x21: {  	[spmem:s8] =	stream.linear.scatter [tilespmem:s21], [sflag:$0x2], $0x4000, $0x38;
	[tilespmem:$0x1D000] =	vst v63  }
0x22: {  	_ =	swait.ge [sflag:s19], $0x4000  }
0x23: {  	[sflag:s19] =	ssyncset.done $0x0  }
0x24: {  	[sflag:s19] =	ssyncadd.s32 $0xFFFFC000  }
0x25: {  	[spmem:s9] =	stream.linear.scatter [tilespmem:s21], [sflag:$0x2], $0x4000, $0x38;
	[tilespmem:$0x1D000] =	vst v63  }
0x26: {  	_ =	swait.ge [sflag:s19], $0x4000  }
0x27: {  	[sflag:s19] =	ssyncset.done $0x0  }
0x28: {  	[sflag:s19] =	ssyncadd.s32 $0xFFFFC000  }
0x29: {  	[spmem:s10] =	stream.linear.scatter [tilespmem:s21], [sflag:$0x2], $0x4000, $0x38;
	[tilespmem:$0x1D000] =	vst v63  }
0x2a: {  	_ =	swait.ge [sflag:s19], $0x4000  }
0x2b: {  	[sflag:s19] =	ssyncset.done $0x0  }
0x2c: {  	[sflag:s19] =	ssyncadd.s32 $0xFFFFC000  }
0x2d: {  	[spmem:s11] =	stream.linear.scatter [tilespmem:s21], [sflag:$0x2], $0x4000, $0x38;
	[tilespmem:$0x1D000] =	vst v63  }
0x2e: {  	_ =	swait.ge [sflag:s19], $0x4000  }
0x2f: {  	[sflag:s19] =	ssyncset.done $0x0  }
0x30: {  	[sflag:s19] =	ssyncadd.s32 $0xFFFFC000  }
0x31: {  	[spmem:s12] =	stream.linear.scatter [tilespmem:s21], [sflag:$0x2], $0x4000, $0x38;
	[tilespmem:$0x1D000] =	vst v63  }
0x32: {  	_ =	swait.ge [sflag:s19], $0x4000  }
0x33: {  	[sflag:s19] =	ssyncset.done $0x0  }
0x34: {  	[sflag:s19] =	ssyncadd.s32 $0xFFFFC000  }
0x35: {  	s25 =	simm.s32 $0x0;
	[bflag:$0x0] =	sbarrier.arrive $0xFFFF  }
0x36: {  	[tilespmem:s21], [sflag:$0x1] =	stream.indirect.gather [hbm4b:s1+s22], $0x80, s25, s22, $0xb8;
	[tilespmem:$0x1D000] =	vst v63  }
0x37: {  	_ =	swait.ge [sflag:s23], $0x4000  }
0x38: {  	[sflag:s23] =	ssyncset.done $0x0  }
0x39: {  	s31 =	simm.s32 $0x2800;
	[sflag:s23] =	ssyncadd.s32 $0xFFFFC000  }
0x3a: {  	[spmem:s3] =	stream.indirect.scatter.add.f32 [tilespmem:s21], [sflag:$0x2], $0x80, s31, s22, $0xb8;
	[tilespmem:$0x1D000] =	vst v63  }
0x3b: {  	_ =	swait.ge [sflag:s19], $0x4000  }
0x3c: {  	s26 =	simm.s32 $0x400;
	s25 =	simm.s32 $0x200;
	[sflag:s19] =	ssyncset.done $0x0  }
.LBB2_2:
0x3d: {  	s28 =	sshra.s32 s25, $0x2  }
0x3e: {  	[sflag:s19] =	ssyncadd.s32 $0xFFFFC000;
	s25 =	smov.u32 s26;
	s29 =	sadd.s32 $0x200, s26  }
0x3f: {  	[tilespmem:s21], [sflag:$0x1] =	stream.indirect.gather [hbm4b:s1+s22], $0x80, s28, s22, $0xb8;
	[tilespmem:$0x1D000] =	vst v63  }
0x40: {  	p0 =	sne.s32 s26, $0x9C00;
	_ =	swait.ge [sflag:s23], $0x4000  }
.Ltmp0:
0x41: {  	[sflag:s23] =	ssyncset.done $0x0;
	(pc) =	sbr.rel @p0 .LBB2_2-.Ltmp0, $4  }
0x42: {  	s26 =	sadd.s32 $0x2800, s28;
	[sflag:s23] =	ssyncadd.s32 $0xFFFFC000  }
0x43: {  	[spmem:s3] =	stream.indirect.scatter.add.f32 [tilespmem:s21], [sflag:$0x2], $0x80, s26, s22, $0xb8;
	[tilespmem:$0x1D000] =	vst v63  }
0x44: {  	_ =	swait.ge [sflag:s19], $0x4000  }
0x45: {  	s26 =	smov.u32 s29;
	[sflag:s19] =	ssyncset.done $0x0  }
0x46: {  	s25 =	sshra.s32 s25, $0x2;
	[sflag:s19] =	ssyncadd.s32 $0xFFFFC000  }
0x47: {  	[tilespmem:s21], [sflag:$0x1] =	stream.indirect.gather [hbm4b:s1+s22], $0x80, s25, s22, $0xb8;
	[tilespmem:$0x1D000] =	vst v63  }
0x48: {  	_ =	swait.ge [sflag:s23], $0x4000  }
0x49: {  	[sflag:s23] =	ssyncset.done $0x0  }
0x4a: {  	s25 =	sadd.s32 $0x2800, s25;
	[sflag:s23] =	ssyncadd.s32 $0xFFFFC000  }
0x4b: {  	[spmem:s3] =	stream.indirect.scatter.add.f32 [tilespmem:s21], [sflag:$0x2], $0x80, s25, s22, $0xb8;
	[tilespmem:$0x1D000] =	vst v63  }
0x4c: {  	_ =	swait.ge [sflag:s19], $0x4000  }
0x4d: {  	[sflag:s19] =	ssyncset.done $0x0  }
0x4e: {  	s26 =	sshll.u32 s0, $0x6;
	[sflag:s19] =	ssyncadd.s32 $0xFFFFC000  }
0x4f: {  	s25 =	sor.u32 $0x1C02, s26;
	s26 =	sshrl.u32 s8, $0x3;
	[bflag:$0x0] =	sbarrier.arrive $0xFFFF  }
0x50: {  	[hbm:s13], [sflag:s25] =	dma.local [spmem:s26], $0x800  }
0x51: {  	_ =	swait.ge [sflag:s19], $0x800  }
0x52: {  	[sflag:s19] =	ssyncset.done $0x0  }
0x53: {  	s28 =	sshrl.u32 s9, $0x3;
	[sflag:s19] =	ssyncadd.s32 $0xFFFFF800  }
0x54: {  	[hbm:s14], [sflag:s25] =	dma.local [spmem:s28], $0x800  }
0x55: {  	_ =	swait.ge [sflag:s19], $0x800  }
0x56: {  	[sflag:s19] =	ssyncset.done $0x0  }
0x57: {  	s29 =	sshrl.u32 s10, $0x3;
	[sflag:s19] =	ssyncadd.s32 $0xFFFFF800  }
0x58: {  	[hbm:s15], [sflag:s25] =	dma.local [spmem:s29], $0x800  }
0x59: {  	_ =	swait.ge [sflag:s19], $0x800  }
0x5a: {  	[sflag:s19] =	ssyncset.done $0x0  }
0x5b: {  	s30 =	sshrl.u32 s11, $0x3;
	[sflag:s19] =	ssyncadd.s32 $0xFFFFF800  }
0x5c: {  	[hbm:s16], [sflag:s25] =	dma.local [spmem:s30], $0x800  }
0x5d: {  	s24 =	sadd.s32 $0x1, s24;
	_ =	swait.ge [sflag:s19], $0x800  }
0x5e: {  	p0 =	sne.s32 s24, s18;
	[sflag:s19] =	ssyncset.done $0x0  }
.Ltmp1:
0x5f: {  	s31 =	sshrl.u32 s12, $0x3;
	[sflag:s19] =	ssyncadd.s32 $0xFFFFF800;
	(pc) =	sbr.rel @p0 .LBB2_1-.Ltmp1, $4  }
0x60: {  	[hbm:s17], [sflag:s25] =	dma.local [spmem:s31], $0x800  }
0x61: {  	_ =	swait.ge [sflag:s19], $0x800  }
0x62: {  	[sflag:s19] =	ssyncset.done $0x0  }
0x63: {  	[sflag:s19] =	ssyncadd.s32 $0xFFFFF800  }
0x64: {  	_ =	sfence.sel $0x180000  }
0x65: {  	[bflag:$0x0] =	sbarrier.arrive $0xFFFF  }
0x66: {  	p0 =	sne.s32 s0, $0x0;
	_ =	strace $0x90000050  }
0x67: {  	s0 =	sadd.s32 @!p0 $0x100000, s2;
	[bflag:$0x2] =	sbarrier.arrive $0xFFFF  }
0x68: {  	[sflag:s0] =	ssyncadd.tile.s32 @!p0 $0x1;
	_ =	shalt  }
.Lfunc_end2:
_tile_overlayer_lowered:
.L_overlay_start_2:
0x69: {  	(tag) =	ssettag $0x2  }
0x6a: {  	s0 =	rddreg [dreg:$0x0];
	s2 =	stileid.u32  }
0x6b: {  	s1 =	rddreg [dreg:$0x1];
	p0 =	sne.s32 s2, $0x0  }
0x6c: {  	s3 =	rddreg [dreg:$0x2];
	[bflag:$0x3] =	sbarrier.arrive $0xFFFF;
	s2 =	simm.s32 @!p0 $0x1C02  }
0x6d: {  	[timem:s3], [sflag:s2] =	dma.local @!p0 [hbm:s0], s1  }
0x6e: {  	s0 =	simm.s32 @!p0 $0x2  }
0x6f: {  	_ =	swait.ge @!p0 [sflag:s0], s1  }
0x70: {  	s1 =	ssub.s32 @!p0 $0x0, s1;
	[sflag:s0] =	ssyncset.done @!p0 $0x0  }
0x71: {  	[sflag:s0] =	ssyncadd.s32 @!p0 s1  }
0x72: {  	[bflag:$0x3] =	sbarrier.arrive $0xFFFF  }
0x73: {  	_ =	shalt  }

</sc_bundles>
